<compile_context>
chip_gen: v7x
topology: tpu7x:2x2x1
jax: 0.10.2.dev20260603
libtpu: 0.0.44.dev20260713+nightly
codegen_flags: <defaults>
</compile_context>

<pallas_src>
import functools

import jax
import jax.numpy as jnp
from jax import lax
from jax.experimental import pallas as pl
from jax.experimental.pallas import tpu as pltpu
from jax.experimental.pallas import tpu_sc as plsc

N = 10000
E = 320000
T = 4
F = 128
STEPS = 2

NC, NS = 2, 16
NW = NC * NS
CH = 80
K = 128
EPT = K * CH
EPAD = NW * EPT
PAD = EPAD - E
REAL_LAST = EPT - PAD
ROWS = N + 112
RPT = ROWS // NS


def _sc_make_idx_body(et_hbm, ei_hbm, pad_hbm, idx_hbm, dstp_hbm,
                      et_v, idx_v, dst_v, sem):
    wid = lax.axis_index("s") * NC + lax.axis_index("c")
    base = wid * EPT

    def _fill(n_real):
        def body(i, carry):
            for u in range(4):
                sl = pl.ds(i * 64 + u * 16, 16)
                idx_v[sl] = idx_v[sl] + et_v[sl] * N
            return carry

        lax.fori_loop(0, n_real // 64, body, 0)

    @pl.when(wid < NW - 1)
    def _():
        pltpu.async_copy(et_hbm.at[pl.ds(base, EPT)], et_v, sem)
        pltpu.async_copy(ei_hbm.at[0, pl.ds(base, EPT)], idx_v, sem)
        pltpu.async_copy(ei_hbm.at[1, pl.ds(base, EPT)], dst_v, sem)
        pltpu.make_async_copy(et_hbm.at[pl.ds(base, EPT)], et_v, sem).wait()
        pltpu.make_async_copy(et_hbm.at[pl.ds(base, EPT)], idx_v, sem).wait()
        pltpu.make_async_copy(et_hbm.at[pl.ds(base, EPT)], dst_v, sem).wait()
        _fill(EPT)

    @pl.when(wid == NW - 1)
    def _():
        pltpu.async_copy(et_hbm.at[pl.ds(base, REAL_LAST)],
                         et_v.at[pl.ds(0, REAL_LAST)], sem)
        pltpu.async_copy(ei_hbm.at[0, pl.ds(base, REAL_LAST)],
                         idx_v.at[pl.ds(0, REAL_LAST)], sem)
        pltpu.async_copy(ei_hbm.at[1, pl.ds(base, REAL_LAST)],
                         dst_v.at[pl.ds(0, REAL_LAST)], sem)
        pltpu.async_copy(pad_hbm.at[0], idx_v.at[pl.ds(REAL_LAST, PAD)], sem)
        pltpu.async_copy(pad_hbm.at[1], dst_v.at[pl.ds(REAL_LAST, PAD)], sem)
        for _ in range(3):
            pltpu.make_async_copy(
                et_hbm.at[pl.ds(base, REAL_LAST)], et_v.at[pl.ds(0, REAL_LAST)],
                sem).wait()
        for _ in range(2):
            pltpu.make_async_copy(
                pad_hbm.at[0], idx_v.at[pl.ds(REAL_LAST, PAD)], sem).wait()
        _fill(REAL_LAST)

    pltpu.sync_copy(idx_v, idx_hbm.at[pl.ds(base, EPT)])
    pltpu.sync_copy(dst_v, dstp_hbm.at[pl.ds(base, EPT)])


def _sc_segsum_body(table_hbm, idx_hbm, dst_hbm, out_hbm,
                    idx_v, dst_v, rows_a, rows_b, acc_sh, sem):
    cid = lax.axis_index("c")
    sid = lax.axis_index("s")
    wid = sid * NC + cid
    base = wid * EPT
    r0 = sid * RPT

    zv = jnp.zeros((16,), jnp.float32)

    def zbody(i, carry):
        for u in range(8):
            rows_a[i, pl.ds(u * 16, 16)] = zv
        return carry

    lax.fori_loop(0, CH, zbody, 0)
    for q in range(RPT // CH):
        pltpu.sync_copy(rows_a, acc_sh.at[pl.ds(r0 + q * CH, CH)])
    _TAIL = RPT - (RPT // CH) * CH
    if _TAIL:
        pltpu.sync_copy(rows_a.at[pl.ds(0, _TAIL)],
                        acc_sh.at[pl.ds(r0 + (RPT // CH) * CH, _TAIL)])
    pltpu.sync_copy(idx_hbm.at[pl.ds(base, EPT)], idx_v)
    pltpu.sync_copy(dst_hbm.at[wid], dst_v)
    plsc.subcore_barrier()

    def _gather(j, buf):
        pltpu.async_copy(
            table_hbm.at[idx_v.at[pl.ds(j * CH, CH)]], buf, sem)

    def _wait(buf):
        pltpu.make_async_copy(
            table_hbm.at[idx_v.at[pl.ds(0, CH)]], buf, sem).wait()

    _gather(0, rows_a)
    _gather(1, rows_b)

    def stage(j, cur):
        _wait(cur)
        pltpu.sync_copy(cur, acc_sh.at[dst_v.at[j]], add=True)

        @pl.when(j + 2 < K)
        def _():
            _gather(j + 2, cur)

    def body(g, carry):
        j = g * 2
        stage(j, rows_a)
        stage(j + 1, rows_b)
        return carry

    lax.fori_loop(0, K // 2, body, 0)
    plsc.subcore_barrier()
    pltpu.sync_copy(acc_sh.at[pl.ds(r0, RPT)], out_hbm.at[cid, pl.ds(r0, RPT)])


@functools.cache
def _sc_kernels():
    mesh = plsc.VectorSubcoreMesh(core_axis_name="c", subcore_axis_name="s",
                                  num_cores=NC, num_subcores=NS)
    make_idx = pl.kernel(
        _sc_make_idx_body,
        out_type=(jax.ShapeDtypeStruct((EPAD,), jnp.int32),
                  jax.ShapeDtypeStruct((EPAD,), jnp.int32)),
        mesh=mesh,
        scratch_types=[
            pltpu.VMEM((EPT,), jnp.int32),
            pltpu.VMEM((EPT,), jnp.int32),
            pltpu.VMEM((EPT,), jnp.int32),
            pltpu.SemaphoreType.DMA,
        ],
    )
    segsum = pl.kernel(
        _sc_segsum_body,
        out_type=jax.ShapeDtypeStruct((NC, ROWS, F), jnp.float32),
        mesh=mesh,
        scratch_types=[
            pltpu.VMEM((EPT,), jnp.int32),
            pltpu.VMEM((K, CH), jnp.int32),
            pltpu.VMEM((CH, F), jnp.float32),
            pltpu.VMEM((CH, F), jnp.float32),
            pltpu.VMEM_SHARED((ROWS, F), jnp.float32),
            pltpu.SemaphoreType.DMA,
        ],
    )
    return make_idx, segsum


_BN = 2000
_NB = N // _BN


def _proj_body(h_ref, w_ref, out_ref):
    h = h_ref[...]
    for t in range(T):
        out_ref[t] = jnp.dot(h, w_ref[t], preferred_element_type=jnp.float32)


_tc_proj = pl.pallas_call(
    _proj_body,
    grid=(_NB,),
    in_specs=[
        pl.BlockSpec((_BN, F), lambda b: (b, 0)),
        pl.BlockSpec((T, F, F), lambda b: (0, 0, 0)),
    ],
    out_specs=pl.BlockSpec((T, _BN, F), lambda b: (0, b, 0)),
    out_shape=jax.ShapeDtypeStruct((T, N, F), jnp.float32),
)


def _gru_core(p0, p1, h, wih_ref, whh_ref, bih_ref, bhh_ref):
    a = p0 + p1
    gi = jnp.dot(a, wih_ref[...], preferred_element_type=jnp.float32) \
        + bih_ref[...]
    gh = jnp.dot(h, whh_ref[...], preferred_element_type=jnp.float32) \
        + bhh_ref[...]
    r = jax.nn.sigmoid(gi[:, 0:F] + gh[:, 0:F])
    z = jax.nn.sigmoid(gi[:, F:2 * F] + gh[:, F:2 * F])
    n = jnp.tanh(gi[:, 2 * F:3 * F] + r * gh[:, 2 * F:3 * F])
    return (1.0 - z) * n + z * h


def _gru_body(parts_ref0, parts_ref1, h_ref, wih_ref, whh_ref, bih_ref,
              bhh_ref, out_ref):
    out_ref[...] = _gru_core(parts_ref0[0], parts_ref1[0], h_ref[...],
                             wih_ref, whh_ref, bih_ref, bhh_ref)


def _gru_proj_body(parts_ref0, parts_ref1, h_ref, wih_ref, whh_ref, bih_ref,
                   bhh_ref, w_ref, out_ref, table_ref):
    h_new = _gru_core(parts_ref0[0], parts_ref1[0], h_ref[...],
                      wih_ref, whh_ref, bih_ref, bhh_ref)
    out_ref[...] = h_new
    for t in range(T):
        table_ref[t] = jnp.dot(h_new, w_ref[t],
                               preferred_element_type=jnp.float32)


_GRU_IN_SPECS = [
    pl.BlockSpec((1, _BN, F), lambda b: (0, b, 0)),
    pl.BlockSpec((1, _BN, F), lambda b: (1, b, 0)),
    pl.BlockSpec((_BN, F), lambda b: (b, 0)),
    pl.BlockSpec((F, 3 * F), lambda b: (0, 0)),
    pl.BlockSpec((F, 3 * F), lambda b: (0, 0)),
    pl.BlockSpec((1, 3 * F), lambda b: (0, 0)),
    pl.BlockSpec((1, 3 * F), lambda b: (0, 0)),
]

_tc_gru = pl.pallas_call(
    _gru_body,
    grid=(_NB,),
    in_specs=_GRU_IN_SPECS,
    out_specs=pl.BlockSpec((_BN, F), lambda b: (b, 0)),
    out_shape=jax.ShapeDtypeStruct((N, F), jnp.float32),
)

_tc_gru_proj = pl.pallas_call(
    _gru_proj_body,
    grid=(_NB,),
    in_specs=_GRU_IN_SPECS + [pl.BlockSpec((T, F, F), lambda b: (0, 0, 0))],
    out_specs=[
        pl.BlockSpec((_BN, F), lambda b: (b, 0)),
        pl.BlockSpec((T, _BN, F), lambda b: (0, b, 0)),
    ],
    out_shape=[
        jax.ShapeDtypeStruct((N, F), jnp.float32),
        jax.ShapeDtypeStruct((T, N, F), jnp.float32),
    ],
)


def kernel(feat, etypes, edge_index, weight, w_ih, w_hh, b_ih, b_hh):
    h = feat
    W = weight.reshape(T, F, F)
    wih_t = w_ih.T
    whh_t = w_hh.T
    bih = b_ih.reshape(1, 3 * F)
    bhh = b_hh.reshape(1, 3 * F)

    parange = jnp.arange(PAD, dtype=jnp.int32)
    pad_tail = jnp.stack([parange, N + parange % (ROWS - N)])

    sc_make_idx, sc_segsum = _sc_kernels()
    idx, dst_p = sc_make_idx(etypes, edge_index, pad_tail)
    dst_p = dst_p.reshape(NW, K, CH)

    table = _tc_proj(h, W).reshape(T * N, F)
    parts = sc_segsum(table, idx, dst_p)
    h, table = _tc_gru_proj(parts, parts, h, wih_t, whh_t, bih, bhh, W)
    parts = sc_segsum(table.reshape(T * N, F), idx, dst_p)
    h = _tc_gru(parts, parts, h, wih_t, whh_t, bih, bhh)
    return h

# --- scband reference (transcript-rebuilt; emitter-appended) ---
"""Pipeline reference for scband-gated-graph-conv-26216480375295 (READ-ONLY COPY).

The authoritative reference and input builder live on the scoring server;
editing this copy changes nothing except your own understanding.
"""

import jax, jax.numpy as jnp
import numpy as np

N_NODES = 10000
N_EDGES = 320000
N_ETYPES = 4
OUT_FEATS = 128
IN_FEATS = 128
N_STEPS = 2


def setup_inputs(seed: int = 0) -> dict:
    key = jax.random.key(seed)
    ks = jax.random.split(key, 8)
    feat = jax.random.normal(ks[0], (N_NODES, IN_FEATS), dtype=jnp.float32)
    etypes = jax.random.randint(ks[1], (N_EDGES,), 0, N_ETYPES, dtype=jnp.int32)
    edge_index = jax.random.randint(ks[2], (2, N_EDGES), 0, N_NODES, dtype=jnp.int32)
    # nn.Embedding(n_etypes, out*out) default init: N(0,1)
    weight = jax.random.normal(ks[3], (N_ETYPES, OUT_FEATS * OUT_FEATS), dtype=jnp.float32)
    # GRUCell params, torch default init: U(-1/sqrt(hidden), 1/sqrt(hidden))
    stdv = 1.0 / np.sqrt(OUT_FEATS)
    w_ih = jax.random.uniform(ks[4], (3 * OUT_FEATS, OUT_FEATS), minval=-stdv, maxval=stdv, dtype=jnp.float32)
    w_hh = jax.random.uniform(ks[5], (3 * OUT_FEATS, OUT_FEATS), minval=-stdv, maxval=stdv, dtype=jnp.float32)
    b_ih = jax.random.uniform(ks[6], (3 * OUT_FEATS,), minval=-stdv, maxval=stdv, dtype=jnp.float32)
    b_hh = jax.random.uniform(ks[7], (3 * OUT_FEATS,), minval=-stdv, maxval=stdv, dtype=jnp.float32)
    return {"feat": feat, "etypes": etypes, "edge_index": edge_index,
            "weight": weight, "w_ih": w_ih, "w_hh": w_hh, "b_ih": b_ih, "b_hh": b_hh}


def _gru_cell(x, h, w_ih, w_hh, b_ih, b_hh):
    gi = x @ w_ih.T + b_ih
    gh = h @ w_hh.T + b_hh
    i_r, i_z, i_n = jnp.split(gi, 3, axis=-1)
    h_r, h_z, h_n = jnp.split(gh, 3, axis=-1)
    r = jax.nn.sigmoid(i_r + h_r)
    z = jax.nn.sigmoid(i_z + h_z)
    n = jnp.tanh(i_n + r * h_n)
    return (1.0 - z) * n + z * h


def reference(feat, etypes, edge_index, weight, w_ih, w_hh, b_ih, b_hh):
    n_nodes = feat.shape[0]
    # zero pad feat up to out_feats (no-op here since in_feats == out_feats)
    zero_pad = jnp.zeros((n_nodes, OUT_FEATS - feat.shape[1]), dtype=feat.dtype)
    h = jnp.concatenate([feat, zero_pad], axis=-1)
    # per-etype weight matrices [T, out, out]
    W = weight.reshape(N_ETYPES, OUT_FEATS, OUT_FEATS)
    src = edge_index[0]
    dst = edge_index[1]
    for _ in range(N_STEPS):
        # m[e,i,j] = h_src[e,i] * W[etype[e],i,j]; a[n,j] = sum_{e->n} sum_i m[e,i,j]
        # equivalently msg[e] = h[src[e]] @ W[etype[e]]; precompute per-etype node projections
        all_proj = jnp.einsum('ni,tij->tnj', h, W)  # [T, N, out]
        msg = all_proj[etypes, src]                 # gather [E, out]
        a = jax.ops.segment_sum(msg, dst, num_segments=n_nodes)  # scatter-add [N, out]
        h = _gru_cell(a, h, w_ih, w_hh, b_ih, b_hh)
    return h

if __name__ == "__main__":
    import jax
    _d = setup_inputs()
    print(jax.jit(kernel)(*tuple(_d.values())))

</pallas_src>

<mosaic_0001>
#map = affine_map<(d0, d1) -> (0, 0)>
#map1 = affine_map<(d0, d1) -> (0)>
#map2 = affine_map<(d0, d1) -> (0, 0, 0)>
module attributes {stable_mosaic.version = 14 : i64} {
  func.func @_sc_segsum_body(%arg0: i32, %arg1: i32, %arg2: memref<40000x128xf32, #tpu.memory_space<hbm>>, %arg3: memref<327680xi32, #tpu.memory_space<hbm>>, %arg4: memref<32x128x80xi32, #tpu.memory_space<hbm>>, %arg5: memref<2x10112x128xf32, #tpu.memory_space<hbm>>, %arg6: memref<10240xi32, #tpu.memory_space<vmem>>, %arg7: memref<128x80xi32, #tpu.memory_space<vmem>>, %arg8: memref<80x128xf32, #tpu.memory_space<vmem>>, %arg9: memref<80x128xf32, #tpu.memory_space<vmem>>, %arg10: memref<10112x128xf32, #tpu.memory_space<vmem_shared>>, %arg11: memref<!tpu.dma_semaphore, #tpu.memory_space<semaphore_mem>>) attributes {dimension_semantics = [#tpu.dimension_semantics<core_parallel>, #tpu.dimension_semantics<subcore_parallel>], iteration_bounds = array<i64: 2, 16>, scalar_prefetch = 0 : i64, scratch_operands = 6 : i64, tpu.core_type = #tpu.core_type<sc_vector_subcore>, window_params = [{transform_indices = #map}, {transform_indices = #map1}, {transform_indices = #map2}, {transform_indices = #map2}]} {
    %mul3A = arith.constant 2 : i32
    %mul3A_0 = arith.muli %arg1, %mul3A : i32
    %add3A = arith.addi %mul3A_0, %arg0 : i32
    %mul3A_1 = arith.constant 10240 : i32
    %mul3A_2 = arith.muli %add3A, %mul3A_1 : i32
    %mul3A_3 = arith.constant 632 : i32
    %mul3A_4 = arith.muli %arg1, %mul3A_3 : i32
    %broadcast_in_dim3A = arith.constant 0.000000e+00 : f32
    %broadcast_in_dim3A_5 = vector.broadcast %broadcast_in_dim3A : f32 to vector<16xf32>
    %scan3A = arith.constant 0 : i32
    %scan3A_6 = arith.constant 0 : i32
    %scan3A_7 = arith.constant 80 : i32
    %scan3A_8 = arith.addi %scan3A_6, %scan3A_7 : i32
    %scan3A_9 = arith.constant 1 : i32
    scf.for %scan3A_43 = %scan3A_6 to %scan3A_8 step %scan3A_9  : i32 {
      %swap3A = arith.index_cast %scan3A_43 : i32 to index
      %swap3A_44 = arith.constant 0 : index
      %swap3A_45 = tpu.vector_load %arg8[%swap3A, %swap3A_44] {strides = array<i32>} : memref<80x128xf32, #tpu.memory_space<vmem>>, vector<1x16xf32>,
      %swap3A_46 = vector.shape_cast %swap3A_45 : vector<1x16xf32> to vector<16xf32>
      %swap3A_47 = vector.shape_cast %broadcast_in_dim3A_5 : vector<16xf32> to vector<1x16xf32>
      tpu.vector_store %arg8[%swap3A, %swap3A_44], %swap3A_47 {strides = array<i32>} : memref<80x128xf32, #tpu.memory_space<vmem>>, vector<1x16xf32>,
      %swap3A_48 = arith.index_cast %scan3A_43 : i32 to index
      %swap3A_49 = arith.constant 16 : index
      %swap3A_50 = tpu.vector_load %arg8[%swap3A_48, %swap3A_49] {strides = array<i32>} : memref<80x128xf32, #tpu.memory_space<vmem>>, vector<1x16xf32>,
      %swap3A_51 = vector.shape_cast %swap3A_50 : vector<1x16xf32> to vector<16xf32>
      %swap3A_52 = vector.shape_cast %broadcast_in_dim3A_5 : vector<16xf32> to vector<1x16xf32>
      tpu.vector_store %arg8[%swap3A_48, %swap3A_49], %swap3A_52 {strides = array<i32>} : memref<80x128xf32, #tpu.memory_space<vmem>>, vector<1x16xf32>,
      %swap3A_53 = arith.index_cast %scan3A_43 : i32 to index
      %swap3A_54 = arith.constant 32 : index
      %swap3A_55 = tpu.vector_load %arg8[%swap3A_53, %swap3A_54] {strides = array<i32>} : memref<80x128xf32, #tpu.memory_space<vmem>>, vector<1x16xf32>,
      %swap3A_56 = vector.shape_cast %swap3A_55 : vector<1x16xf32> to vector<16xf32>
      %swap3A_57 = vector.shape_cast %broadcast_in_dim3A_5 : vector<16xf32> to vector<1x16xf32>
      tpu.vector_store %arg8[%swap3A_53, %swap3A_54], %swap3A_57 {strides = array<i32>} : memref<80x128xf32, #tpu.memory_space<vmem>>, vector<1x16xf32>,
      %swap3A_58 = arith.index_cast %scan3A_43 : i32 to index
      %swap3A_59 = arith.constant 48 : index
      %swap3A_60 = tpu.vector_load %arg8[%swap3A_58, %swap3A_59] {strides = array<i32>} : memref<80x128xf32, #tpu.memory_space<vmem>>, vector<1x16xf32>,
      %swap3A_61 = vector.shape_cast %swap3A_60 : vector<1x16xf32> to vector<16xf32>
      %swap3A_62 = vector.shape_cast %broadcast_in_dim3A_5 : vector<16xf32> to vector<1x16xf32>
      tpu.vector_store %arg8[%swap3A_58, %swap3A_59], %swap3A_62 {strides = array<i32>} : memref<80x128xf32, #tpu.memory_space<vmem>>, vector<1x16xf32>,
      %swap3A_63 = arith.index_cast %scan3A_43 : i32 to index
      %swap3A_64 = arith.constant 64 : index
      %swap3A_65 = tpu.vector_load %arg8[%swap3A_63, %swap3A_64] {strides = array<i32>} : memref<80x128xf32, #tpu.memory_space<vmem>>, vector<1x16xf32>,
      %swap3A_66 = vector.shape_cast %swap3A_65 : vector<1x16xf32> to vector<16xf32>
      %swap3A_67 = vector.shape_cast %broadcast_in_dim3A_5 : vector<16xf32> to vector<1x16xf32>
      tpu.vector_store %arg8[%swap3A_63, %swap3A_64], %swap3A_67 {strides = array<i32>} : memref<80x128xf32, #tpu.memory_space<vmem>>, vector<1x16xf32>,
      %swap3A_68 = arith.index_cast %scan3A_43 : i32 to index
      %swap3A_69 = arith.constant 80 : index
      %swap3A_70 = tpu.vector_load %arg8[%swap3A_68, %swap3A_69] {strides = array<i32>} : memref<80x128xf32, #tpu.memory_space<vmem>>, vector<1x16xf32>,
      %swap3A_71 = vector.shape_cast %swap3A_70 : vector<1x16xf32> to vector<16xf32>
      %swap3A_72 = vector.shape_cast %broadcast_in_dim3A_5 : vector<16xf32> to vector<1x16xf32>
      tpu.vector_store %arg8[%swap3A_68, %swap3A_69], %swap3A_72 {strides = array<i32>} : memref<80x128xf32, #tpu.memory_space<vmem>>, vector<1x16xf32>,
      %swap3A_73 = arith.index_cast %scan3A_43 : i32 to index
      %swap3A_74 = arith.constant 96 : index
      %swap3A_75 = tpu.vector_load %arg8[%swap3A_73, %swap3A_74] {strides = array<i32>} : memref<80x128xf32, #tpu.memory_space<vmem>>, vector<1x16xf32>,
      %swap3A_76 = vector.shape_cast %swap3A_75 : vector<1x16xf32> to vector<16xf32>
      %swap3A_77 = vector.shape_cast %broadcast_in_dim3A_5 : vector<16xf32> to vector<1x16xf32>
      tpu.vector_store %arg8[%swap3A_73, %swap3A_74], %swap3A_77 {strides = array<i32>} : memref<80x128xf32, #tpu.memory_space<vmem>>, vector<1x16xf32>,
      %swap3A_78 = arith.index_cast %scan3A_43 : i32 to index
      %swap3A_79 = arith.constant 112 : index
      %swap3A_80 = tpu.vector_load %arg8[%swap3A_78, %swap3A_79] {strides = array<i32>} : memref<80x128xf32, #tpu.memory_space<vmem>>, vector<1x16xf32>,
      %swap3A_81 = vector.shape_cast %swap3A_80 : vector<1x16xf32> to vector<16xf32>
      %swap3A_82 = vector.shape_cast %broadcast_in_dim3A_5 : vector<16xf32> to vector<1x16xf32>
      tpu.vector_store %arg8[%swap3A_78, %swap3A_79], %swap3A_82 {strides = array<i32>} : memref<80x128xf32, #tpu.memory_space<vmem>>, vector<1x16xf32>,
    }
    %scan3A_10 = arith.constant 80 : i32
    %add3A_11 = arith.constant 0 : i32
    %add3A_12 = arith.addi %mul3A_4, %add3A_11 : i32
    "tpu.region"() ({
      %run_scoped3A = tpu.sem_alloc : memref<!tpu.dma_semaphore, #tpu.memory_space<semaphore_mem>>
      %dma_start3A_43 = arith.constant 0 : i32
      %dma_start3A_44 = tpu.memref_slice %arg10[%add3A_12, %dma_start3A_43] : memref<10112x128xf32, #tpu.memory_space<vmem_shared>> -> memref<80x128xf32, #tpu.memory_space<vmem_shared>>
      %dma_start3A_45 = arith.constant 0 : i32
      %dma_start3A_46 = tpu.memref_slice %arg10[%add3A_12, %dma_start3A_45] : memref<10112x128xf32, #tpu.memory_space<vmem_shared>> -> memref<80x128xf32, #tpu.memory_space<vmem_shared>>
      tpu.enqueue_dma source(%arg8 : memref<80x128xf32, #tpu.memory_space<vmem>>) target(%dma_start3A_46 : memref<80x128xf32, #tpu.memory_space<vmem_shared>>) target_semaphore(%run_scoped3A : memref<!tpu.dma_semaphore, #tpu.memory_space<semaphore_mem>>)
      %dma_wait3A = arith.constant 0 : i32
      %dma_wait3A_47 = tpu.memref_slice %arg10[%add3A_12, %dma_wait3A] : memref<10112x128xf32, #tpu.memory_space<vmem_shared>> -> memref<80x128xf32, #tpu.memory_space<vmem_shared>>
      %dma_wait3A_48 = arith.constant 0 : i32
      %dma_wait3A_49 = tpu.memref_slice %arg10[%add3A_12, %dma_wait3A_48] : memref<10112x128xf32, #tpu.memory_space<vmem_shared>> -> memref<80x128xf32, #tpu.memory_space<vmem_shared>>
      tpu.wait_dma2 semaphore(%run_scoped3A : memref<!tpu.dma_semaphore, #tpu.memory_space<semaphore_mem>>) src(%arg8 : memref<80x128xf32, #tpu.memory_space<vmem>>) dst(%dma_wait3A_49 : memref<80x128xf32, #tpu.memory_space<vmem_shared>>)
      tpu.yield
    }) : () -> ()
    %add3A_13 = arith.constant 80 : i32
    %add3A_14 = arith.addi %mul3A_4, %add3A_13 : i32
    "tpu.region"() ({
      %run_scoped3A = tpu.sem_alloc : memref<!tpu.dma_semaphore, #tpu.memory_space<semaphore_mem>>
      %dma_start3A_43 = arith.constant 0 : i32
      %dma_start3A_44 = tpu.memref_slice %arg10[%add3A_14, %dma_start3A_43] : memref<10112x128xf32, #tpu.memory_space<vmem_shared>> -> memref<80x128xf32, #tpu.memory_space<vmem_shared>>
      %dma_start3A_45 = arith.constant 0 : i32
      %dma_start3A_46 = tpu.memref_slice %arg10[%add3A_14, %dma_start3A_45] : memref<10112x128xf32, #tpu.memory_space<vmem_shared>> -> memref<80x128xf32, #tpu.memory_space<vmem_shared>>
      tpu.enqueue_dma source(%arg8 : memref<80x128xf32, #tpu.memory_space<vmem>>) target(%dma_start3A_46 : memref<80x128xf32, #tpu.memory_space<vmem_shared>>) target_semaphore(%run_scoped3A : memref<!tpu.dma_semaphore, #tpu.memory_space<semaphore_mem>>)
      %dma_wait3A = arith.constant 0 : i32
      %dma_wait3A_47 = tpu.memref_slice %arg10[%add3A_14, %dma_wait3A] : memref<10112x128xf32, #tpu.memory_space<vmem_shared>> -> memref<80x128xf32, #tpu.memory_space<vmem_shared>>
      %dma_wait3A_48 = arith.constant 0 : i32
      %dma_wait3A_49 = tpu.memref_slice %arg10[%add3A_14, %dma_wait3A_48] : memref<10112x128xf32, #tpu.memory_space<vmem_shared>> -> memref<80x128xf32, #tpu.memory_space<vmem_shared>>
      tpu.wait_dma2 semaphore(%run_scoped3A : memref<!tpu.dma_semaphore, #tpu.memory_space<semaphore_mem>>) src(%arg8 : memref<80x128xf32, #tpu.memory_space<vmem>>) dst(%dma_wait3A_49 : memref<80x128xf32, #tpu.memory_space<vmem_shared>>)
      tpu.yield
    }) : () -> ()
    %add3A_15 = arith.constant 160 : i32
    %add3A_16 = arith.addi %mul3A_4, %add3A_15 : i32
    "tpu.region"() ({
      %run_scoped3A = tpu.sem_alloc : memref<!tpu.dma_semaphore, #tpu.memory_space<semaphore_mem>>
      %dma_start3A_43 = arith.constant 0 : i32
      %dma_start3A_44 = tpu.memref_slice %arg10[%add3A_16, %dma_start3A_43] : memref<10112x128xf32, #tpu.memory_space<vmem_shared>> -> memref<80x128xf32, #tpu.memory_space<vmem_shared>>
      %dma_start3A_45 = arith.constant 0 : i32
      %dma_start3A_46 = tpu.memref_slice %arg10[%add3A_16, %dma_start3A_45] : memref<10112x128xf32, #tpu.memory_space<vmem_shared>> -> memref<80x128xf32, #tpu.memory_space<vmem_shared>>
      tpu.enqueue_dma source(%arg8 : memref<80x128xf32, #tpu.memory_space<vmem>>) target(%dma_start3A_46 : memref<80x128xf32, #tpu.memory_space<vmem_shared>>) target_semaphore(%run_scoped3A : memref<!tpu.dma_semaphore, #tpu.memory_space<semaphore_mem>>)
      %dma_wait3A = arith.constant 0 : i32
      %dma_wait3A_47 = tpu.memref_slice %arg10[%add3A_16, %dma_wait3A] : memref<10112x128xf32, #tpu.memory_space<vmem_shared>> -> memref<80x128xf32, #tpu.memory_space<vmem_shared>>
      %dma_wait3A_48 = arith.constant 0 : i32
      %dma_wait3A_49 = tpu.memref_slice %arg10[%add3A_16, %dma_wait3A_48] : memref<10112x128xf32, #tpu.memory_space<vmem_shared>> -> memref<80x128xf32, #tpu.memory_space<vmem_shared>>
      tpu.wait_dma2 semaphore(%run_scoped3A : memref<!tpu.dma_semaphore, #tpu.memory_space<semaphore_mem>>) src(%arg8 : memref<80x128xf32, #tpu.memory_space<vmem>>) dst(%dma_wait3A_49 : memref<80x128xf32, #tpu.memory_space<vmem_shared>>)
      tpu.yield
    }) : () -> ()
    %add3A_17 = arith.constant 240 : i32
    %add3A_18 = arith.addi %mul3A_4, %add3A_17 : i32
    "tpu.region"() ({
      %run_scoped3A = tpu.sem_alloc : memref<!tpu.dma_semaphore, #tpu.memory_space<semaphore_mem>>
      %dma_start3A_43 = arith.constant 0 : i32
      %dma_start3A_44 = tpu.memref_slice %arg10[%add3A_18, %dma_start3A_43] : memref<10112x128xf32, #tpu.memory_space<vmem_shared>> -> memref<80x128xf32, #tpu.memory_space<vmem_shared>>
      %dma_start3A_45 = arith.constant 0 : i32
      %dma_start3A_46 = tpu.memref_slice %arg10[%add3A_18, %dma_start3A_45] : memref<10112x128xf32, #tpu.memory_space<vmem_shared>> -> memref<80x128xf32, #tpu.memory_space<vmem_shared>>
      tpu.enqueue_dma source(%arg8 : memref<80x128xf32, #tpu.memory_space<vmem>>) target(%dma_start3A_46 : memref<80x128xf32, #tpu.memory_space<vmem_shared>>) target_semaphore(%run_scoped3A : memref<!tpu.dma_semaphore, #tpu.memory_space<semaphore_mem>>)
      %dma_wait3A = arith.constant 0 : i32
      %dma_wait3A_47 = tpu.memref_slice %arg10[%add3A_18, %dma_wait3A] : memref<10112x128xf32, #tpu.memory_space<vmem_shared>> -> memref<80x128xf32, #tpu.memory_space<vmem_shared>>
      %dma_wait3A_48 = arith.constant 0 : i32
      %dma_wait3A_49 = tpu.memref_slice %arg10[%add3A_18, %dma_wait3A_48] : memref<10112x128xf32, #tpu.memory_space<vmem_shared>> -> memref<80x128xf32, #tpu.memory_space<vmem_shared>>
      tpu.wait_dma2 semaphore(%run_scoped3A : memref<!tpu.dma_semaphore, #tpu.memory_space<semaphore_mem>>) src(%arg8 : memref<80x128xf32, #tpu.memory_space<vmem>>) dst(%dma_wait3A_49 : memref<80x128xf32, #tpu.memory_space<vmem_shared>>)
      tpu.yield
    }) : () -> ()
    %add3A_19 = arith.constant 320 : i32
    %add3A_20 = arith.addi %mul3A_4, %add3A_19 : i32
    "tpu.region"() ({
      %run_scoped3A = tpu.sem_alloc : memref<!tpu.dma_semaphore, #tpu.memory_space<semaphore_mem>>
      %dma_start3A_43 = arith.constant 0 : i32
      %dma_start3A_44 = tpu.memref_slice %arg10[%add3A_20, %dma_start3A_43] : memref<10112x128xf32, #tpu.memory_space<vmem_shared>> -> memref<80x128xf32, #tpu.memory_space<vmem_shared>>
      %dma_start3A_45 = arith.constant 0 : i32
      %dma_start3A_46 = tpu.memref_slice %arg10[%add3A_20, %dma_start3A_45] : memref<10112x128xf32, #tpu.memory_space<vmem_shared>> -> memref<80x128xf32, #tpu.memory_space<vmem_shared>>
      tpu.enqueue_dma source(%arg8 : memref<80x128xf32, #tpu.memory_space<vmem>>) target(%dma_start3A_46 : memref<80x128xf32, #tpu.memory_space<vmem_shared>>) target_semaphore(%run_scoped3A : memref<!tpu.dma_semaphore, #tpu.memory_space<semaphore_mem>>)
      %dma_wait3A = arith.constant 0 : i32
      %dma_wait3A_47 = tpu.memref_slice %arg10[%add3A_20, %dma_wait3A] : memref<10112x128xf32, #tpu.memory_space<vmem_shared>> -> memref<80x128xf32, #tpu.memory_space<vmem_shared>>
      %dma_wait3A_48 = arith.constant 0 : i32
      %dma_wait3A_49 = tpu.memref_slice %arg10[%add3A_20, %dma_wait3A_48] : memref<10112x128xf32, #tpu.memory_space<vmem_shared>> -> memref<80x128xf32, #tpu.memory_space<vmem_shared>>
      tpu.wait_dma2 semaphore(%run_scoped3A : memref<!tpu.dma_semaphore, #tpu.memory_space<semaphore_mem>>) src(%arg8 : memref<80x128xf32, #tpu.memory_space<vmem>>) dst(%dma_wait3A_49 : memref<80x128xf32, #tpu.memory_space<vmem_shared>>)
      tpu.yield
    }) : () -> ()
    %add3A_21 = arith.constant 400 : i32
    %add3A_22 = arith.addi %mul3A_4, %add3A_21 : i32
    "tpu.region"() ({
      %run_scoped3A = tpu.sem_alloc : memref<!tpu.dma_semaphore, #tpu.memory_space<semaphore_mem>>
      %dma_start3A_43 = arith.constant 0 : i32
      %dma_start3A_44 = tpu.memref_slice %arg10[%add3A_22, %dma_start3A_43] : memref<10112x128xf32, #tpu.memory_space<vmem_shared>> -> memref<80x128xf32, #tpu.memory_space<vmem_shared>>
      %dma_start3A_45 = arith.constant 0 : i32
      %dma_start3A_46 = tpu.memref_slice %arg10[%add3A_22, %dma_start3A_45] : memref<10112x128xf32, #tpu.memory_space<vmem_shared>> -> memref<80x128xf32, #tpu.memory_space<vmem_shared>>
      tpu.enqueue_dma source(%arg8 : memref<80x128xf32, #tpu.memory_space<vmem>>) target(%dma_start3A_46 : memref<80x128xf32, #tpu.memory_space<vmem_shared>>) target_semaphore(%run_scoped3A : memref<!tpu.dma_semaphore, #tpu.memory_space<semaphore_mem>>)
      %dma_wait3A = arith.constant 0 : i32
      %dma_wait3A_47 = tpu.memref_slice %arg10[%add3A_22, %dma_wait3A] : memref<10112x128xf32, #tpu.memory_space<vmem_shared>> -> memref<80x128xf32, #tpu.memory_space<vmem_shared>>
      %dma_wait3A_48 = arith.constant 0 : i32
      %dma_wait3A_49 = tpu.memref_slice %arg10[%add3A_22, %dma_wait3A_48] : memref<10112x128xf32, #tpu.memory_space<vmem_shared>> -> memref<80x128xf32, #tpu.memory_space<vmem_shared>>
      tpu.wait_dma2 semaphore(%run_scoped3A : memref<!tpu.dma_semaphore, #tpu.memory_space<semaphore_mem>>) src(%arg8 : memref<80x128xf32, #tpu.memory_space<vmem>>) dst(%dma_wait3A_49 : memref<80x128xf32, #tpu.memory_space<vmem_shared>>)
      tpu.yield
    }) : () -> ()
    %add3A_23 = arith.constant 480 : i32
    %add3A_24 = arith.addi %mul3A_4, %add3A_23 : i32
    "tpu.region"() ({
      %run_scoped3A = tpu.sem_alloc : memref<!tpu.dma_semaphore, #tpu.memory_space<semaphore_mem>>
      %dma_start3A_43 = arith.constant 0 : i32
      %dma_start3A_44 = tpu.memref_slice %arg10[%add3A_24, %dma_start3A_43] : memref<10112x128xf32, #tpu.memory_space<vmem_shared>> -> memref<80x128xf32, #tpu.memory_space<vmem_shared>>
      %dma_start3A_45 = arith.constant 0 : i32
      %dma_start3A_46 = tpu.memref_slice %arg10[%add3A_24, %dma_start3A_45] : memref<10112x128xf32, #tpu.memory_space<vmem_shared>> -> memref<80x128xf32, #tpu.memory_space<vmem_shared>>
      tpu.enqueue_dma source(%arg8 : memref<80x128xf32, #tpu.memory_space<vmem>>) target(%dma_start3A_46 : memref<80x128xf32, #tpu.memory_space<vmem_shared>>) target_semaphore(%run_scoped3A : memref<!tpu.dma_semaphore, #tpu.memory_space<semaphore_mem>>)
      %dma_wait3A = arith.constant 0 : i32
      %dma_wait3A_47 = tpu.memref_slice %arg10[%add3A_24, %dma_wait3A] : memref<10112x128xf32, #tpu.memory_space<vmem_shared>> -> memref<80x128xf32, #tpu.memory_space<vmem_shared>>
      %dma_wait3A_48 = arith.constant 0 : i32
      %dma_wait3A_49 = tpu.memref_slice %arg10[%add3A_24, %dma_wait3A_48] : memref<10112x128xf32, #tpu.memory_space<vmem_shared>> -> memref<80x128xf32, #tpu.memory_space<vmem_shared>>
      tpu.wait_dma2 semaphore(%run_scoped3A : memref<!tpu.dma_semaphore, #tpu.memory_space<semaphore_mem>>) src(%arg8 : memref<80x128xf32, #tpu.memory_space<vmem>>) dst(%dma_wait3A_49 : memref<80x128xf32, #tpu.memory_space<vmem_shared>>)
      tpu.yield
    }) : () -> ()
    %add3A_25 = arith.constant 560 : i32
    %add3A_26 = arith.addi %mul3A_4, %add3A_25 : i32
    "tpu.region"() ({
      %run_scoped3A = tpu.sem_alloc : memref<!tpu.dma_semaphore, #tpu.memory_space<semaphore_mem>>
      %dma_start3A_43 = arith.constant 0 : i32
      %dma_start3A_44 = arith.constant 0 : i32
      %dma_start3A_45 = tpu.memref_slice %arg8[%dma_start3A_43, %dma_start3A_44] : memref<80x128xf32, #tpu.memory_space<vmem>> -> memref<72x128xf32, #tpu.memory_space<vmem>>
      %dma_start3A_46 = arith.constant 0 : i32
      %dma_start3A_47 = tpu.memref_slice %arg10[%add3A_26, %dma_start3A_46] : memref<10112x128xf32, #tpu.memory_space<vmem_shared>> -> memref<72x128xf32, #tpu.memory_space<vmem_shared>>
      %dma_start3A_48 = arith.constant 0 : i32
      %dma_start3A_49 = tpu.memref_slice %arg10[%add3A_26, %dma_start3A_48] : memref<10112x128xf32, #tpu.memory_space<vmem_shared>> -> memref<72x128xf32, #tpu.memory_space<vmem_shared>>
      %dma_start3A_50 = arith.constant 0 : i32
      %dma_start3A_51 = arith.constant 0 : i32
      %dma_start3A_52 = tpu.memref_slice %arg8[%dma_start3A_50, %dma_start3A_51] : memref<80x128xf32, #tpu.memory_space<vmem>> -> memref<72x128xf32, #tpu.memory_space<vmem>>
      tpu.enqueue_dma source(%dma_start3A_52 : memref<72x128xf32, #tpu.memory_space<vmem>>) target(%dma_start3A_49 : memref<72x128xf32, #tpu.memory_space<vmem_shared>>) target_semaphore(%run_scoped3A : memref<!tpu.dma_semaphore, #tpu.memory_space<semaphore_mem>>)
      %dma_wait3A = arith.constant 0 : i32
      %dma_wait3A_53 = arith.constant 0 : i32
      %dma_wait3A_54 = tpu.memref_slice %arg8[%dma_wait3A, %dma_wait3A_53] : memref<80x128xf32, #tpu.memory_space<vmem>> -> memref<72x128xf32, #tpu.memory_space<vmem>>
      %dma_wait3A_55 = arith.constant 0 : i32
      %dma_wait3A_56 = tpu.memref_slice %arg10[%add3A_26, %dma_wait3A_55] : memref<10112x128xf32, #tpu.memory_space<vmem_shared>> -> memref<72x128xf32, #tpu.memory_space<vmem_shared>>
      %dma_wait3A_57 = arith.constant 0 : i32
      %dma_wait3A_58 = tpu.memref_slice %arg10[%add3A_26, %dma_wait3A_57] : memref<10112x128xf32, #tpu.memory_space<vmem_shared>> -> memref<72x128xf32, #tpu.memory_space<vmem_shared>>
      %dma_wait3A_59 = arith.constant 0 : i32
      %dma_wait3A_60 = arith.constant 0 : i32
      %dma_wait3A_61 = tpu.memref_slice %arg8[%dma_wait3A_59, %dma_wait3A_60] : memref<80x128xf32, #tpu.memory_space<vmem>> -> memref<72x128xf32, #tpu.memory_space<vmem>>
      tpu.wait_dma2 semaphore(%run_scoped3A : memref<!tpu.dma_semaphore, #tpu.memory_space<semaphore_mem>>) src(%dma_wait3A_61 : memref<72x128xf32, #tpu.memory_space<vmem>>) dst(%dma_wait3A_58 : memref<72x128xf32, #tpu.memory_space<vmem_shared>>)
      tpu.yield
    }) : () -> ()
    "tpu.region"() ({
      %run_scoped3A = tpu.sem_alloc : memref<!tpu.dma_semaphore, #tpu.memory_space<semaphore_mem>>
      %dma_start3A_43 = tpu.memref_slice %arg3[%mul3A_2] : memref<327680xi32, #tpu.memory_space<hbm>> -> memref<10240xi32, #tpu.memory_space<hbm>>
      %dma_start3A_44 = tpu.memref_slice %arg3[%mul3A_2] : memref<327680xi32, #tpu.memory_space<hbm>> -> memref<10240xi32, #tpu.memory_space<hbm>>
      tpu.enqueue_dma source(%dma_start3A_44 : memref<10240xi32, #tpu.memory_space<hbm>>) target(%arg6 : memref<10240xi32, #tpu.memory_space<vmem>>) target_semaphore(%run_scoped3A : memref<!tpu.dma_semaphore, #tpu.memory_space<semaphore_mem>>)
      %dma_wait3A = tpu.memref_slice %arg3[%mul3A_2] : memref<327680xi32, #tpu.memory_space<hbm>> -> memref<10240xi32, #tpu.memory_space<hbm>>
      %dma_wait3A_45 = tpu.memref_slice %arg3[%mul3A_2] : memref<327680xi32, #tpu.memory_space<hbm>> -> memref<10240xi32, #tpu.memory_space<hbm>>
      tpu.wait_dma2 semaphore(%run_scoped3A : memref<!tpu.dma_semaphore, #tpu.memory_space<semaphore_mem>>) src(%dma_wait3A_45 : memref<10240xi32, #tpu.memory_space<hbm>>) dst(%arg6 : memref<10240xi32, #tpu.memory_space<vmem>>)
      tpu.yield
    }) : () -> ()
    "tpu.region"() ({
      %run_scoped3A = tpu.sem_alloc : memref<!tpu.dma_semaphore, #tpu.memory_space<semaphore_mem>>
      %dma_start3A_43 = arith.constant 0 : i32
      %dma_start3A_44 = arith.constant 0 : i32
      %dma_start3A_45 = tpu.memref_slice %arg4[%add3A, %dma_start3A_43, %dma_start3A_44] : memref<32x128x80xi32, #tpu.memory_space<hbm>> -> memref<1x128x80xi32, #tpu.memory_space<hbm>>
      %dma_start3A_46 = tpu.memref_squeeze %dma_start3A_45 : memref<1x128x80xi32, #tpu.memory_space<hbm>> -> memref<128x80xi32, #tpu.memory_space<hbm>>
      %dma_start3A_47 = arith.constant 0 : i32
      %dma_start3A_48 = arith.constant 0 : i32
      %dma_start3A_49 = tpu.memref_slice %arg4[%add3A, %dma_start3A_47, %dma_start3A_48] : memref<32x128x80xi32, #tpu.memory_space<hbm>> -> memref<1x128x80xi32, #tpu.memory_space<hbm>>
      %dma_start3A_50 = tpu.memref_squeeze %dma_start3A_49 : memref<1x128x80xi32, #tpu.memory_space<hbm>> -> memref<128x80xi32, #tpu.memory_space<hbm>>
      tpu.enqueue_dma source(%dma_start3A_50 : memref<128x80xi32, #tpu.memory_space<hbm>>) target(%arg7 : memref<128x80xi32, #tpu.memory_space<vmem>>) target_semaphore(%run_scoped3A : memref<!tpu.dma_semaphore, #tpu.memory_space<semaphore_mem>>)
      %dma_wait3A = arith.constant 0 : i32
      %dma_wait3A_51 = arith.constant 0 : i32
      %dma_wait3A_52 = tpu.memref_slice %arg4[%add3A, %dma_wait3A, %dma_wait3A_51] : memref<32x128x80xi32, #tpu.memory_space<hbm>> -> memref<1x128x80xi32, #tpu.memory_space<hbm>>
      %dma_wait3A_53 = tpu.memref_squeeze %dma_wait3A_52 : memref<1x128x80xi32, #tpu.memory_space<hbm>> -> memref<128x80xi32, #tpu.memory_space<hbm>>
      %dma_wait3A_54 = arith.constant 0 : i32
      %dma_wait3A_55 = arith.constant 0 : i32
      %dma_wait3A_56 = tpu.memref_slice %arg4[%add3A, %dma_wait3A_54, %dma_wait3A_55] : memref<32x128x80xi32, #tpu.memory_space<hbm>> -> memref<1x128x80xi32, #tpu.memory_space<hbm>>
      %dma_wait3A_57 = tpu.memref_squeeze %dma_wait3A_56 : memref<1x128x80xi32, #tpu.memory_space<hbm>> -> memref<128x80xi32, #tpu.memory_space<hbm>>
      tpu.wait_dma2 semaphore(%run_scoped3A : memref<!tpu.dma_semaphore, #tpu.memory_space<semaphore_mem>>) src(%dma_wait3A_57 : memref<128x80xi32, #tpu.memory_space<hbm>>) dst(%arg7 : memref<128x80xi32, #tpu.memory_space<vmem>>)
      tpu.yield
    }) : () -> ()
    %barrier3A = arith.constant 0 : index
    tpu.barrier barrier_id(%barrier3A)
    %dma_start3A = arith.constant 0 : i32
    %dma_start3A_27 = tpu.memref_slice %arg6[%dma_start3A] : memref<10240xi32, #tpu.memory_space<vmem>> -> memref<80xi32, #tpu.memory_space<vmem>>
    %dma_start3A_28 = arith.constant 0 : i32
    %dma_start3A_29 = arith.constant 0 : i32
    %dma_start3A_30 = tpu.memref_slice %arg2[%dma_start3A_28, %dma_start3A_29] : memref<40000x128xf32, #tpu.memory_space<hbm>> -> memref<40000x128xf32, #tpu.memory_space<hbm>>
    tpu.enqueue_indirect_dma source(%dma_start3A_30 : memref<40000x128xf32, #tpu.memory_space<hbm>>) target(%arg8 : memref<80x128xf32, #tpu.memory_space<vmem>>) offsets(%dma_start3A_27 : memref<80xi32, #tpu.memory_space<vmem>>) semaphore(%arg11 : memref<!tpu.dma_semaphore, #tpu.memory_space<semaphore_mem>>)
    %dma_start3A_31 = arith.constant 80 : i32
    %dma_start3A_32 = tpu.memref_slice %arg6[%dma_start3A_31] : memref<10240xi32, #tpu.memory_space<vmem>> -> memref<80xi32, #tpu.memory_space<vmem>>
    %dma_start3A_33 = arith.constant 0 : i32
    %dma_start3A_34 = arith.constant 0 : i32
    %dma_start3A_35 = tpu.memref_slice %arg2[%dma_start3A_33, %dma_start3A_34] : memref<40000x128xf32, #tpu.memory_space<hbm>> -> memref<40000x128xf32, #tpu.memory_space<hbm>>
    tpu.enqueue_indirect_dma source(%dma_start3A_35 : memref<40000x128xf32, #tpu.memory_space<hbm>>) target(%arg9 : memref<80x128xf32, #tpu.memory_space<vmem>>) offsets(%dma_start3A_32 : memref<80xi32, #tpu.memory_space<vmem>>) semaphore(%arg11 : memref<!tpu.dma_semaphore, #tpu.memory_space<semaphore_mem>>)
    %scan3A_36 = arith.constant 0 : i32
    %scan3A_37 = arith.constant 0 : i32
    %scan3A_38 = arith.constant 64 : i32
    %scan3A_39 = arith.addi %scan3A_37, %scan3A_38 : i32
    %scan3A_40 = arith.constant 1 : i32
    scf.for %scan3A_43 = %scan3A_37 to %scan3A_39 step %scan3A_40  : i32 {
      %mul3A_44 = arith.constant 2 : i32
      %mul3A_45 = arith.muli %scan3A_43, %mul3A_44 : i32
      %dma_wait3A = arith.constant 0 : i32
      %dma_wait3A_46 = tpu.memref_slice %arg6[%dma_wait3A] : memref<10240xi32, #tpu.memory_space<vmem>> -> memref<80xi32, #tpu.memory_space<vmem>>
      %dma_wait3A_47 = arith.constant 0 : i32
      %dma_wait3A_48 = arith.constant 0 : i32
      %dma_wait3A_49 = tpu.memref_slice %arg2[%dma_wait3A_47, %dma_wait3A_48] : memref<40000x128xf32, #tpu.memory_space<hbm>> -> memref<40000x128xf32, #tpu.memory_space<hbm>>
      tpu.wait_indirect_dma semaphore(%arg11 : memref<!tpu.dma_semaphore, #tpu.memory_space<semaphore_mem>>) src(%dma_wait3A_49 : memref<40000x128xf32, #tpu.memory_space<hbm>>) dst(%arg8 : memref<80x128xf32, #tpu.memory_space<vmem>>)
      "tpu.region"() ({
        %run_scoped3A = tpu.sem_alloc : memref<!tpu.dma_semaphore, #tpu.memory_space<semaphore_mem>>
        %dma_start3A_68 = arith.constant 0 : i32
        %dma_start3A_69 = tpu.memref_slice %arg7[%mul3A_45, %dma_start3A_68] : memref<128x80xi32, #tpu.memory_space<vmem>> -> memref<1x80xi32, #tpu.memory_space<vmem>>
        %dma_start3A_70 = tpu.memref_squeeze %dma_start3A_69 : memref<1x80xi32, #tpu.memory_space<vmem>> -> memref<80xi32, #tpu.memory_space<vmem>>
        %dma_start3A_71 = arith.constant 0 : i32
        %dma_start3A_72 = arith.constant 0 : i32
        %dma_start3A_73 = tpu.memref_slice %arg10[%dma_start3A_71, %dma_start3A_72] : memref<10112x128xf32, #tpu.memory_space<vmem_shared>> -> memref<10112x128xf32, #tpu.memory_space<vmem_shared>>
        tpu.enqueue_indirect_dma source(%arg8 : memref<80x128xf32, #tpu.memory_space<vmem>>) target(%dma_start3A_73 : memref<10112x128xf32, #tpu.memory_space<vmem_shared>>) offsets(%dma_start3A_70 : memref<80xi32, #tpu.memory_space<vmem>>) semaphore(%run_scoped3A : memref<!tpu.dma_semaphore, #tpu.memory_space<semaphore_mem>>) {add = true}
        %dma_wait3A_74 = arith.constant 0 : i32
        %dma_wait3A_75 = tpu.memref_slice %arg7[%mul3A_45, %dma_wait3A_74] : memref<128x80xi32, #tpu.memory_space<vmem>> -> memref<1x80xi32, #tpu.memory_space<vmem>>
        %dma_wait3A_76 = tpu.memref_squeeze %dma_wait3A_75 : memref<1x80xi32, #tpu.memory_space<vmem>> -> memref<80xi32, #tpu.memory_space<vmem>>
        %dma_wait3A_77 = arith.constant 0 : i32
        %dma_wait3A_78 = arith.constant 0 : i32
        %dma_wait3A_79 = tpu.memref_slice %arg10[%dma_wait3A_77, %dma_wait3A_78] : memref<10112x128xf32, #tpu.memory_space<vmem_shared>> -> memref<10112x128xf32, #tpu.memory_space<vmem_shared>>
        tpu.wait_indirect_dma semaphore(%run_scoped3A : memref<!tpu.dma_semaphore, #tpu.memory_space<semaphore_mem>>) src(%arg8 : memref<80x128xf32, #tpu.memory_space<vmem>>) dst(%dma_wait3A_79 : memref<10112x128xf32, #tpu.memory_space<vmem_shared>>)
        tpu.yield
      }) : () -> ()
      %add3A_50 = arith.constant 2 : i32
      %add3A_51 = arith.addi %mul3A_45, %add3A_50 : i32
      %lt3A = arith.constant 128 : i32
      %lt3A_52 = arith.cmpi slt, %add3A_51, %lt3A : i32
      %convert_element_type3A = arith.extui %lt3A_52 : i1 to i32
      %cond3A = arith.constant 0 : i32
      %cond3A_53 = arith.cmpi ne, %convert_element_type3A, %cond3A : i32
      scf.if %cond3A_53 {
        %add3A_68 = arith.constant 2 : i32
        %add3A_69 = arith.addi %mul3A_45, %add3A_68 : i32
        %mul3A_70 = arith.constant 80 : i32
        %mul3A_71 = arith.muli %add3A_69, %mul3A_70 : i32
        %dma_start3A_72 = tpu.memref_slice %arg6[%mul3A_71] : memref<10240xi32, #tpu.memory_space<vmem>> -> memref<80xi32, #tpu.memory_space<vmem>>
        %dma_start3A_73 = arith.constant 0 : i32
        %dma_start3A_74 = arith.constant 0 : i32
        %dma_start3A_75 = tpu.memref_slice %arg2[%dma_start3A_73, %dma_start3A_74] : memref<40000x128xf32, #tpu.memory_space<hbm>> -> memref<40000x128xf32, #tpu.memory_space<hbm>>
        tpu.enqueue_indirect_dma source(%dma_start3A_75 : memref<40000x128xf32, #tpu.memory_space<hbm>>) target(%arg8 : memref<80x128xf32, #tpu.memory_space<vmem>>) offsets(%dma_start3A_72 : memref<80xi32, #tpu.memory_space<vmem>>) semaphore(%arg11 : memref<!tpu.dma_semaphore, #tpu.memory_space<semaphore_mem>>)
      } else {
      }
      %add3A_54 = arith.constant 1 : i32
      %add3A_55 = arith.addi %mul3A_45, %add3A_54 : i32
      %dma_wait3A_56 = arith.constant 0 : i32
      %dma_wait3A_57 = tpu.memref_slice %arg6[%dma_wait3A_56] : memref<10240xi32, #tpu.memory_space<vmem>> -> memref<80xi32, #tpu.memory_space<vmem>>
      %dma_wait3A_58 = arith.constant 0 : i32
      %dma_wait3A_59 = arith.constant 0 : i32
      %dma_wait3A_60 = tpu.memref_slice %arg2[%dma_wait3A_58, %dma_wait3A_59] : memref<40000x128xf32, #tpu.memory_space<hbm>> -> memref<40000x128xf32, #tpu.memory_space<hbm>>
      tpu.wait_indirect_dma semaphore(%arg11 : memref<!tpu.dma_semaphore, #tpu.memory_space<semaphore_mem>>) src(%dma_wait3A_60 : memref<40000x128xf32, #tpu.memory_space<hbm>>) dst(%arg9 : memref<80x128xf32, #tpu.memory_space<vmem>>)
      "tpu.region"() ({
        %run_scoped3A = tpu.sem_alloc : memref<!tpu.dma_semaphore, #tpu.memory_space<semaphore_mem>>
        %dma_start3A_68 = arith.constant 0 : i32
        %dma_start3A_69 = tpu.memref_slice %arg7[%add3A_55, %dma_start3A_68] : memref<128x80xi32, #tpu.memory_space<vmem>> -> memref<1x80xi32, #tpu.memory_space<vmem>>
        %dma_start3A_70 = tpu.memref_squeeze %dma_start3A_69 : memref<1x80xi32, #tpu.memory_space<vmem>> -> memref<80xi32, #tpu.memory_space<vmem>>
        %dma_start3A_71 = arith.constant 0 : i32
        %dma_start3A_72 = arith.constant 0 : i32
        %dma_start3A_73 = tpu.memref_slice %arg10[%dma_start3A_71, %dma_start3A_72] : memref<10112x128xf32, #tpu.memory_space<vmem_shared>> -> memref<10112x128xf32, #tpu.memory_space<vmem_shared>>
        tpu.enqueue_indirect_dma source(%arg9 : memref<80x128xf32, #tpu.memory_space<vmem>>) target(%dma_start3A_73 : memref<10112x128xf32, #tpu.memory_space<vmem_shared>>) offsets(%dma_start3A_70 : memref<80xi32, #tpu.memory_space<vmem>>) semaphore(%run_scoped3A : memref<!tpu.dma_semaphore, #tpu.memory_space<semaphore_mem>>) {add = true}
        %dma_wait3A_74 = arith.constant 0 : i32
        %dma_wait3A_75 = tpu.memref_slice %arg7[%add3A_55, %dma_wait3A_74] : memref<128x80xi32, #tpu.memory_space<vmem>> -> memref<1x80xi32, #tpu.memory_space<vmem>>
        %dma_wait3A_76 = tpu.memref_squeeze %dma_wait3A_75 : memref<1x80xi32, #tpu.memory_space<vmem>> -> memref<80xi32, #tpu.memory_space<vmem>>
        %dma_wait3A_77 = arith.constant 0 : i32
        %dma_wait3A_78 = arith.constant 0 : i32
        %dma_wait3A_79 = tpu.memref_slice %arg10[%dma_wait3A_77, %dma_wait3A_78] : memref<10112x128xf32, #tpu.memory_space<vmem_shared>> -> memref<10112x128xf32, #tpu.memory_space<vmem_shared>>
        tpu.wait_indirect_dma semaphore(%run_scoped3A : memref<!tpu.dma_semaphore, #tpu.memory_space<semaphore_mem>>) src(%arg9 : memref<80x128xf32, #tpu.memory_space<vmem>>) dst(%dma_wait3A_79 : memref<10112x128xf32, #tpu.memory_space<vmem_shared>>)
        tpu.yield
      }) : () -> ()
      %add3A_61 = arith.constant 2 : i32
      %add3A_62 = arith.addi %add3A_55, %add3A_61 : i32
      %lt3A_63 = arith.constant 128 : i32
      %lt3A_64 = arith.cmpi slt, %add3A_62, %lt3A_63 : i32
      %convert_element_type3A_65 = arith.extui %lt3A_64 : i1 to i32
      %cond3A_66 = arith.constant 0 : i32
      %cond3A_67 = arith.cmpi ne, %convert_element_type3A_65, %cond3A_66 : i32
      scf.if %cond3A_67 {
        %add3A_68 = arith.constant 2 : i32
        %add3A_69 = arith.addi %add3A_55, %add3A_68 : i32
        %mul3A_70 = arith.constant 80 : i32
        %mul3A_71 = arith.muli %add3A_69, %mul3A_70 : i32
        %dma_start3A_72 = tpu.memref_slice %arg6[%mul3A_71] : memref<10240xi32, #tpu.memory_space<vmem>> -> memref<80xi32, #tpu.memory_space<vmem>>
        %dma_start3A_73 = arith.constant 0 : i32
        %dma_start3A_74 = arith.constant 0 : i32
        %dma_start3A_75 = tpu.memref_slice %arg2[%dma_start3A_73, %dma_start3A_74] : memref<40000x128xf32, #tpu.memory_space<hbm>> -> memref<40000x128xf32, #tpu.memory_space<hbm>>
        tpu.enqueue_indirect_dma source(%dma_start3A_75 : memref<40000x128xf32, #tpu.memory_space<hbm>>) target(%arg9 : memref<80x128xf32, #tpu.memory_space<vmem>>) offsets(%dma_start3A_72 : memref<80xi32, #tpu.memory_space<vmem>>) semaphore(%arg11 : memref<!tpu.dma_semaphore, #tpu.memory_space<semaphore_mem>>)
      } else {
      }
    }
    %scan3A_41 = arith.constant 64 : i32
    %barrier3A_42 = arith.constant 0 : index
    tpu.barrier barrier_id(%barrier3A_42)
    "tpu.region"() ({
      %run_scoped3A = tpu.sem_alloc : memref<!tpu.dma_semaphore, #tpu.memory_space<semaphore_mem>>
      %dma_start3A_43 = arith.constant 0 : i32
      %dma_start3A_44 = tpu.memref_slice %arg5[%arg0, %mul3A_4, %dma_start3A_43] : memref<2x10112x128xf32, #tpu.memory_space<hbm>> -> memref<1x632x128xf32, #tpu.memory_space<hbm>>
      %dma_start3A_45 = tpu.memref_squeeze %dma_start3A_44 : memref<1x632x128xf32, #tpu.memory_space<hbm>> -> memref<632x128xf32, #tpu.memory_space<hbm>>
      %dma_start3A_46 = arith.constant 0 : i32
      %dma_start3A_47 = tpu.memref_slice %arg10[%mul3A_4, %dma_start3A_46] : memref<10112x128xf32, #tpu.memory_space<vmem_shared>> -> memref<632x128xf32, #tpu.memory_space<vmem_shared>>
      tpu.enqueue_dma source(%dma_start3A_47 : memref<632x128xf32, #tpu.memory_space<vmem_shared>>) target(%dma_start3A_45 : memref<632x128xf32, #tpu.memory_space<hbm>>) target_semaphore(%run_scoped3A : memref<!tpu.dma_semaphore, #tpu.memory_space<semaphore_mem>>)
      %dma_wait3A = arith.constant 0 : i32
      %dma_wait3A_48 = tpu.memref_slice %arg5[%arg0, %mul3A_4, %dma_wait3A] : memref<2x10112x128xf32, #tpu.memory_space<hbm>> -> memref<1x632x128xf32, #tpu.memory_space<hbm>>
      %dma_wait3A_49 = tpu.memref_squeeze %dma_wait3A_48 : memref<1x632x128xf32, #tpu.memory_space<hbm>> -> memref<632x128xf32, #tpu.memory_space<hbm>>
      %dma_wait3A_50 = arith.constant 0 : i32
      %dma_wait3A_51 = tpu.memref_slice %arg10[%mul3A_4, %dma_wait3A_50] : memref<10112x128xf32, #tpu.memory_space<vmem_shared>> -> memref<632x128xf32, #tpu.memory_space<vmem_shared>>
      tpu.wait_dma2 semaphore(%run_scoped3A : memref<!tpu.dma_semaphore, #tpu.memory_space<semaphore_mem>>) src(%dma_wait3A_51 : memref<632x128xf32, #tpu.memory_space<vmem_shared>>) dst(%dma_wait3A_49 : memref<632x128xf32, #tpu.memory_space<hbm>>)
      tpu.yield
    }) : () -> ()
    return
  }
}

#map = affine_map<(d0, d1) -> (0)>
#map1 = affine_map<(d0, d1) -> (0, 0)>
module attributes {stable_mosaic.version = 14 : i64} {
  func.func @_sc_make_idx_body(%arg0: i32, %arg1: i32, %arg2: memref<320000xi32, #tpu.memory_space<hbm>>, %arg3: memref<2x320000xi32, #tpu.memory_space<hbm>>, %arg4: memref<2x7680xi32, #tpu.memory_space<hbm>>, %arg5: memref<327680xi32, #tpu.memory_space<hbm>>, %arg6: memref<327680xi32, #tpu.memory_space<hbm>>, %arg7: memref<10240xi32, #tpu.memory_space<vmem>>, %arg8: memref<10240xi32, #tpu.memory_space<vmem>>, %arg9: memref<10240xi32, #tpu.memory_space<vmem>>, %arg10: memref<!tpu.dma_semaphore, #tpu.memory_space<semaphore_mem>>) attributes {dimension_semantics = [#tpu.dimension_semantics<core_parallel>, #tpu.dimension_semantics<subcore_parallel>], iteration_bounds = array<i64: 2, 16>, scalar_prefetch = 0 : i64, scratch_operands = 4 : i64, tpu.core_type = #tpu.core_type<sc_vector_subcore>, window_params = [{transform_indices = #map}, {transform_indices = #map1}, {transform_indices = #map1}, {transform_indices = #map}, {transform_indices = #map}]} {
    %mul3A = arith.constant 2 : i32
    %mul3A_0 = arith.muli %arg1, %mul3A : i32
    %add3A = arith.addi %mul3A_0, %arg0 : i32
    %mul3A_1 = arith.constant 10240 : i32
    %mul3A_2 = arith.muli %add3A, %mul3A_1 : i32
    %lt3A = arith.constant 31 : i32
    %lt3A_3 = arith.cmpi slt, %add3A, %lt3A : i32
    %convert_element_type3A = arith.extui %lt3A_3 : i1 to i32
    %cond3A = arith.constant 0 : i32
    %cond3A_4 = arith.cmpi ne, %convert_element_type3A, %cond3A : i32
    scf.if %cond3A_4 {
      %dma_start3A = tpu.memref_slice %arg2[%mul3A_2] : memref<320000xi32, #tpu.memory_space<hbm>> -> memref<10240xi32, #tpu.memory_space<hbm>>
      %dma_start3A_9 = tpu.memref_slice %arg2[%mul3A_2] : memref<320000xi32, #tpu.memory_space<hbm>> -> memref<10240xi32, #tpu.memory_space<hbm>>
      tpu.enqueue_dma source(%dma_start3A_9 : memref<10240xi32, #tpu.memory_space<hbm>>) target(%arg7 : memref<10240xi32, #tpu.memory_space<vmem>>) target_semaphore(%arg10 : memref<!tpu.dma_semaphore, #tpu.memory_space<semaphore_mem>>)
      %dma_start3A_10 = arith.constant 0 : i32
      %dma_start3A_11 = tpu.memref_slice %arg3[%dma_start3A_10, %mul3A_2] : memref<2x320000xi32, #tpu.memory_space<hbm>> -> memref<1x10240xi32, #tpu.memory_space<hbm>>
      %dma_start3A_12 = tpu.memref_squeeze %dma_start3A_11 : memref<1x10240xi32, #tpu.memory_space<hbm>> -> memref<10240xi32, #tpu.memory_space<hbm>>
      %dma_start3A_13 = tpu.memref_slice %arg3[%dma_start3A_10, %mul3A_2] : memref<2x320000xi32, #tpu.memory_space<hbm>> -> memref<1x10240xi32, #tpu.memory_space<hbm>>
      %dma_start3A_14 = tpu.memref_squeeze %dma_start3A_13 : memref<1x10240xi32, #tpu.memory_space<hbm>> -> memref<10240xi32, #tpu.memory_space<hbm>>
      tpu.enqueue_dma source(%dma_start3A_14 : memref<10240xi32, #tpu.memory_space<hbm>>) target(%arg8 : memref<10240xi32, #tpu.memory_space<vmem>>) target_semaphore(%arg10 : memref<!tpu.dma_semaphore, #tpu.memory_space<semaphore_mem>>)
      %dma_start3A_15 = arith.constant 1 : i32
      %dma_start3A_16 = tpu.memref_slice %arg3[%dma_start3A_15, %mul3A_2] : memref<2x320000xi32, #tpu.memory_space<hbm>> -> memref<1x10240xi32, #tpu.memory_space<hbm>>
      %dma_start3A_17 = tpu.memref_squeeze %dma_start3A_16 : memref<1x10240xi32, #tpu.memory_space<hbm>> -> memref<10240xi32, #tpu.memory_space<hbm>>
      %dma_start3A_18 = tpu.memref_slice %arg3[%dma_start3A_15, %mul3A_2] : memref<2x320000xi32, #tpu.memory_space<hbm>> -> memref<1x10240xi32, #tpu.memory_space<hbm>>
      %dma_start3A_19 = tpu.memref_squeeze %dma_start3A_18 : memref<1x10240xi32, #tpu.memory_space<hbm>> -> memref<10240xi32, #tpu.memory_space<hbm>>
      tpu.enqueue_dma source(%dma_start3A_19 : memref<10240xi32, #tpu.memory_space<hbm>>) target(%arg9 : memref<10240xi32, #tpu.memory_space<vmem>>) target_semaphore(%arg10 : memref<!tpu.dma_semaphore, #tpu.memory_space<semaphore_mem>>)
      %dma_wait3A = tpu.memref_slice %arg2[%mul3A_2] : memref<320000xi32, #tpu.memory_space<hbm>> -> memref<10240xi32, #tpu.memory_space<hbm>>
      %dma_wait3A_20 = tpu.memref_slice %arg2[%mul3A_2] : memref<320000xi32, #tpu.memory_space<hbm>> -> memref<10240xi32, #tpu.memory_space<hbm>>
      tpu.wait_dma2 semaphore(%arg10 : memref<!tpu.dma_semaphore, #tpu.memory_space<semaphore_mem>>) src(%dma_wait3A_20 : memref<10240xi32, #tpu.memory_space<hbm>>) dst(%arg7 : memref<10240xi32, #tpu.memory_space<vmem>>)
      %dma_wait3A_21 = tpu.memref_slice %arg2[%mul3A_2] : memref<320000xi32, #tpu.memory_space<hbm>> -> memref<10240xi32, #tpu.memory_space<hbm>>
      %dma_wait3A_22 = tpu.memref_slice %arg2[%mul3A_2] : memref<320000xi32, #tpu.memory_space<hbm>> -> memref<10240xi32, #tpu.memory_space<hbm>>
      tpu.wait_dma2 semaphore(%arg10 : memref<!tpu.dma_semaphore, #tpu.memory_space<semaphore_mem>>) src(%dma_wait3A_22 : memref<10240xi32, #tpu.memory_space<hbm>>) dst(%arg8 : memref<10240xi32, #tpu.memory_space<vmem>>)
      %dma_wait3A_23 = tpu.memref_slice %arg2[%mul3A_2] : memref<320000xi32, #tpu.memory_space<hbm>> -> memref<10240xi32, #tpu.memory_space<hbm>>
      %dma_wait3A_24 = tpu.memref_slice %arg2[%mul3A_2] : memref<320000xi32, #tpu.memory_space<hbm>> -> memref<10240xi32, #tpu.memory_space<hbm>>
      tpu.wait_dma2 semaphore(%arg10 : memref<!tpu.dma_semaphore, #tpu.memory_space<semaphore_mem>>) src(%dma_wait3A_24 : memref<10240xi32, #tpu.memory_space<hbm>>) dst(%arg9 : memref<10240xi32, #tpu.memory_space<vmem>>)
      %scan3A = arith.constant 0 : i32
      %scan3A_25 = arith.constant 0 : i32
      %scan3A_26 = arith.constant 160 : i32
      %scan3A_27 = arith.addi %scan3A_25, %scan3A_26 : i32
      %scan3A_28 = arith.constant 1 : i32
      scf.for %scan3A_30 = %scan3A_25 to %scan3A_27 step %scan3A_28  : i32 {
        %mul3A_31 = arith.constant 64 : i32
        %mul3A_32 = arith.muli %scan3A_30, %mul3A_31 : i32
        %add3A_33 = arith.constant 0 : i32
        %add3A_34 = arith.addi %mul3A_32, %add3A_33 : i32
        %get3A = arith.index_cast %add3A_34 : i32 to index
        %get3A_35 = tpu.vector_load %arg8[%get3A] {strides = array<i32>} : memref<10240xi32, #tpu.memory_space<vmem>>, vector<16xi32>,
        %get3A_36 = vector.shape_cast %get3A_35 : vector<16xi32> to vector<16xi32>
        %get3A_37 = arith.index_cast %add3A_34 : i32 to index
        %get3A_38 = tpu.vector_load %arg7[%get3A_37] {strides = array<i32>} : memref<10240xi32, #tpu.memory_space<vmem>>, vector<16xi32>,
        %get3A_39 = vector.shape_cast %get3A_38 : vector<16xi32> to vector<16xi32>
        %mul3A_40 = arith.constant 10000 : i32
        %mul3A_41 = vector.broadcast %mul3A_40 : i32 to vector<16xi32>
        %mul3A_42 = arith.muli %get3A_39, %mul3A_41 : vector<16xi32>
        %add3A_43 = arith.addi %get3A_36, %mul3A_42 : vector<16xi32>
        %swap3A = arith.index_cast %add3A_34 : i32 to index
        %swap3A_44 = tpu.vector_load %arg8[%swap3A] {strides = array<i32>} : memref<10240xi32, #tpu.memory_space<vmem>>, vector<16xi32>,
        %swap3A_45 = vector.shape_cast %swap3A_44 : vector<16xi32> to vector<16xi32>
        %swap3A_46 = vector.shape_cast %add3A_43 : vector<16xi32> to vector<16xi32>
        tpu.vector_store %arg8[%swap3A], %swap3A_46 {strides = array<i32>} : memref<10240xi32, #tpu.memory_space<vmem>>, vector<16xi32>,
        %mul3A_47 = arith.constant 64 : i32
        %mul3A_48 = arith.muli %scan3A_30, %mul3A_47 : i32
        %add3A_49 = arith.constant 16 : i32
        %add3A_50 = arith.addi %mul3A_48, %add3A_49 : i32
        %get3A_51 = arith.index_cast %add3A_50 : i32 to index
        %get3A_52 = tpu.vector_load %arg8[%get3A_51] {strides = array<i32>} : memref<10240xi32, #tpu.memory_space<vmem>>, vector<16xi32>,
        %get3A_53 = vector.shape_cast %get3A_52 : vector<16xi32> to vector<16xi32>
        %get3A_54 = arith.index_cast %add3A_50 : i32 to index
        %get3A_55 = tpu.vector_load %arg7[%get3A_54] {strides = array<i32>} : memref<10240xi32, #tpu.memory_space<vmem>>, vector<16xi32>,
        %get3A_56 = vector.shape_cast %get3A_55 : vector<16xi32> to vector<16xi32>
        %mul3A_57 = arith.constant 10000 : i32
        %mul3A_58 = vector.broadcast %mul3A_57 : i32 to vector<16xi32>
        %mul3A_59 = arith.muli %get3A_56, %mul3A_58 : vector<16xi32>
        %add3A_60 = arith.addi %get3A_53, %mul3A_59 : vector<16xi32>
        %swap3A_61 = arith.index_cast %add3A_50 : i32 to index
        %swap3A_62 = tpu.vector_load %arg8[%swap3A_61] {strides = array<i32>} : memref<10240xi32, #tpu.memory_space<vmem>>, vector<16xi32>,
        %swap3A_63 = vector.shape_cast %swap3A_62 : vector<16xi32> to vector<16xi32>
        %swap3A_64 = vector.shape_cast %add3A_60 : vector<16xi32> to vector<16xi32>
        tpu.vector_store %arg8[%swap3A_61], %swap3A_64 {strides = array<i32>} : memref<10240xi32, #tpu.memory_space<vmem>>, vector<16xi32>,
        %mul3A_65 = arith.constant 64 : i32
        %mul3A_66 = arith.muli %scan3A_30, %mul3A_65 : i32
        %add3A_67 = arith.constant 32 : i32
        %add3A_68 = arith.addi %mul3A_66, %add3A_67 : i32
        %get3A_69 = arith.index_cast %add3A_68 : i32 to index
        %get3A_70 = tpu.vector_load %arg8[%get3A_69] {strides = array<i32>} : memref<10240xi32, #tpu.memory_space<vmem>>, vector<16xi32>,
        %get3A_71 = vector.shape_cast %get3A_70 : vector<16xi32> to vector<16xi32>
        %get3A_72 = arith.index_cast %add3A_68 : i32 to index
        %get3A_73 = tpu.vector_load %arg7[%get3A_72] {strides = array<i32>} : memref<10240xi32, #tpu.memory_space<vmem>>, vector<16xi32>,
        %get3A_74 = vector.shape_cast %get3A_73 : vector<16xi32> to vector<16xi32>
        %mul3A_75 = arith.constant 10000 : i32
        %mul3A_76 = vector.broadcast %mul3A_75 : i32 to vector<16xi32>
        %mul3A_77 = arith.muli %get3A_74, %mul3A_76 : vector<16xi32>
        %add3A_78 = arith.addi %get3A_71, %mul3A_77 : vector<16xi32>
        %swap3A_79 = arith.index_cast %add3A_68 : i32 to index
        %swap3A_80 = tpu.vector_load %arg8[%swap3A_79] {strides = array<i32>} : memref<10240xi32, #tpu.memory_space<vmem>>, vector<16xi32>,
        %swap3A_81 = vector.shape_cast %swap3A_80 : vector<16xi32> to vector<16xi32>
        %swap3A_82 = vector.shape_cast %add3A_78 : vector<16xi32> to vector<16xi32>
        tpu.vector_store %arg8[%swap3A_79], %swap3A_82 {strides = array<i32>} : memref<10240xi32, #tpu.memory_space<vmem>>, vector<16xi32>,
        %mul3A_83 = arith.constant 64 : i32
        %mul3A_84 = arith.muli %scan3A_30, %mul3A_83 : i32
        %add3A_85 = arith.constant 48 : i32
        %add3A_86 = arith.addi %mul3A_84, %add3A_85 : i32
        %get3A_87 = arith.index_cast %add3A_86 : i32 to index
        %get3A_88 = tpu.vector_load %arg8[%get3A_87] {strides = array<i32>} : memref<10240xi32, #tpu.memory_space<vmem>>, vector<16xi32>,
        %get3A_89 = vector.shape_cast %get3A_88 : vector<16xi32> to vector<16xi32>
        %get3A_90 = arith.index_cast %add3A_86 : i32 to index
        %get3A_91 = tpu.vector_load %arg7[%get3A_90] {strides = array<i32>} : memref<10240xi32, #tpu.memory_space<vmem>>, vector<16xi32>,
        %get3A_92 = vector.shape_cast %get3A_91 : vector<16xi32> to vector<16xi32>
        %mul3A_93 = arith.constant 10000 : i32
        %mul3A_94 = vector.broadcast %mul3A_93 : i32 to vector<16xi32>
        %mul3A_95 = arith.muli %get3A_92, %mul3A_94 : vector<16xi32>
        %add3A_96 = arith.addi %get3A_89, %mul3A_95 : vector<16xi32>
        %swap3A_97 = arith.index_cast %add3A_86 : i32 to index
        %swap3A_98 = tpu.vector_load %arg8[%swap3A_97] {strides = array<i32>} : memref<10240xi32, #tpu.memory_space<vmem>>, vector<16xi32>,
        %swap3A_99 = vector.shape_cast %swap3A_98 : vector<16xi32> to vector<16xi32>
        %swap3A_100 = vector.shape_cast %add3A_96 : vector<16xi32> to vector<16xi32>
        tpu.vector_store %arg8[%swap3A_97], %swap3A_100 {strides = array<i32>} : memref<10240xi32, #tpu.memory_space<vmem>>, vector<16xi32>,
      }
      %scan3A_29 = arith.constant 160 : i32
    } else {
    }
    %eq3A = arith.constant 31 : i32
    %eq3A_5 = arith.cmpi eq, %add3A, %eq3A : i32
    %convert_element_type3A_6 = arith.extui %eq3A_5 : i1 to i32
    %cond3A_7 = arith.constant 0 : i32
    %cond3A_8 = arith.cmpi ne, %convert_element_type3A_6, %cond3A_7 : i32
    scf.if %cond3A_8 {
      %dma_start3A = arith.constant 0 : i32
      %dma_start3A_9 = tpu.memref_slice %arg7[%dma_start3A] : memref<10240xi32, #tpu.memory_space<vmem>> -> memref<2560xi32, #tpu.memory_space<vmem>>
      %dma_start3A_10 = tpu.memref_slice %arg2[%mul3A_2] : memref<320000xi32, #tpu.memory_space<hbm>> -> memref<2560xi32, #tpu.memory_space<hbm>>
      %dma_start3A_11 = arith.constant 0 : i32
      %dma_start3A_12 = tpu.memref_slice %arg7[%dma_start3A_11] : memref<10240xi32, #tpu.memory_space<vmem>> -> memref<2560xi32, #tpu.memory_space<vmem>>
      %dma_start3A_13 = tpu.memref_slice %arg2[%mul3A_2] : memref<320000xi32, #tpu.memory_space<hbm>> -> memref<2560xi32, #tpu.memory_space<hbm>>
      tpu.enqueue_dma source(%dma_start3A_13 : memref<2560xi32, #tpu.memory_space<hbm>>) target(%dma_start3A_12 : memref<2560xi32, #tpu.memory_space<vmem>>) target_semaphore(%arg10 : memref<!tpu.dma_semaphore, #tpu.memory_space<semaphore_mem>>)
      %dma_start3A_14 = arith.constant 0 : i32
      %dma_start3A_15 = arith.constant 0 : i32
      %dma_start3A_16 = tpu.memref_slice %arg8[%dma_start3A_15] : memref<10240xi32, #tpu.memory_space<vmem>> -> memref<2560xi32, #tpu.memory_space<vmem>>
      %dma_start3A_17 = tpu.memref_slice %arg3[%dma_start3A_14, %mul3A_2] : memref<2x320000xi32, #tpu.memory_space<hbm>> -> memref<1x2560xi32, #tpu.memory_space<hbm>>
      %dma_start3A_18 = tpu.memref_squeeze %dma_start3A_17 : memref<1x2560xi32, #tpu.memory_space<hbm>> -> memref<2560xi32, #tpu.memory_space<hbm>>
      %dma_start3A_19 = arith.constant 0 : i32
      %dma_start3A_20 = tpu.memref_slice %arg8[%dma_start3A_19] : memref<10240xi32, #tpu.memory_space<vmem>> -> memref<2560xi32, #tpu.memory_space<vmem>>
      %dma_start3A_21 = tpu.memref_slice %arg3[%dma_start3A_14, %mul3A_2] : memref<2x320000xi32, #tpu.memory_space<hbm>> -> memref<1x2560xi32, #tpu.memory_space<hbm>>
      %dma_start3A_22 = tpu.memref_squeeze %dma_start3A_21 : memref<1x2560xi32, #tpu.memory_space<hbm>> -> memref<2560xi32, #tpu.memory_space<hbm>>
      tpu.enqueue_dma source(%dma_start3A_22 : memref<2560xi32, #tpu.memory_space<hbm>>) target(%dma_start3A_20 : memref<2560xi32, #tpu.memory_space<vmem>>) target_semaphore(%arg10 : memref<!tpu.dma_semaphore, #tpu.memory_space<semaphore_mem>>)
      %dma_start3A_23 = arith.constant 1 : i32
      %dma_start3A_24 = arith.constant 0 : i32
      %dma_start3A_25 = tpu.memref_slice %arg9[%dma_start3A_24] : memref<10240xi32, #tpu.memory_space<vmem>> -> memref<2560xi32, #tpu.memory_space<vmem>>
      %dma_start3A_26 = tpu.memref_slice %arg3[%dma_start3A_23, %mul3A_2] : memref<2x320000xi32, #tpu.memory_space<hbm>> -> memref<1x2560xi32, #tpu.memory_space<hbm>>
      %dma_start3A_27 = tpu.memref_squeeze %dma_start3A_26 : memref<1x2560xi32, #tpu.memory_space<hbm>> -> memref<2560xi32, #tpu.memory_space<hbm>>
      %dma_start3A_28 = arith.constant 0 : i32
      %dma_start3A_29 = tpu.memref_slice %arg9[%dma_start3A_28] : memref<10240xi32, #tpu.memory_space<vmem>> -> memref<2560xi32, #tpu.memory_space<vmem>>
      %dma_start3A_30 = tpu.memref_slice %arg3[%dma_start3A_23, %mul3A_2] : memref<2x320000xi32, #tpu.memory_space<hbm>> -> memref<1x2560xi32, #tpu.memory_space<hbm>>
      %dma_start3A_31 = tpu.memref_squeeze %dma_start3A_30 : memref<1x2560xi32, #tpu.memory_space<hbm>> -> memref<2560xi32, #tpu.memory_space<hbm>>
      tpu.enqueue_dma source(%dma_start3A_31 : memref<2560xi32, #tpu.memory_space<hbm>>) target(%dma_start3A_29 : memref<2560xi32, #tpu.memory_space<vmem>>) target_semaphore(%arg10 : memref<!tpu.dma_semaphore, #tpu.memory_space<semaphore_mem>>)
      %dma_start3A_32 = arith.constant 0 : i32
      %dma_start3A_33 = arith.constant 2560 : i32
      %dma_start3A_34 = tpu.memref_slice %arg8[%dma_start3A_33] : memref<10240xi32, #tpu.memory_space<vmem>> -> memref<7680xi32, #tpu.memory_space<vmem>>
      %dma_start3A_35 = arith.constant 0 : i32
      %dma_start3A_36 = tpu.memref_slice %arg4[%dma_start3A_32, %dma_start3A_35] : memref<2x7680xi32, #tpu.memory_space<hbm>> -> memref<1x7680xi32, #tpu.memory_space<hbm>>
      %dma_start3A_37 = tpu.memref_squeeze %dma_start3A_36 : memref<1x7680xi32, #tpu.memory_space<hbm>> -> memref<7680xi32, #tpu.memory_space<hbm>>
      %dma_start3A_38 = arith.constant 2560 : i32
      %dma_start3A_39 = tpu.memref_slice %arg8[%dma_start3A_38] : memref<10240xi32, #tpu.memory_space<vmem>> -> memref<7680xi32, #tpu.memory_space<vmem>>
      %dma_start3A_40 = arith.constant 0 : i32
      %dma_start3A_41 = tpu.memref_slice %arg4[%dma_start3A_32, %dma_start3A_40] : memref<2x7680xi32, #tpu.memory_space<hbm>> -> memref<1x7680xi32, #tpu.memory_space<hbm>>
      %dma_start3A_42 = tpu.memref_squeeze %dma_start3A_41 : memref<1x7680xi32, #tpu.memory_space<hbm>> -> memref<7680xi32, #tpu.memory_space<hbm>>
      tpu.enqueue_dma source(%dma_start3A_42 : memref<7680xi32, #tpu.memory_space<hbm>>) target(%dma_start3A_39 : memref<7680xi32, #tpu.memory_space<vmem>>) target_semaphore(%arg10 : memref<!tpu.dma_semaphore, #tpu.memory_space<semaphore_mem>>)
      %dma_start3A_43 = arith.constant 1 : i32
      %dma_start3A_44 = arith.constant 2560 : i32
      %dma_start3A_45 = tpu.memref_slice %arg9[%dma_start3A_44] : memref<10240xi32, #tpu.memory_space<vmem>> -> memref<7680xi32, #tpu.memory_space<vmem>>
      %dma_start3A_46 = arith.constant 0 : i32
      %dma_start3A_47 = tpu.memref_slice %arg4[%dma_start3A_43, %dma_start3A_46] : memref<2x7680xi32, #tpu.memory_space<hbm>> -> memref<1x7680xi32, #tpu.memory_space<hbm>>
      %dma_start3A_48 = tpu.memref_squeeze %dma_start3A_47 : memref<1x7680xi32, #tpu.memory_space<hbm>> -> memref<7680xi32, #tpu.memory_space<hbm>>
      %dma_start3A_49 = arith.constant 2560 : i32
      %dma_start3A_50 = tpu.memref_slice %arg9[%dma_start3A_49] : memref<10240xi32, #tpu.memory_space<vmem>> -> memref<7680xi32, #tpu.memory_space<vmem>>
      %dma_start3A_51 = arith.constant 0 : i32
      %dma_start3A_52 = tpu.memref_slice %arg4[%dma_start3A_43, %dma_start3A_51] : memref<2x7680xi32, #tpu.memory_space<hbm>> -> memref<1x7680xi32, #tpu.memory_space<hbm>>
      %dma_start3A_53 = tpu.memref_squeeze %dma_start3A_52 : memref<1x7680xi32, #tpu.memory_space<hbm>> -> memref<7680xi32, #tpu.memory_space<hbm>>
      tpu.enqueue_dma source(%dma_start3A_53 : memref<7680xi32, #tpu.memory_space<hbm>>) target(%dma_start3A_50 : memref<7680xi32, #tpu.memory_space<vmem>>) target_semaphore(%arg10 : memref<!tpu.dma_semaphore, #tpu.memory_space<semaphore_mem>>)
      %dma_wait3A = arith.constant 0 : i32
      %dma_wait3A_54 = tpu.memref_slice %arg7[%dma_wait3A] : memref<10240xi32, #tpu.memory_space<vmem>> -> memref<2560xi32, #tpu.memory_space<vmem>>
      %dma_wait3A_55 = tpu.memref_slice %arg2[%mul3A_2] : memref<320000xi32, #tpu.memory_space<hbm>> -> memref<2560xi32, #tpu.memory_space<hbm>>
      %dma_wait3A_56 = arith.constant 0 : i32
      %dma_wait3A_57 = tpu.memref_slice %arg7[%dma_wait3A_56] : memref<10240xi32, #tpu.memory_space<vmem>> -> memref<2560xi32, #tpu.memory_space<vmem>>
      %dma_wait3A_58 = tpu.memref_slice %arg2[%mul3A_2] : memref<320000xi32, #tpu.memory_space<hbm>> -> memref<2560xi32, #tpu.memory_space<hbm>>
      tpu.wait_dma2 semaphore(%arg10 : memref<!tpu.dma_semaphore, #tpu.memory_space<semaphore_mem>>) src(%dma_wait3A_58 : memref<2560xi32, #tpu.memory_space<hbm>>) dst(%dma_wait3A_57 : memref<2560xi32, #tpu.memory_space<vmem>>)
      %dma_wait3A_59 = arith.constant 0 : i32
      %dma_wait3A_60 = tpu.memref_slice %arg7[%dma_wait3A_59] : memref<10240xi32, #tpu.memory_space<vmem>> -> memref<2560xi32, #tpu.memory_space<vmem>>
      %dma_wait3A_61 = tpu.memref_slice %arg2[%mul3A_2] : memref<320000xi32, #tpu.memory_space<hbm>> -> memref<2560xi32, #tpu.memory_space<hbm>>
      %dma_wait3A_62 = arith.constant 0 : i32
      %dma_wait3A_63 = tpu.memref_slice %arg7[%dma_wait3A_62] : memref<10240xi32, #tpu.memory_space<vmem>> -> memref<2560xi32, #tpu.memory_space<vmem>>
      %dma_wait3A_64 = tpu.memref_slice %arg2[%mul3A_2] : memref<320000xi32, #tpu.memory_space<hbm>> -> memref<2560xi32, #tpu.memory_space<hbm>>
      tpu.wait_dma2 semaphore(%arg10 : memref<!tpu.dma_semaphore, #tpu.memory_space<semaphore_mem>>) src(%dma_wait3A_64 : memref<2560xi32, #tpu.memory_space<hbm>>) dst(%dma_wait3A_63 : memref<2560xi32, #tpu.memory_space<vmem>>)
      %dma_wait3A_65 = arith.constant 0 : i32
      %dma_wait3A_66 = tpu.memref_slice %arg7[%dma_wait3A_65] : memref<10240xi32, #tpu.memory_space<vmem>> -> memref<2560xi32, #tpu.memory_space<vmem>>
      %dma_wait3A_67 = tpu.memref_slice %arg2[%mul3A_2] : memref<320000xi32, #tpu.memory_space<hbm>> -> memref<2560xi32, #tpu.memory_space<hbm>>
      %dma_wait3A_68 = arith.constant 0 : i32
      %dma_wait3A_69 = tpu.memref_slice %arg7[%dma_wait3A_68] : memref<10240xi32, #tpu.memory_space<vmem>> -> memref<2560xi32, #tpu.memory_space<vmem>>
      %dma_wait3A_70 = tpu.memref_slice %arg2[%mul3A_2] : memref<320000xi32, #tpu.memory_space<hbm>> -> memref<2560xi32, #tpu.memory_space<hbm>>
      tpu.wait_dma2 semaphore(%arg10 : memref<!tpu.dma_semaphore, #tpu.memory_space<semaphore_mem>>) src(%dma_wait3A_70 : memref<2560xi32, #tpu.memory_space<hbm>>) dst(%dma_wait3A_69 : memref<2560xi32, #tpu.memory_space<vmem>>)
      %dma_wait3A_71 = arith.constant 0 : i32
      %dma_wait3A_72 = arith.constant 2560 : i32
      %dma_wait3A_73 = tpu.memref_slice %arg8[%dma_wait3A_72] : memref<10240xi32, #tpu.memory_space<vmem>> -> memref<7680xi32, #tpu.memory_space<vmem>>
      %dma_wait3A_74 = arith.constant 0 : i32
      %dma_wait3A_75 = tpu.memref_slice %arg4[%dma_wait3A_71, %dma_wait3A_74] : memref<2x7680xi32, #tpu.memory_space<hbm>> -> memref<1x7680xi32, #tpu.memory_space<hbm>>
      %dma_wait3A_76 = tpu.memref_squeeze %dma_wait3A_75 : memref<1x7680xi32, #tpu.memory_space<hbm>> -> memref<7680xi32, #tpu.memory_space<hbm>>
      %dma_wait3A_77 = arith.constant 2560 : i32
      %dma_wait3A_78 = tpu.memref_slice %arg8[%dma_wait3A_77] : memref<10240xi32, #tpu.memory_space<vmem>> -> memref<7680xi32, #tpu.memory_space<vmem>>
      %dma_wait3A_79 = arith.constant 0 : i32
      %dma_wait3A_80 = tpu.memref_slice %arg4[%dma_wait3A_71, %dma_wait3A_79] : memref<2x7680xi32, #tpu.memory_space<hbm>> -> memref<1x7680xi32, #tpu.memory_space<hbm>>
      %dma_wait3A_81 = tpu.memref_squeeze %dma_wait3A_80 : memref<1x7680xi32, #tpu.memory_space<hbm>> -> memref<7680xi32, #tpu.memory_space<hbm>>
      tpu.wait_dma2 semaphore(%arg10 : memref<!tpu.dma_semaphore, #tpu.memory_space<semaphore_mem>>) src(%dma_wait3A_81 : memref<7680xi32, #tpu.memory_space<hbm>>) dst(%dma_wait3A_78 : memref<7680xi32, #tpu.memory_space<vmem>>)
      %dma_wait3A_82 = arith.constant 0 : i32
      %dma_wait3A_83 = arith.constant 2560 : i32
      %dma_wait3A_84 = tpu.memref_slice %arg8[%dma_wait3A_83] : memref<10240xi32, #tpu.memory_space<vmem>> -> memref<7680xi32, #tpu.memory_space<vmem>>
      %dma_wait3A_85 = arith.constant 0 : i32
      %dma_wait3A_86 = tpu.memref_slice %arg4[%dma_wait3A_82, %dma_wait3A_85] : memref<2x7680xi32, #tpu.memory_space<hbm>> -> memref<1x7680xi32, #tpu.memory_space<hbm>>
      %dma_wait3A_87 = tpu.memref_squeeze %dma_wait3A_86 : memref<1x7680xi32, #tpu.memory_space<hbm>> -> memref<7680xi32, #tpu.memory_space<hbm>>
      %dma_wait3A_88 = arith.constant 2560 : i32
      %dma_wait3A_89 = tpu.memref_slice %arg8[%dma_wait3A_88] : memref<10240xi32, #tpu.memory_space<vmem>> -> memref<7680xi32, #tpu.memory_space<vmem>>
      %dma_wait3A_90 = arith.constant 0 : i32
      %dma_wait3A_91 = tpu.memref_slice %arg4[%dma_wait3A_82, %dma_wait3A_90] : memref<2x7680xi32, #tpu.memory_space<hbm>> -> memref<1x7680xi32, #tpu.memory_space<hbm>>
      %dma_wait3A_92 = tpu.memref_squeeze %dma_wait3A_91 : memref<1x7680xi32, #tpu.memory_space<hbm>> -> memref<7680xi32, #tpu.memory_space<hbm>>
      tpu.wait_dma2 semaphore(%arg10 : memref<!tpu.dma_semaphore, #tpu.memory_space<semaphore_mem>>) src(%dma_wait3A_92 : memref<7680xi32, #tpu.memory_space<hbm>>) dst(%dma_wait3A_89 : memref<7680xi32, #tpu.memory_space<vmem>>)
      %scan3A = arith.constant 0 : i32
      %scan3A_93 = arith.constant 0 : i32
      %scan3A_94 = arith.constant 40 : i32
      %scan3A_95 = arith.addi %scan3A_93, %scan3A_94 : i32
      %scan3A_96 = arith.constant 1 : i32
      scf.for %scan3A_98 = %scan3A_93 to %scan3A_95 step %scan3A_96  : i32 {
        %mul3A_99 = arith.constant 64 : i32
        %mul3A_100 = arith.muli %scan3A_98, %mul3A_99 : i32
        %add3A_101 = arith.constant 0 : i32
        %add3A_102 = arith.addi %mul3A_100, %add3A_101 : i32
        %get3A = arith.index_cast %add3A_102 : i32 to index
        %get3A_103 = tpu.vector_load %arg8[%get3A] {strides = array<i32>} : memref<10240xi32, #tpu.memory_space<vmem>>, vector<16xi32>,
        %get3A_104 = vector.shape_cast %get3A_103 : vector<16xi32> to vector<16xi32>
        %get3A_105 = arith.index_cast %add3A_102 : i32 to index
        %get3A_106 = tpu.vector_load %arg7[%get3A_105] {strides = array<i32>} : memref<10240xi32, #tpu.memory_space<vmem>>, vector<16xi32>,
        %get3A_107 = vector.shape_cast %get3A_106 : vector<16xi32> to vector<16xi32>
        %mul3A_108 = arith.constant 10000 : i32
        %mul3A_109 = vector.broadcast %mul3A_108 : i32 to vector<16xi32>
        %mul3A_110 = arith.muli %get3A_107, %mul3A_109 : vector<16xi32>
        %add3A_111 = arith.addi %get3A_104, %mul3A_110 : vector<16xi32>
        %swap3A = arith.index_cast %add3A_102 : i32 to index
        %swap3A_112 = tpu.vector_load %arg8[%swap3A] {strides = array<i32>} : memref<10240xi32, #tpu.memory_space<vmem>>, vector<16xi32>,
        %swap3A_113 = vector.shape_cast %swap3A_112 : vector<16xi32> to vector<16xi32>
        %swap3A_114 = vector.shape_cast %add3A_111 : vector<16xi32> to vector<16xi32>
        tpu.vector_store %arg8[%swap3A], %swap3A_114 {strides = array<i32>} : memref<10240xi32, #tpu.memory_space<vmem>>, vector<16xi32>,
        %mul3A_115 = arith.constant 64 : i32
        %mul3A_116 = arith.muli %scan3A_98, %mul3A_115 : i32
        %add3A_117 = arith.constant 16 : i32
        %add3A_118 = arith.addi %mul3A_116, %add3A_117 : i32
        %get3A_119 = arith.index_cast %add3A_118 : i32 to index
        %get3A_120 = tpu.vector_load %arg8[%get3A_119] {strides = array<i32>} : memref<10240xi32, #tpu.memory_space<vmem>>, vector<16xi32>,
        %get3A_121 = vector.shape_cast %get3A_120 : vector<16xi32> to vector<16xi32>
        %get3A_122 = arith.index_cast %add3A_118 : i32 to index
        %get3A_123 = tpu.vector_load %arg7[%get3A_122] {strides = array<i32>} : memref<10240xi32, #tpu.memory_space<vmem>>, vector<16xi32>,
        %get3A_124 = vector.shape_cast %get3A_123 : vector<16xi32> to vector<16xi32>
        %mul3A_125 = arith.constant 10000 : i32
        %mul3A_126 = vector.broadcast %mul3A_125 : i32 to vector<16xi32>
        %mul3A_127 = arith.muli %get3A_124, %mul3A_126 : vector<16xi32>
        %add3A_128 = arith.addi %get3A_121, %mul3A_127 : vector<16xi32>
        %swap3A_129 = arith.index_cast %add3A_118 : i32 to index
        %swap3A_130 = tpu.vector_load %arg8[%swap3A_129] {strides = array<i32>} : memref<10240xi32, #tpu.memory_space<vmem>>, vector<16xi32>,
        %swap3A_131 = vector.shape_cast %swap3A_130 : vector<16xi32> to vector<16xi32>
        %swap3A_132 = vector.shape_cast %add3A_128 : vector<16xi32> to vector<16xi32>
        tpu.vector_store %arg8[%swap3A_129], %swap3A_132 {strides = array<i32>} : memref<10240xi32, #tpu.memory_space<vmem>>, vector<16xi32>,
        %mul3A_133 = arith.constant 64 : i32
        %mul3A_134 = arith.muli %scan3A_98, %mul3A_133 : i32
        %add3A_135 = arith.constant 32 : i32
        %add3A_136 = arith.addi %mul3A_134, %add3A_135 : i32
        %get3A_137 = arith.index_cast %add3A_136 : i32 to index
        %get3A_138 = tpu.vector_load %arg8[%get3A_137] {strides = array<i32>} : memref<10240xi32, #tpu.memory_space<vmem>>, vector<16xi32>,
        %get3A_139 = vector.shape_cast %get3A_138 : vector<16xi32> to vector<16xi32>
        %get3A_140 = arith.index_cast %add3A_136 : i32 to index
        %get3A_141 = tpu.vector_load %arg7[%get3A_140] {strides = array<i32>} : memref<10240xi32, #tpu.memory_space<vmem>>, vector<16xi32>,
        %get3A_142 = vector.shape_cast %get3A_141 : vector<16xi32> to vector<16xi32>
        %mul3A_143 = arith.constant 10000 : i32
        %mul3A_144 = vector.broadcast %mul3A_143 : i32 to vector<16xi32>
        %mul3A_145 = arith.muli %get3A_142, %mul3A_144 : vector<16xi32>
        %add3A_146 = arith.addi %get3A_139, %mul3A_145 : vector<16xi32>
        %swap3A_147 = arith.index_cast %add3A_136 : i32 to index
        %swap3A_148 = tpu.vector_load %arg8[%swap3A_147] {strides = array<i32>} : memref<10240xi32, #tpu.memory_space<vmem>>, vector<16xi32>,
        %swap3A_149 = vector.shape_cast %swap3A_148 : vector<16xi32> to vector<16xi32>
        %swap3A_150 = vector.shape_cast %add3A_146 : vector<16xi32> to vector<16xi32>
        tpu.vector_store %arg8[%swap3A_147], %swap3A_150 {strides = array<i32>} : memref<10240xi32, #tpu.memory_space<vmem>>, vector<16xi32>,
        %mul3A_151 = arith.constant 64 : i32
        %mul3A_152 = arith.muli %scan3A_98, %mul3A_151 : i32
        %add3A_153 = arith.constant 48 : i32
        %add3A_154 = arith.addi %mul3A_152, %add3A_153 : i32
        %get3A_155 = arith.index_cast %add3A_154 : i32 to index
        %get3A_156 = tpu.vector_load %arg8[%get3A_155] {strides = array<i32>} : memref<10240xi32, #tpu.memory_space<vmem>>, vector<16xi32>,
        %get3A_157 = vector.shape_cast %get3A_156 : vector<16xi32> to vector<16xi32>
        %get3A_158 = arith.index_cast %add3A_154 : i32 to index
        %get3A_159 = tpu.vector_load %arg7[%get3A_158] {strides = array<i32>} : memref<10240xi32, #tpu.memory_space<vmem>>, vector<16xi32>,
        %get3A_160 = vector.shape_cast %get3A_159 : vector<16xi32> to vector<16xi32>
        %mul3A_161 = arith.constant 10000 : i32
        %mul3A_162 = vector.broadcast %mul3A_161 : i32 to vector<16xi32>
        %mul3A_163 = arith.muli %get3A_160, %mul3A_162 : vector<16xi32>
        %add3A_164 = arith.addi %get3A_157, %mul3A_163 : vector<16xi32>
        %swap3A_165 = arith.index_cast %add3A_154 : i32 to index
        %swap3A_166 = tpu.vector_load %arg8[%swap3A_165] {strides = array<i32>} : memref<10240xi32, #tpu.memory_space<vmem>>, vector<16xi32>,
        %swap3A_167 = vector.shape_cast %swap3A_166 : vector<16xi32> to vector<16xi32>
        %swap3A_168 = vector.shape_cast %add3A_164 : vector<16xi32> to vector<16xi32>
        tpu.vector_store %arg8[%swap3A_165], %swap3A_168 {strides = array<i32>} : memref<10240xi32, #tpu.memory_space<vmem>>, vector<16xi32>,
      }
      %scan3A_97 = arith.constant 40 : i32
    } else {
    }
    "tpu.region"() ({
      %run_scoped3A = tpu.sem_alloc : memref<!tpu.dma_semaphore, #tpu.memory_space<semaphore_mem>>
      %dma_start3A = tpu.memref_slice %arg5[%mul3A_2] : memref<327680xi32, #tpu.memory_space<hbm>> -> memref<10240xi32, #tpu.memory_space<hbm>>
      %dma_start3A_9 = tpu.memref_slice %arg5[%mul3A_2] : memref<327680xi32, #tpu.memory_space<hbm>> -> memref<10240xi32, #tpu.memory_space<hbm>>
      tpu.enqueue_dma source(%arg8 : memref<10240xi32, #tpu.memory_space<vmem>>) target(%dma_start3A_9 : memref<10240xi32, #tpu.memory_space<hbm>>) target_semaphore(%run_scoped3A : memref<!tpu.dma_semaphore, #tpu.memory_space<semaphore_mem>>)
      %dma_wait3A = tpu.memref_slice %arg5[%mul3A_2] : memref<327680xi32, #tpu.memory_space<hbm>> -> memref<10240xi32, #tpu.memory_space<hbm>>
      %dma_wait3A_10 = tpu.memref_slice %arg5[%mul3A_2] : memref<327680xi32, #tpu.memory_space<hbm>> -> memref<10240xi32, #tpu.memory_space<hbm>>
      tpu.wait_dma2 semaphore(%run_scoped3A : memref<!tpu.dma_semaphore, #tpu.memory_space<semaphore_mem>>) src(%arg8 : memref<10240xi32, #tpu.memory_space<vmem>>) dst(%dma_wait3A_10 : memref<10240xi32, #tpu.memory_space<hbm>>)
      tpu.yield
    }) : () -> ()
    "tpu.region"() ({
      %run_scoped3A = tpu.sem_alloc : memref<!tpu.dma_semaphore, #tpu.memory_space<semaphore_mem>>
      %dma_start3A = tpu.memref_slice %arg6[%mul3A_2] : memref<327680xi32, #tpu.memory_space<hbm>> -> memref<10240xi32, #tpu.memory_space<hbm>>
      %dma_start3A_9 = tpu.memref_slice %arg6[%mul3A_2] : memref<327680xi32, #tpu.memory_space<hbm>> -> memref<10240xi32, #tpu.memory_space<hbm>>
      tpu.enqueue_dma source(%arg9 : memref<10240xi32, #tpu.memory_space<vmem>>) target(%dma_start3A_9 : memref<10240xi32, #tpu.memory_space<hbm>>) target_semaphore(%run_scoped3A : memref<!tpu.dma_semaphore, #tpu.memory_space<semaphore_mem>>)
      %dma_wait3A = tpu.memref_slice %arg6[%mul3A_2] : memref<327680xi32, #tpu.memory_space<hbm>> -> memref<10240xi32, #tpu.memory_space<hbm>>
      %dma_wait3A_10 = tpu.memref_slice %arg6[%mul3A_2] : memref<327680xi32, #tpu.memory_space<hbm>> -> memref<10240xi32, #tpu.memory_space<hbm>>
      tpu.wait_dma2 semaphore(%run_scoped3A : memref<!tpu.dma_semaphore, #tpu.memory_space<semaphore_mem>>) src(%arg9 : memref<10240xi32, #tpu.memory_space<vmem>>) dst(%dma_wait3A_10 : memref<10240xi32, #tpu.memory_space<hbm>>)
      tpu.yield
    }) : () -> ()
    return
  }
}

#map = affine_map<(d0, d1) -> (0, 0)>
#map1 = affine_map<(d0, d1) -> (0)>
#map2 = affine_map<(d0, d1) -> (0, 0, 0)>
module attributes {stable_mosaic.version = 14 : i64} {
  func.func @_sc_segsum_body(%arg0: i32, %arg1: i32, %arg2: memref<40000x128xf32, #tpu.memory_space<hbm>>, %arg3: memref<327680xi32, #tpu.memory_space<hbm>>, %arg4: memref<32x128x80xi32, #tpu.memory_space<hbm>>, %arg5: memref<2x10112x128xf32, #tpu.memory_space<hbm>>, %arg6: memref<10240xi32, #tpu.memory_space<vmem>>, %arg7: memref<128x80xi32, #tpu.memory_space<vmem>>, %arg8: memref<80x128xf32, #tpu.memory_space<vmem>>, %arg9: memref<80x128xf32, #tpu.memory_space<vmem>>, %arg10: memref<10112x128xf32, #tpu.memory_space<vmem_shared>>, %arg11: memref<!tpu.dma_semaphore, #tpu.memory_space<semaphore_mem>>) attributes {dimension_semantics = [#tpu.dimension_semantics<core_parallel>, #tpu.dimension_semantics<subcore_parallel>], iteration_bounds = array<i64: 2, 16>, scalar_prefetch = 0 : i64, scratch_operands = 6 : i64, tpu.core_type = #tpu.core_type<sc_vector_subcore>, window_params = [{transform_indices = #map}, {transform_indices = #map1}, {transform_indices = #map2}, {transform_indices = #map2}]} {
    %mul3A = arith.constant 2 : i32
    %mul3A_0 = arith.muli %arg1, %mul3A : i32
    %add3A = arith.addi %mul3A_0, %arg0 : i32
    %mul3A_1 = arith.constant 10240 : i32
    %mul3A_2 = arith.muli %add3A, %mul3A_1 : i32
    %mul3A_3 = arith.constant 632 : i32
    %mul3A_4 = arith.muli %arg1, %mul3A_3 : i32
    %broadcast_in_dim3A = arith.constant 0.000000e+00 : f32
    %broadcast_in_dim3A_5 = vector.broadcast %broadcast_in_dim3A : f32 to vector<16xf32>
    %scan3A = arith.constant 0 : i32
    %scan3A_6 = arith.constant 0 : i32
    %scan3A_7 = arith.constant 80 : i32
    %scan3A_8 = arith.addi %scan3A_6, %scan3A_7 : i32
    %scan3A_9 = arith.constant 1 : i32
    scf.for %scan3A_43 = %scan3A_6 to %scan3A_8 step %scan3A_9  : i32 {
      %swap3A = arith.index_cast %scan3A_43 : i32 to index
      %swap3A_44 = arith.constant 0 : index
      %swap3A_45 = tpu.vector_load %arg8[%swap3A, %swap3A_44] {strides = array<i32>} : memref<80x128xf32, #tpu.memory_space<vmem>>, vector<1x16xf32>,
      %swap3A_46 = vector.shape_cast %swap3A_45 : vector<1x16xf32> to vector<16xf32>
      %swap3A_47 = vector.shape_cast %broadcast_in_dim3A_5 : vector<16xf32> to vector<1x16xf32>
      tpu.vector_store %arg8[%swap3A, %swap3A_44], %swap3A_47 {strides = array<i32>} : memref<80x128xf32, #tpu.memory_space<vmem>>, vector<1x16xf32>,
      %swap3A_48 = arith.index_cast %scan3A_43 : i32 to index
      %swap3A_49 = arith.constant 16 : index
      %swap3A_50 = tpu.vector_load %arg8[%swap3A_48, %swap3A_49] {strides = array<i32>} : memref<80x128xf32, #tpu.memory_space<vmem>>, vector<1x16xf32>,
      %swap3A_51 = vector.shape_cast %swap3A_50 : vector<1x16xf32> to vector<16xf32>
      %swap3A_52 = vector.shape_cast %broadcast_in_dim3A_5 : vector<16xf32> to vector<1x16xf32>
      tpu.vector_store %arg8[%swap3A_48, %swap3A_49], %swap3A_52 {strides = array<i32>} : memref<80x128xf32, #tpu.memory_space<vmem>>, vector<1x16xf32>,
      %swap3A_53 = arith.index_cast %scan3A_43 : i32 to index
      %swap3A_54 = arith.constant 32 : index
      %swap3A_55 = tpu.vector_load %arg8[%swap3A_53, %swap3A_54] {strides = array<i32>} : memref<80x128xf32, #tpu.memory_space<vmem>>, vector<1x16xf32>,
      %swap3A_56 = vector.shape_cast %swap3A_55 : vector<1x16xf32> to vector<16xf32>
      %swap3A_57 = vector.shape_cast %broadcast_in_dim3A_5 : vector<16xf32> to vector<1x16xf32>
      tpu.vector_store %arg8[%swap3A_53, %swap3A_54], %swap3A_57 {strides = array<i32>} : memref<80x128xf32, #tpu.memory_space<vmem>>, vector<1x16xf32>,
      %swap3A_58 = arith.index_cast %scan3A_43 : i32 to index
      %swap3A_59 = arith.constant 48 : index
      %swap3A_60 = tpu.vector_load %arg8[%swap3A_58, %swap3A_59] {strides = array<i32>} : memref<80x128xf32, #tpu.memory_space<vmem>>, vector<1x16xf32>,
      %swap3A_61 = vector.shape_cast %swap3A_60 : vector<1x16xf32> to vector<16xf32>
      %swap3A_62 = vector.shape_cast %broadcast_in_dim3A_5 : vector<16xf32> to vector<1x16xf32>
      tpu.vector_store %arg8[%swap3A_58, %swap3A_59], %swap3A_62 {strides = array<i32>} : memref<80x128xf32, #tpu.memory_space<vmem>>, vector<1x16xf32>,
      %swap3A_63 = arith.index_cast %scan3A_43 : i32 to index
      %swap3A_64 = arith.constant 64 : index
      %swap3A_65 = tpu.vector_load %arg8[%swap3A_63, %swap3A_64] {strides = array<i32>} : memref<80x128xf32, #tpu.memory_space<vmem>>, vector<1x16xf32>,
      %swap3A_66 = vector.shape_cast %swap3A_65 : vector<1x16xf32> to vector<16xf32>
      %swap3A_67 = vector.shape_cast %broadcast_in_dim3A_5 : vector<16xf32> to vector<1x16xf32>
      tpu.vector_store %arg8[%swap3A_63, %swap3A_64], %swap3A_67 {strides = array<i32>} : memref<80x128xf32, #tpu.memory_space<vmem>>, vector<1x16xf32>,
      %swap3A_68 = arith.index_cast %scan3A_43 : i32 to index
      %swap3A_69 = arith.constant 80 : index
      %swap3A_70 = tpu.vector_load %arg8[%swap3A_68, %swap3A_69] {strides = array<i32>} : memref<80x128xf32, #tpu.memory_space<vmem>>, vector<1x16xf32>,
      %swap3A_71 = vector.shape_cast %swap3A_70 : vector<1x16xf32> to vector<16xf32>
      %swap3A_72 = vector.shape_cast %broadcast_in_dim3A_5 : vector<16xf32> to vector<1x16xf32>
      tpu.vector_store %arg8[%swap3A_68, %swap3A_69], %swap3A_72 {strides = array<i32>} : memref<80x128xf32, #tpu.memory_space<vmem>>, vector<1x16xf32>,
      %swap3A_73 = arith.index_cast %scan3A_43 : i32 to index
      %swap3A_74 = arith.constant 96 : index
      %swap3A_75 = tpu.vector_load %arg8[%swap3A_73, %swap3A_74] {strides = array<i32>} : memref<80x128xf32, #tpu.memory_space<vmem>>, vector<1x16xf32>,
      %swap3A_76 = vector.shape_cast %swap3A_75 : vector<1x16xf32> to vector<16xf32>
      %swap3A_77 = vector.shape_cast %broadcast_in_dim3A_5 : vector<16xf32> to vector<1x16xf32>
      tpu.vector_store %arg8[%swap3A_73, %swap3A_74], %swap3A_77 {strides = array<i32>} : memref<80x128xf32, #tpu.memory_space<vmem>>, vector<1x16xf32>,
      %swap3A_78 = arith.index_cast %scan3A_43 : i32 to index
      %swap3A_79 = arith.constant 112 : index
      %swap3A_80 = tpu.vector_load %arg8[%swap3A_78, %swap3A_79] {strides = array<i32>} : memref<80x128xf32, #tpu.memory_space<vmem>>, vector<1x16xf32>,
      %swap3A_81 = vector.shape_cast %swap3A_80 : vector<1x16xf32> to vector<16xf32>
      %swap3A_82 = vector.shape_cast %broadcast_in_dim3A_5 : vector<16xf32> to vector<1x16xf32>
      tpu.vector_store %arg8[%swap3A_78, %swap3A_79], %swap3A_82 {strides = array<i32>} : memref<80x128xf32, #tpu.memory_space<vmem>>, vector<1x16xf32>,
    }
    %scan3A_10 = arith.constant 80 : i32
    %add3A_11 = arith.constant 0 : i32
    %add3A_12 = arith.addi %mul3A_4, %add3A_11 : i32
    "tpu.region"() ({
      %run_scoped3A = tpu.sem_alloc : memref<!tpu.dma_semaphore, #tpu.memory_space<semaphore_mem>>
      %dma_start3A_43 = arith.constant 0 : i32
      %dma_start3A_44 = tpu.memref_slice %arg10[%add3A_12, %dma_start3A_43] : memref<10112x128xf32, #tpu.memory_space<vmem_shared>> -> memref<80x128xf32, #tpu.memory_space<vmem_shared>>
      %dma_start3A_45 = arith.constant 0 : i32
      %dma_start3A_46 = tpu.memref_slice %arg10[%add3A_12, %dma_start3A_45] : memref<10112x128xf32, #tpu.memory_space<vmem_shared>> -> memref<80x128xf32, #tpu.memory_space<vmem_shared>>
      tpu.enqueue_dma source(%arg8 : memref<80x128xf32, #tpu.memory_space<vmem>>) target(%dma_start3A_46 : memref<80x128xf32, #tpu.memory_space<vmem_shared>>) target_semaphore(%run_scoped3A : memref<!tpu.dma_semaphore, #tpu.memory_space<semaphore_mem>>)
      %dma_wait3A = arith.constant 0 : i32
      %dma_wait3A_47 = tpu.memref_slice %arg10[%add3A_12, %dma_wait3A] : memref<10112x128xf32, #tpu.memory_space<vmem_shared>> -> memref<80x128xf32, #tpu.memory_space<vmem_shared>>
      %dma_wait3A_48 = arith.constant 0 : i32
      %dma_wait3A_49 = tpu.memref_slice %arg10[%add3A_12, %dma_wait3A_48] : memref<10112x128xf32, #tpu.memory_space<vmem_shared>> -> memref<80x128xf32, #tpu.memory_space<vmem_shared>>
      tpu.wait_dma2 semaphore(%run_scoped3A : memref<!tpu.dma_semaphore, #tpu.memory_space<semaphore_mem>>) src(%arg8 : memref<80x128xf32, #tpu.memory_space<vmem>>) dst(%dma_wait3A_49 : memref<80x128xf32, #tpu.memory_space<vmem_shared>>)
      tpu.yield
    }) : () -> ()
    %add3A_13 = arith.constant 80 : i32
    %add3A_14 = arith.addi %mul3A_4, %add3A_13 : i32
    "tpu.region"() ({
      %run_scoped3A = tpu.sem_alloc : memref<!tpu.dma_semaphore, #tpu.memory_space<semaphore_mem>>
      %dma_start3A_43 = arith.constant 0 : i32
      %dma_start3A_44 = tpu.memref_slice %arg10[%add3A_14, %dma_start3A_43] : memref<10112x128xf32, #tpu.memory_space<vmem_shared>> -> memref<80x128xf32, #tpu.memory_space<vmem_shared>>
      %dma_start3A_45 = arith.constant 0 : i32
      %dma_start3A_46 = tpu.memref_slice %arg10[%add3A_14, %dma_start3A_45] : memref<10112x128xf32, #tpu.memory_space<vmem_shared>> -> memref<80x128xf32, #tpu.memory_space<vmem_shared>>
      tpu.enqueue_dma source(%arg8 : memref<80x128xf32, #tpu.memory_space<vmem>>) target(%dma_start3A_46 : memref<80x128xf32, #tpu.memory_space<vmem_shared>>) target_semaphore(%run_scoped3A : memref<!tpu.dma_semaphore, #tpu.memory_space<semaphore_mem>>)
      %dma_wait3A = arith.constant 0 : i32
      %dma_wait3A_47 = tpu.memref_slice %arg10[%add3A_14, %dma_wait3A] : memref<10112x128xf32, #tpu.memory_space<vmem_shared>> -> memref<80x128xf32, #tpu.memory_space<vmem_shared>>
      %dma_wait3A_48 = arith.constant 0 : i32
      %dma_wait3A_49 = tpu.memref_slice %arg10[%add3A_14, %dma_wait3A_48] : memref<10112x128xf32, #tpu.memory_space<vmem_shared>> -> memref<80x128xf32, #tpu.memory_space<vmem_shared>>
      tpu.wait_dma2 semaphore(%run_scoped3A : memref<!tpu.dma_semaphore, #tpu.memory_space<semaphore_mem>>) src(%arg8 : memref<80x128xf32, #tpu.memory_space<vmem>>) dst(%dma_wait3A_49 : memref<80x128xf32, #tpu.memory_space<vmem_shared>>)
      tpu.yield
    }) : () -> ()
    %add3A_15 = arith.constant 160 : i32
    %add3A_16 = arith.addi %mul3A_4, %add3A_15 : i32
    "tpu.region"() ({
      %run_scoped3A = tpu.sem_alloc : memref<!tpu.dma_semaphore, #tpu.memory_space<semaphore_mem>>
      %dma_start3A_43 = arith.constant 0 : i32
      %dma_start3A_44 = tpu.memref_slice %arg10[%add3A_16, %dma_start3A_43] : memref<10112x128xf32, #tpu.memory_space<vmem_shared>> -> memref<80x128xf32, #tpu.memory_space<vmem_shared>>
      %dma_start3A_45 = arith.constant 0 : i32
      %dma_start3A_46 = tpu.memref_slice %arg10[%add3A_16, %dma_start3A_45] : memref<10112x128xf32, #tpu.memory_space<vmem_shared>> -> memref<80x128xf32, #tpu.memory_space<vmem_shared>>
      tpu.enqueue_dma source(%arg8 : memref<80x128xf32, #tpu.memory_space<vmem>>) target(%dma_start3A_46 : memref<80x128xf32, #tpu.memory_space<vmem_shared>>) target_semaphore(%run_scoped3A : memref<!tpu.dma_semaphore, #tpu.memory_space<semaphore_mem>>)
      %dma_wait3A = arith.constant 0 : i32
      %dma_wait3A_47 = tpu.memref_slice %arg10[%add3A_16, %dma_wait3A] : memref<10112x128xf32, #tpu.memory_space<vmem_shared>> -> memref<80x128xf32, #tpu.memory_space<vmem_shared>>
      %dma_wait3A_48 = arith.constant 0 : i32
      %dma_wait3A_49 = tpu.memref_slice %arg10[%add3A_16, %dma_wait3A_48] : memref<10112x128xf32, #tpu.memory_space<vmem_shared>> -> memref<80x128xf32, #tpu.memory_space<vmem_shared>>
      tpu.wait_dma2 semaphore(%run_scoped3A : memref<!tpu.dma_semaphore, #tpu.memory_space<semaphore_mem>>) src(%arg8 : memref<80x128xf32, #tpu.memory_space<vmem>>) dst(%dma_wait3A_49 : memref<80x128xf32, #tpu.memory_space<vmem_shared>>)
      tpu.yield
    }) : () -> ()
    %add3A_17 = arith.constant 240 : i32
    %add3A_18 = arith.addi %mul3A_4, %add3A_17 : i32
    "tpu.region"() ({
      %run_scoped3A = tpu.sem_alloc : memref<!tpu.dma_semaphore, #tpu.memory_space<semaphore_mem>>
      %dma_start3A_43 = arith.constant 0 : i32
      %dma_start3A_44 = tpu.memref_slice %arg10[%add3A_18, %dma_start3A_43] : memref<10112x128xf32, #tpu.memory_space<vmem_shared>> -> memref<80x128xf32, #tpu.memory_space<vmem_shared>>
      %dma_start3A_45 = arith.constant 0 : i32
      %dma_start3A_46 = tpu.memref_slice %arg10[%add3A_18, %dma_start3A_45] : memref<10112x128xf32, #tpu.memory_space<vmem_shared>> -> memref<80x128xf32, #tpu.memory_space<vmem_shared>>
      tpu.enqueue_dma source(%arg8 : memref<80x128xf32, #tpu.memory_space<vmem>>) target(%dma_start3A_46 : memref<80x128xf32, #tpu.memory_space<vmem_shared>>) target_semaphore(%run_scoped3A : memref<!tpu.dma_semaphore, #tpu.memory_space<semaphore_mem>>)
      %dma_wait3A = arith.constant 0 : i32
      %dma_wait3A_47 = tpu.memref_slice %arg10[%add3A_18, %dma_wait3A] : memref<10112x128xf32, #tpu.memory_space<vmem_shared>> -> memref<80x128xf32, #tpu.memory_space<vmem_shared>>
      %dma_wait3A_48 = arith.constant 0 : i32
      %dma_wait3A_49 = tpu.memref_slice %arg10[%add3A_18, %dma_wait3A_48] : memref<10112x128xf32, #tpu.memory_space<vmem_shared>> -> memref<80x128xf32, #tpu.memory_space<vmem_shared>>
      tpu.wait_dma2 semaphore(%run_scoped3A : memref<!tpu.dma_semaphore, #tpu.memory_space<semaphore_mem>>) src(%arg8 : memref<80x128xf32, #tpu.memory_space<vmem>>) dst(%dma_wait3A_49 : memref<80x128xf32, #tpu.memory_space<vmem_shared>>)
      tpu.yield
    }) : () -> ()
    %add3A_19 = arith.constant 320 : i32
    %add3A_20 = arith.addi %mul3A_4, %add3A_19 : i32
    "tpu.region"() ({
      %run_scoped3A = tpu.sem_alloc : memref<!tpu.dma_semaphore, #tpu.memory_space<semaphore_mem>>
      %dma_start3A_43 = arith.constant 0 : i32
      %dma_start3A_44 = tpu.memref_slice %arg10[%add3A_20, %dma_start3A_43] : memref<10112x128xf32, #tpu.memory_space<vmem_shared>> -> memref<80x128xf32, #tpu.memory_space<vmem_shared>>
      %dma_start3A_45 = arith.constant 0 : i32
      %dma_start3A_46 = tpu.memref_slice %arg10[%add3A_20, %dma_start3A_45] : memref<10112x128xf32, #tpu.memory_space<vmem_shared>> -> memref<80x128xf32, #tpu.memory_space<vmem_shared>>
      tpu.enqueue_dma source(%arg8 : memref<80x128xf32, #tpu.memory_space<vmem>>) target(%dma_start3A_46 : memref<80x128xf32, #tpu.memory_space<vmem_shared>>) target_semaphore(%run_scoped3A : memref<!tpu.dma_semaphore, #tpu.memory_space<semaphore_mem>>)
      %dma_wait3A = arith.constant 0 : i32
      %dma_wait3A_47 = tpu.memref_slice %arg10[%add3A_20, %dma_wait3A] : memref<10112x128xf32, #tpu.memory_space<vmem_shared>> -> memref<80x128xf32, #tpu.memory_space<vmem_shared>>
      %dma_wait3A_48 = arith.constant 0 : i32
      %dma_wait3A_49 = tpu.memref_slice %arg10[%add3A_20, %dma_wait3A_48] : memref<10112x128xf32, #tpu.memory_space<vmem_shared>> -> memref<80x128xf32, #tpu.memory_space<vmem_shared>>
      tpu.wait_dma2 semaphore(%run_scoped3A : memref<!tpu.dma_semaphore, #tpu.memory_space<semaphore_mem>>) src(%arg8 : memref<80x128xf32, #tpu.memory_space<vmem>>) dst(%dma_wait3A_49 : memref<80x128xf32, #tpu.memory_space<vmem_shared>>)
      tpu.yield
    }) : () -> ()
    %add3A_21 = arith.constant 400 : i32
    %add3A_22 = arith.addi %mul3A_4, %add3A_21 : i32
    "tpu.region"() ({
      %run_scoped3A = tpu.sem_alloc : memref<!tpu.dma_semaphore, #tpu.memory_space<semaphore_mem>>
      %dma_start3A_43 = arith.constant 0 : i32
      %dma_start3A_44 = tpu.memref_slice %arg10[%add3A_22, %dma_start3A_43] : memref<10112x128xf32, #tpu.memory_space<vmem_shared>> -> memref<80x128xf32, #tpu.memory_space<vmem_shared>>
      %dma_start3A_45 = arith.constant 0 : i32
      %dma_start3A_46 = tpu.memref_slice %arg10[%add3A_22, %dma_start3A_45] : memref<10112x128xf32, #tpu.memory_space<vmem_shared>> -> memref<80x128xf32, #tpu.memory_space<vmem_shared>>
      tpu.enqueue_dma source(%arg8 : memref<80x128xf32, #tpu.memory_space<vmem>>) target(%dma_start3A_46 : memref<80x128xf32, #tpu.memory_space<vmem_shared>>) target_semaphore(%run_scoped3A : memref<!tpu.dma_semaphore, #tpu.memory_space<semaphore_mem>>)
      %dma_wait3A = arith.constant 0 : i32
      %dma_wait3A_47 = tpu.memref_slice %arg10[%add3A_22, %dma_wait3A] : memref<10112x128xf32, #tpu.memory_space<vmem_shared>> -> memref<80x128xf32, #tpu.memory_space<vmem_shared>>
      %dma_wait3A_48 = arith.constant 0 : i32
      %dma_wait3A_49 = tpu.memref_slice %arg10[%add3A_22, %dma_wait3A_48] : memref<10112x128xf32, #tpu.memory_space<vmem_shared>> -> memref<80x128xf32, #tpu.memory_space<vmem_shared>>
      tpu.wait_dma2 semaphore(%run_scoped3A : memref<!tpu.dma_semaphore, #tpu.memory_space<semaphore_mem>>) src(%arg8 : memref<80x128xf32, #tpu.memory_space<vmem>>) dst(%dma_wait3A_49 : memref<80x128xf32, #tpu.memory_space<vmem_shared>>)
      tpu.yield
    }) : () -> ()
    %add3A_23 = arith.constant 480 : i32
    %add3A_24 = arith.addi %mul3A_4, %add3A_23 : i32
    "tpu.region"() ({
      %run_scoped3A = tpu.sem_alloc : memref<!tpu.dma_semaphore, #tpu.memory_space<semaphore_mem>>
      %dma_start3A_43 = arith.constant 0 : i32
      %dma_start3A_44 = tpu.memref_slice %arg10[%add3A_24, %dma_start3A_43] : memref<10112x128xf32, #tpu.memory_space<vmem_shared>> -> memref<80x128xf32, #tpu.memory_space<vmem_shared>>
      %dma_start3A_45 = arith.constant 0 : i32
      %dma_start3A_46 = tpu.memref_slice %arg10[%add3A_24, %dma_start3A_45] : memref<10112x128xf32, #tpu.memory_space<vmem_shared>> -> memref<80x128xf32, #tpu.memory_space<vmem_shared>>
      tpu.enqueue_dma source(%arg8 : memref<80x128xf32, #tpu.memory_space<vmem>>) target(%dma_start3A_46 : memref<80x128xf32, #tpu.memory_space<vmem_shared>>) target_semaphore(%run_scoped3A : memref<!tpu.dma_semaphore, #tpu.memory_space<semaphore_mem>>)
      %dma_wait3A = arith.constant 0 : i32
      %dma_wait3A_47 = tpu.memref_slice %arg10[%add3A_24, %dma_wait3A] : memref<10112x128xf32, #tpu.memory_space<vmem_shared>> -> memref<80x128xf32, #tpu.memory_space<vmem_shared>>
      %dma_wait3A_48 = arith.constant 0 : i32
      %dma_wait3A_49 = tpu.memref_slice %arg10[%add3A_24, %dma_wait3A_48] : memref<10112x128xf32, #tpu.memory_space<vmem_shared>> -> memref<80x128xf32, #tpu.memory_space<vmem_shared>>
      tpu.wait_dma2 semaphore(%run_scoped3A : memref<!tpu.dma_semaphore, #tpu.memory_space<semaphore_mem>>) src(%arg8 : memref<80x128xf32, #tpu.memory_space<vmem>>) dst(%dma_wait3A_49 : memref<80x128xf32, #tpu.memory_space<vmem_shared>>)
      tpu.yield
    }) : () -> ()
    %add3A_25 = arith.constant 560 : i32
    %add3A_26 = arith.addi %mul3A_4, %add3A_25 : i32
    "tpu.region"() ({
      %run_scoped3A = tpu.sem_alloc : memref<!tpu.dma_semaphore, #tpu.memory_space<semaphore_mem>>
      %dma_start3A_43 = arith.constant 0 : i32
      %dma_start3A_44 = arith.constant 0 : i32
      %dma_start3A_45 = tpu.memref_slice %arg8[%dma_start3A_43, %dma_start3A_44] : memref<80x128xf32, #tpu.memory_space<vmem>> -> memref<72x128xf32, #tpu.memory_space<vmem>>
      %dma_start3A_46 = arith.constant 0 : i32
      %dma_start3A_47 = tpu.memref_slice %arg10[%add3A_26, %dma_start3A_46] : memref<10112x128xf32, #tpu.memory_space<vmem_shared>> -> memref<72x128xf32, #tpu.memory_space<vmem_shared>>
      %dma_start3A_48 = arith.constant 0 : i32
      %dma_start3A_49 = tpu.memref_slice %arg10[%add3A_26, %dma_start3A_48] : memref<10112x128xf32, #tpu.memory_space<vmem_shared>> -> memref<72x128xf32, #tpu.memory_space<vmem_shared>>
      %dma_start3A_50 = arith.constant 0 : i32
      %dma_start3A_51 = arith.constant 0 : i32
      %dma_start3A_52 = tpu.memref_slice %arg8[%dma_start3A_50, %dma_start3A_51] : memref<80x128xf32, #tpu.memory_space<vmem>> -> memref<72x128xf32, #tpu.memory_space<vmem>>
      tpu.enqueue_dma source(%dma_start3A_52 : memref<72x128xf32, #tpu.memory_space<vmem>>) target(%dma_start3A_49 : memref<72x128xf32, #tpu.memory_space<vmem_shared>>) target_semaphore(%run_scoped3A : memref<!tpu.dma_semaphore, #tpu.memory_space<semaphore_mem>>)
      %dma_wait3A = arith.constant 0 : i32
      %dma_wait3A_53 = arith.constant 0 : i32
      %dma_wait3A_54 = tpu.memref_slice %arg8[%dma_wait3A, %dma_wait3A_53] : memref<80x128xf32, #tpu.memory_space<vmem>> -> memref<72x128xf32, #tpu.memory_space<vmem>>
      %dma_wait3A_55 = arith.constant 0 : i32
      %dma_wait3A_56 = tpu.memref_slice %arg10[%add3A_26, %dma_wait3A_55] : memref<10112x128xf32, #tpu.memory_space<vmem_shared>> -> memref<72x128xf32, #tpu.memory_space<vmem_shared>>
      %dma_wait3A_57 = arith.constant 0 : i32
      %dma_wait3A_58 = tpu.memref_slice %arg10[%add3A_26, %dma_wait3A_57] : memref<10112x128xf32, #tpu.memory_space<vmem_shared>> -> memref<72x128xf32, #tpu.memory_space<vmem_shared>>
      %dma_wait3A_59 = arith.constant 0 : i32
      %dma_wait3A_60 = arith.constant 0 : i32
      %dma_wait3A_61 = tpu.memref_slice %arg8[%dma_wait3A_59, %dma_wait3A_60] : memref<80x128xf32, #tpu.memory_space<vmem>> -> memref<72x128xf32, #tpu.memory_space<vmem>>
      tpu.wait_dma2 semaphore(%run_scoped3A : memref<!tpu.dma_semaphore, #tpu.memory_space<semaphore_mem>>) src(%dma_wait3A_61 : memref<72x128xf32, #tpu.memory_space<vmem>>) dst(%dma_wait3A_58 : memref<72x128xf32, #tpu.memory_space<vmem_shared>>)
      tpu.yield
    }) : () -> ()
    "tpu.region"() ({
      %run_scoped3A = tpu.sem_alloc : memref<!tpu.dma_semaphore, #tpu.memory_space<semaphore_mem>>
      %dma_start3A_43 = tpu.memref_slice %arg3[%mul3A_2] : memref<327680xi32, #tpu.memory_space<hbm>> -> memref<10240xi32, #tpu.memory_space<hbm>>
      %dma_start3A_44 = tpu.memref_slice %arg3[%mul3A_2] : memref<327680xi32, #tpu.memory_space<hbm>> -> memref<10240xi32, #tpu.memory_space<hbm>>
      tpu.enqueue_dma source(%dma_start3A_44 : memref<10240xi32, #tpu.memory_space<hbm>>) target(%arg6 : memref<10240xi32, #tpu.memory_space<vmem>>) target_semaphore(%run_scoped3A : memref<!tpu.dma_semaphore, #tpu.memory_space<semaphore_mem>>)
      %dma_wait3A = tpu.memref_slice %arg3[%mul3A_2] : memref<327680xi32, #tpu.memory_space<hbm>> -> memref<10240xi32, #tpu.memory_space<hbm>>
      %dma_wait3A_45 = tpu.memref_slice %arg3[%mul3A_2] : memref<327680xi32, #tpu.memory_space<hbm>> -> memref<10240xi32, #tpu.memory_space<hbm>>
      tpu.wait_dma2 semaphore(%run_scoped3A : memref<!tpu.dma_semaphore, #tpu.memory_space<semaphore_mem>>) src(%dma_wait3A_45 : memref<10240xi32, #tpu.memory_space<hbm>>) dst(%arg6 : memref<10240xi32, #tpu.memory_space<vmem>>)
      tpu.yield
    }) : () -> ()
    "tpu.region"() ({
      %run_scoped3A = tpu.sem_alloc : memref<!tpu.dma_semaphore, #tpu.memory_space<semaphore_mem>>
      %dma_start3A_43 = arith.constant 0 : i32
      %dma_start3A_44 = arith.constant 0 : i32
      %dma_start3A_45 = tpu.memref_slice %arg4[%add3A, %dma_start3A_43, %dma_start3A_44] : memref<32x128x80xi32, #tpu.memory_space<hbm>> -> memref<1x128x80xi32, #tpu.memory_space<hbm>>
      %dma_start3A_46 = tpu.memref_squeeze %dma_start3A_45 : memref<1x128x80xi32, #tpu.memory_space<hbm>> -> memref<128x80xi32, #tpu.memory_space<hbm>>
      %dma_start3A_47 = arith.constant 0 : i32
      %dma_start3A_48 = arith.constant 0 : i32
      %dma_start3A_49 = tpu.memref_slice %arg4[%add3A, %dma_start3A_47, %dma_start3A_48] : memref<32x128x80xi32, #tpu.memory_space<hbm>> -> memref<1x128x80xi32, #tpu.memory_space<hbm>>
      %dma_start3A_50 = tpu.memref_squeeze %dma_start3A_49 : memref<1x128x80xi32, #tpu.memory_space<hbm>> -> memref<128x80xi32, #tpu.memory_space<hbm>>
      tpu.enqueue_dma source(%dma_start3A_50 : memref<128x80xi32, #tpu.memory_space<hbm>>) target(%arg7 : memref<128x80xi32, #tpu.memory_space<vmem>>) target_semaphore(%run_scoped3A : memref<!tpu.dma_semaphore, #tpu.memory_space<semaphore_mem>>)
      %dma_wait3A = arith.constant 0 : i32
      %dma_wait3A_51 = arith.constant 0 : i32
      %dma_wait3A_52 = tpu.memref_slice %arg4[%add3A, %dma_wait3A, %dma_wait3A_51] : memref<32x128x80xi32, #tpu.memory_space<hbm>> -> memref<1x128x80xi32, #tpu.memory_space<hbm>>
      %dma_wait3A_53 = tpu.memref_squeeze %dma_wait3A_52 : memref<1x128x80xi32, #tpu.memory_space<hbm>> -> memref<128x80xi32, #tpu.memory_space<hbm>>
      %dma_wait3A_54 = arith.constant 0 : i32
      %dma_wait3A_55 = arith.constant 0 : i32
      %dma_wait3A_56 = tpu.memref_slice %arg4[%add3A, %dma_wait3A_54, %dma_wait3A_55] : memref<32x128x80xi32, #tpu.memory_space<hbm>> -> memref<1x128x80xi32, #tpu.memory_space<hbm>>
      %dma_wait3A_57 = tpu.memref_squeeze %dma_wait3A_56 : memref<1x128x80xi32, #tpu.memory_space<hbm>> -> memref<128x80xi32, #tpu.memory_space<hbm>>
      tpu.wait_dma2 semaphore(%run_scoped3A : memref<!tpu.dma_semaphore, #tpu.memory_space<semaphore_mem>>) src(%dma_wait3A_57 : memref<128x80xi32, #tpu.memory_space<hbm>>) dst(%arg7 : memref<128x80xi32, #tpu.memory_space<vmem>>)
      tpu.yield
    }) : () -> ()
    %barrier3A = arith.constant 0 : index
    tpu.barrier barrier_id(%barrier3A)
    %dma_start3A = arith.constant 0 : i32
    %dma_start3A_27 = tpu.memref_slice %arg6[%dma_start3A] : memref<10240xi32, #tpu.memory_space<vmem>> -> memref<80xi32, #tpu.memory_space<vmem>>
    %dma_start3A_28 = arith.constant 0 : i32
    %dma_start3A_29 = arith.constant 0 : i32
    %dma_start3A_30 = tpu.memref_slice %arg2[%dma_start3A_28, %dma_start3A_29] : memref<40000x128xf32, #tpu.memory_space<hbm>> -> memref<40000x128xf32, #tpu.memory_space<hbm>>
    tpu.enqueue_indirect_dma source(%dma_start3A_30 : memref<40000x128xf32, #tpu.memory_space<hbm>>) target(%arg8 : memref<80x128xf32, #tpu.memory_space<vmem>>) offsets(%dma_start3A_27 : memref<80xi32, #tpu.memory_space<vmem>>) semaphore(%arg11 : memref<!tpu.dma_semaphore, #tpu.memory_space<semaphore_mem>>)
    %dma_start3A_31 = arith.constant 80 : i32
    %dma_start3A_32 = tpu.memref_slice %arg6[%dma_start3A_31] : memref<10240xi32, #tpu.memory_space<vmem>> -> memref<80xi32, #tpu.memory_space<vmem>>
    %dma_start3A_33 = arith.constant 0 : i32
    %dma_start3A_34 = arith.constant 0 : i32
    %dma_start3A_35 = tpu.memref_slice %arg2[%dma_start3A_33, %dma_start3A_34] : memref<40000x128xf32, #tpu.memory_space<hbm>> -> memref<40000x128xf32, #tpu.memory_space<hbm>>
    tpu.enqueue_indirect_dma source(%dma_start3A_35 : memref<40000x128xf32, #tpu.memory_space<hbm>>) target(%arg9 : memref<80x128xf32, #tpu.memory_space<vmem>>) offsets(%dma_start3A_32 : memref<80xi32, #tpu.memory_space<vmem>>) semaphore(%arg11 : memref<!tpu.dma_semaphore, #tpu.memory_space<semaphore_mem>>)
    %scan3A_36 = arith.constant 0 : i32
    %scan3A_37 = arith.constant 0 : i32
    %scan3A_38 = arith.constant 64 : i32
    %scan3A_39 = arith.addi %scan3A_37, %scan3A_38 : i32
    %scan3A_40 = arith.constant 1 : i32
    scf.for %scan3A_43 = %scan3A_37 to %scan3A_39 step %scan3A_40  : i32 {
      %mul3A_44 = arith.constant 2 : i32
      %mul3A_45 = arith.muli %scan3A_43, %mul3A_44 : i32
      %dma_wait3A = arith.constant 0 : i32
      %dma_wait3A_46 = tpu.memref_slice %arg6[%dma_wait3A] : memref<10240xi32, #tpu.memory_space<vmem>> -> memref<80xi32, #tpu.memory_space<vmem>>
      %dma_wait3A_47 = arith.constant 0 : i32
      %dma_wait3A_48 = arith.constant 0 : i32
      %dma_wait3A_49 = tpu.memref_slice %arg2[%dma_wait3A_47, %dma_wait3A_48] : memref<40000x128xf32, #tpu.memory_space<hbm>> -> memref<40000x128xf32, #tpu.memory_space<hbm>>
      tpu.wait_indirect_dma semaphore(%arg11 : memref<!tpu.dma_semaphore, #tpu.memory_space<semaphore_mem>>) src(%dma_wait3A_49 : memref<40000x128xf32, #tpu.memory_space<hbm>>) dst(%arg8 : memref<80x128xf32, #tpu.memory_space<vmem>>)
      "tpu.region"() ({
        %run_scoped3A = tpu.sem_alloc : memref<!tpu.dma_semaphore, #tpu.memory_space<semaphore_mem>>
        %dma_start3A_68 = arith.constant 0 : i32
        %dma_start3A_69 = tpu.memref_slice %arg7[%mul3A_45, %dma_start3A_68] : memref<128x80xi32, #tpu.memory_space<vmem>> -> memref<1x80xi32, #tpu.memory_space<vmem>>
        %dma_start3A_70 = tpu.memref_squeeze %dma_start3A_69 : memref<1x80xi32, #tpu.memory_space<vmem>> -> memref<80xi32, #tpu.memory_space<vmem>>
        %dma_start3A_71 = arith.constant 0 : i32
        %dma_start3A_72 = arith.constant 0 : i32
        %dma_start3A_73 = tpu.memref_slice %arg10[%dma_start3A_71, %dma_start3A_72] : memref<10112x128xf32, #tpu.memory_space<vmem_shared>> -> memref<10112x128xf32, #tpu.memory_space<vmem_shared>>
        tpu.enqueue_indirect_dma source(%arg8 : memref<80x128xf32, #tpu.memory_space<vmem>>) target(%dma_start3A_73 : memref<10112x128xf32, #tpu.memory_space<vmem_shared>>) offsets(%dma_start3A_70 : memref<80xi32, #tpu.memory_space<vmem>>) semaphore(%run_scoped3A : memref<!tpu.dma_semaphore, #tpu.memory_space<semaphore_mem>>) {add = true}
        %dma_wait3A_74 = arith.constant 0 : i32
        %dma_wait3A_75 = tpu.memref_slice %arg7[%mul3A_45, %dma_wait3A_74] : memref<128x80xi32, #tpu.memory_space<vmem>> -> memref<1x80xi32, #tpu.memory_space<vmem>>
        %dma_wait3A_76 = tpu.memref_squeeze %dma_wait3A_75 : memref<1x80xi32, #tpu.memory_space<vmem>> -> memref<80xi32, #tpu.memory_space<vmem>>
        %dma_wait3A_77 = arith.constant 0 : i32
        %dma_wait3A_78 = arith.constant 0 : i32
        %dma_wait3A_79 = tpu.memref_slice %arg10[%dma_wait3A_77, %dma_wait3A_78] : memref<10112x128xf32, #tpu.memory_space<vmem_shared>> -> memref<10112x128xf32, #tpu.memory_space<vmem_shared>>
        tpu.wait_indirect_dma semaphore(%run_scoped3A : memref<!tpu.dma_semaphore, #tpu.memory_space<semaphore_mem>>) src(%arg8 : memref<80x128xf32, #tpu.memory_space<vmem>>) dst(%dma_wait3A_79 : memref<10112x128xf32, #tpu.memory_space<vmem_shared>>)
        tpu.yield
      }) : () -> ()
      %add3A_50 = arith.constant 2 : i32
      %add3A_51 = arith.addi %mul3A_45, %add3A_50 : i32
      %lt3A = arith.constant 128 : i32
      %lt3A_52 = arith.cmpi slt, %add3A_51, %lt3A : i32
      %convert_element_type3A = arith.extui %lt3A_52 : i1 to i32
      %cond3A = arith.constant 0 : i32
      %cond3A_53 = arith.cmpi ne, %convert_element_type3A, %cond3A : i32
      scf.if %cond3A_53 {
        %add3A_68 = arith.constant 2 : i32
        %add3A_69 = arith.addi %mul3A_45, %add3A_68 : i32
        %mul3A_70 = arith.constant 80 : i32
        %mul3A_71 = arith.muli %add3A_69, %mul3A_70 : i32
        %dma_start3A_72 = tpu.memref_slice %arg6[%mul3A_71] : memref<10240xi32, #tpu.memory_space<vmem>> -> memref<80xi32, #tpu.memory_space<vmem>>
        %dma_start3A_73 = arith.constant 0 : i32
        %dma_start3A_74 = arith.constant 0 : i32
        %dma_start3A_75 = tpu.memref_slice %arg2[%dma_start3A_73, %dma_start3A_74] : memref<40000x128xf32, #tpu.memory_space<hbm>> -> memref<40000x128xf32, #tpu.memory_space<hbm>>
        tpu.enqueue_indirect_dma source(%dma_start3A_75 : memref<40000x128xf32, #tpu.memory_space<hbm>>) target(%arg8 : memref<80x128xf32, #tpu.memory_space<vmem>>) offsets(%dma_start3A_72 : memref<80xi32, #tpu.memory_space<vmem>>) semaphore(%arg11 : memref<!tpu.dma_semaphore, #tpu.memory_space<semaphore_mem>>)
      } else {
      }
      %add3A_54 = arith.constant 1 : i32
      %add3A_55 = arith.addi %mul3A_45, %add3A_54 : i32
      %dma_wait3A_56 = arith.constant 0 : i32
      %dma_wait3A_57 = tpu.memref_slice %arg6[%dma_wait3A_56] : memref<10240xi32, #tpu.memory_space<vmem>> -> memref<80xi32, #tpu.memory_space<vmem>>
      %dma_wait3A_58 = arith.constant 0 : i32
      %dma_wait3A_59 = arith.constant 0 : i32
      %dma_wait3A_60 = tpu.memref_slice %arg2[%dma_wait3A_58, %dma_wait3A_59] : memref<40000x128xf32, #tpu.memory_space<hbm>> -> memref<40000x128xf32, #tpu.memory_space<hbm>>
      tpu.wait_indirect_dma semaphore(%arg11 : memref<!tpu.dma_semaphore, #tpu.memory_space<semaphore_mem>>) src(%dma_wait3A_60 : memref<40000x128xf32, #tpu.memory_space<hbm>>) dst(%arg9 : memref<80x128xf32, #tpu.memory_space<vmem>>)
      "tpu.region"() ({
        %run_scoped3A = tpu.sem_alloc : memref<!tpu.dma_semaphore, #tpu.memory_space<semaphore_mem>>
        %dma_start3A_68 = arith.constant 0 : i32
        %dma_start3A_69 = tpu.memref_slice %arg7[%add3A_55, %dma_start3A_68] : memref<128x80xi32, #tpu.memory_space<vmem>> -> memref<1x80xi32, #tpu.memory_space<vmem>>
        %dma_start3A_70 = tpu.memref_squeeze %dma_start3A_69 : memref<1x80xi32, #tpu.memory_space<vmem>> -> memref<80xi32, #tpu.memory_space<vmem>>
        %dma_start3A_71 = arith.constant 0 : i32
        %dma_start3A_72 = arith.constant 0 : i32
        %dma_start3A_73 = tpu.memref_slice %arg10[%dma_start3A_71, %dma_start3A_72] : memref<10112x128xf32, #tpu.memory_space<vmem_shared>> -> memref<10112x128xf32, #tpu.memory_space<vmem_shared>>
        tpu.enqueue_indirect_dma source(%arg9 : memref<80x128xf32, #tpu.memory_space<vmem>>) target(%dma_start3A_73 : memref<10112x128xf32, #tpu.memory_space<vmem_shared>>) offsets(%dma_start3A_70 : memref<80xi32, #tpu.memory_space<vmem>>) semaphore(%run_scoped3A : memref<!tpu.dma_semaphore, #tpu.memory_space<semaphore_mem>>) {add = true}
        %dma_wait3A_74 = arith.constant 0 : i32
        %dma_wait3A_75 = tpu.memref_slice %arg7[%add3A_55, %dma_wait3A_74] : memref<128x80xi32, #tpu.memory_space<vmem>> -> memref<1x80xi32, #tpu.memory_space<vmem>>
        %dma_wait3A_76 = tpu.memref_squeeze %dma_wait3A_75 : memref<1x80xi32, #tpu.memory_space<vmem>> -> memref<80xi32, #tpu.memory_space<vmem>>
        %dma_wait3A_77 = arith.constant 0 : i32
        %dma_wait3A_78 = arith.constant 0 : i32
        %dma_wait3A_79 = tpu.memref_slice %arg10[%dma_wait3A_77, %dma_wait3A_78] : memref<10112x128xf32, #tpu.memory_space<vmem_shared>> -> memref<10112x128xf32, #tpu.memory_space<vmem_shared>>
        tpu.wait_indirect_dma semaphore(%run_scoped3A : memref<!tpu.dma_semaphore, #tpu.memory_space<semaphore_mem>>) src(%arg9 : memref<80x128xf32, #tpu.memory_space<vmem>>) dst(%dma_wait3A_79 : memref<10112x128xf32, #tpu.memory_space<vmem_shared>>)
        tpu.yield
      }) : () -> ()
      %add3A_61 = arith.constant 2 : i32
      %add3A_62 = arith.addi %add3A_55, %add3A_61 : i32
      %lt3A_63 = arith.constant 128 : i32
      %lt3A_64 = arith.cmpi slt, %add3A_62, %lt3A_63 : i32
      %convert_element_type3A_65 = arith.extui %lt3A_64 : i1 to i32
      %cond3A_66 = arith.constant 0 : i32
      %cond3A_67 = arith.cmpi ne, %convert_element_type3A_65, %cond3A_66 : i32
      scf.if %cond3A_67 {
        %add3A_68 = arith.constant 2 : i32
        %add3A_69 = arith.addi %add3A_55, %add3A_68 : i32
        %mul3A_70 = arith.constant 80 : i32
        %mul3A_71 = arith.muli %add3A_69, %mul3A_70 : i32
        %dma_start3A_72 = tpu.memref_slice %arg6[%mul3A_71] : memref<10240xi32, #tpu.memory_space<vmem>> -> memref<80xi32, #tpu.memory_space<vmem>>
        %dma_start3A_73 = arith.constant 0 : i32
        %dma_start3A_74 = arith.constant 0 : i32
        %dma_start3A_75 = tpu.memref_slice %arg2[%dma_start3A_73, %dma_start3A_74] : memref<40000x128xf32, #tpu.memory_space<hbm>> -> memref<40000x128xf32, #tpu.memory_space<hbm>>
        tpu.enqueue_indirect_dma source(%dma_start3A_75 : memref<40000x128xf32, #tpu.memory_space<hbm>>) target(%arg9 : memref<80x128xf32, #tpu.memory_space<vmem>>) offsets(%dma_start3A_72 : memref<80xi32, #tpu.memory_space<vmem>>) semaphore(%arg11 : memref<!tpu.dma_semaphore, #tpu.memory_space<semaphore_mem>>)
      } else {
      }
    }
    %scan3A_41 = arith.constant 64 : i32
    %barrier3A_42 = arith.constant 0 : index
    tpu.barrier barrier_id(%barrier3A_42)
    "tpu.region"() ({
      %run_scoped3A = tpu.sem_alloc : memref<!tpu.dma_semaphore, #tpu.memory_space<semaphore_mem>>
      %dma_start3A_43 = arith.constant 0 : i32
      %dma_start3A_44 = tpu.memref_slice %arg5[%arg0, %mul3A_4, %dma_start3A_43] : memref<2x10112x128xf32, #tpu.memory_space<hbm>> -> memref<1x632x128xf32, #tpu.memory_space<hbm>>
      %dma_start3A_45 = tpu.memref_squeeze %dma_start3A_44 : memref<1x632x128xf32, #tpu.memory_space<hbm>> -> memref<632x128xf32, #tpu.memory_space<hbm>>
      %dma_start3A_46 = arith.constant 0 : i32
      %dma_start3A_47 = tpu.memref_slice %arg10[%mul3A_4, %dma_start3A_46] : memref<10112x128xf32, #tpu.memory_space<vmem_shared>> -> memref<632x128xf32, #tpu.memory_space<vmem_shared>>
      tpu.enqueue_dma source(%dma_start3A_47 : memref<632x128xf32, #tpu.memory_space<vmem_shared>>) target(%dma_start3A_45 : memref<632x128xf32, #tpu.memory_space<hbm>>) target_semaphore(%run_scoped3A : memref<!tpu.dma_semaphore, #tpu.memory_space<semaphore_mem>>)
      %dma_wait3A = arith.constant 0 : i32
      %dma_wait3A_48 = tpu.memref_slice %arg5[%arg0, %mul3A_4, %dma_wait3A] : memref<2x10112x128xf32, #tpu.memory_space<hbm>> -> memref<1x632x128xf32, #tpu.memory_space<hbm>>
      %dma_wait3A_49 = tpu.memref_squeeze %dma_wait3A_48 : memref<1x632x128xf32, #tpu.memory_space<hbm>> -> memref<632x128xf32, #tpu.memory_space<hbm>>
      %dma_wait3A_50 = arith.constant 0 : i32
      %dma_wait3A_51 = tpu.memref_slice %arg10[%mul3A_4, %dma_wait3A_50] : memref<10112x128xf32, #tpu.memory_space<vmem_shared>> -> memref<632x128xf32, #tpu.memory_space<vmem_shared>>
      tpu.wait_dma2 semaphore(%run_scoped3A : memref<!tpu.dma_semaphore, #tpu.memory_space<semaphore_mem>>) src(%dma_wait3A_51 : memref<632x128xf32, #tpu.memory_space<vmem_shared>>) dst(%dma_wait3A_49 : memref<632x128xf32, #tpu.memory_space<hbm>>)
      tpu.yield
    }) : () -> ()
    return
  }
}

module attributes {stable_mosaic.version = 14 : i64} {
  func.func @_proj_body(%arg0: i32, %arg1: memref<2000x128xf32, #tpu.memory_space<vmem>>, %arg2: memref<4x128x128xf32, #tpu.memory_space<vmem>>, %arg3: memref<4x2000x128xf32, #tpu.memory_space<vmem>>) attributes {dimension_semantics = [#tpu.dimension_semantics<arbitrary>], iteration_bounds = array<i64: 5>, scalar_prefetch = 0 : i64, scratch_operands = 0 : i64, tpu.core_type = #tpu.core_type<tc>, window_params = [{transform_indices = @transform_0, window_bounds = array<i64: 2000, 128>}, {pipeline_mode = #tpu.pipeline_mode<synchronous>, transform_indices = @transform_1, window_bounds = array<i64: 4, 128, 128>}, {transform_indices = @transform_2, window_bounds = array<i64: 4, 2000, 128>}]} {
    %get3A = arith.constant 0 : index
    %get3A_0 = arith.constant 0 : index
    %get3A_1 = vector.load %arg1[%get3A, %get3A_0] : memref<2000x128xf32, #tpu.memory_space<vmem>>, vector<2000x128xf32>
    %get3A_2 = arith.constant 0 : index
    %get3A_3 = arith.constant 0 : index
    %get3A_4 = arith.constant 0 : index
    %get3A_5 = vector.load %arg2[%get3A_2, %get3A_3, %get3A_4] : memref<4x128x128xf32, #tpu.memory_space<vmem>>, vector<1x128x128xf32>
    %get3A_6 = vector.shape_cast %get3A_5 : vector<1x128x128xf32> to vector<128x128xf32>
    %dot_general3A = arith.constant dense<0.000000e+00> : vector<2000x128xf32>
    %dot_general3A_7 = tpu.matmul %get3A_1, %get3A_6, %dot_general3A {dimension_numbers = #tpu.dot_dimension_numbers<[1], [0], [0], [1], [0, 0, 1, 1], [], []>, transpose_lhs_hint = false} : vector<2000x128xf32>, vector<128x128xf32>, vector<2000x128xf32> -> vector<2000x128xf32>
    %swap3A = arith.constant 0 : index
    %swap3A_8 = arith.constant 0 : index
    %swap3A_9 = arith.constant 0 : index
    %swap3A_10 = vector.load %arg3[%swap3A, %swap3A_8, %swap3A_9] : memref<4x2000x128xf32, #tpu.memory_space<vmem>>, vector<1x2000x128xf32>
    %swap3A_11 = vector.shape_cast %swap3A_10 : vector<1x2000x128xf32> to vector<2000x128xf32>
    %swap3A_12 = vector.shape_cast %dot_general3A_7 : vector<2000x128xf32> to vector<1x2000x128xf32>
    tpu.vector_store %arg3[%swap3A, %swap3A_8, %swap3A_9], %swap3A_12 {strides = array<i32>} : memref<4x2000x128xf32, #tpu.memory_space<vmem>>, vector<1x2000x128xf32>,
    %get3A_13 = arith.constant 1 : index
    %get3A_14 = arith.constant 0 : index
    %get3A_15 = arith.constant 0 : index
    %get3A_16 = vector.load %arg2[%get3A_13, %get3A_14, %get3A_15] : memref<4x128x128xf32, #tpu.memory_space<vmem>>, vector<1x128x128xf32>
    %get3A_17 = vector.shape_cast %get3A_16 : vector<1x128x128xf32> to vector<128x128xf32>
    %dot_general3A_18 = arith.constant dense<0.000000e+00> : vector<2000x128xf32>
    %dot_general3A_19 = tpu.matmul %get3A_1, %get3A_17, %dot_general3A_18 {dimension_numbers = #tpu.dot_dimension_numbers<[1], [0], [0], [1], [0, 0, 1, 1], [], []>, transpose_lhs_hint = false} : vector<2000x128xf32>, vector<128x128xf32>, vector<2000x128xf32> -> vector<2000x128xf32>
    %swap3A_20 = arith.constant 1 : index
    %swap3A_21 = arith.constant 0 : index
    %swap3A_22 = arith.constant 0 : index
    %swap3A_23 = vector.load %arg3[%swap3A_20, %swap3A_21, %swap3A_22] : memref<4x2000x128xf32, #tpu.memory_space<vmem>>, vector<1x2000x128xf32>
    %swap3A_24 = vector.shape_cast %swap3A_23 : vector<1x2000x128xf32> to vector<2000x128xf32>
    %swap3A_25 = vector.shape_cast %dot_general3A_19 : vector<2000x128xf32> to vector<1x2000x128xf32>
    tpu.vector_store %arg3[%swap3A_20, %swap3A_21, %swap3A_22], %swap3A_25 {strides = array<i32>} : memref<4x2000x128xf32, #tpu.memory_space<vmem>>, vector<1x2000x128xf32>,
    %get3A_26 = arith.constant 2 : index
    %get3A_27 = arith.constant 0 : index
    %get3A_28 = arith.constant 0 : index
    %get3A_29 = vector.load %arg2[%get3A_26, %get3A_27, %get3A_28] : memref<4x128x128xf32, #tpu.memory_space<vmem>>, vector<1x128x128xf32>
    %get3A_30 = vector.shape_cast %get3A_29 : vector<1x128x128xf32> to vector<128x128xf32>
    %dot_general3A_31 = arith.constant dense<0.000000e+00> : vector<2000x128xf32>
    %dot_general3A_32 = tpu.matmul %get3A_1, %get3A_30, %dot_general3A_31 {dimension_numbers = #tpu.dot_dimension_numbers<[1], [0], [0], [1], [0, 0, 1, 1], [], []>, transpose_lhs_hint = false} : vector<2000x128xf32>, vector<128x128xf32>, vector<2000x128xf32> -> vector<2000x128xf32>
    %swap3A_33 = arith.constant 2 : index
    %swap3A_34 = arith.constant 0 : index
    %swap3A_35 = arith.constant 0 : index
    %swap3A_36 = vector.load %arg3[%swap3A_33, %swap3A_34, %swap3A_35] : memref<4x2000x128xf32, #tpu.memory_space<vmem>>, vector<1x2000x128xf32>
    %swap3A_37 = vector.shape_cast %swap3A_36 : vector<1x2000x128xf32> to vector<2000x128xf32>
    %swap3A_38 = vector.shape_cast %dot_general3A_32 : vector<2000x128xf32> to vector<1x2000x128xf32>
    tpu.vector_store %arg3[%swap3A_33, %swap3A_34, %swap3A_35], %swap3A_38 {strides = array<i32>} : memref<4x2000x128xf32, #tpu.memory_space<vmem>>, vector<1x2000x128xf32>,
    %get3A_39 = arith.constant 3 : index
    %get3A_40 = arith.constant 0 : index
    %get3A_41 = arith.constant 0 : index
    %get3A_42 = vector.load %arg2[%get3A_39, %get3A_40, %get3A_41] : memref<4x128x128xf32, #tpu.memory_space<vmem>>, vector<1x128x128xf32>
    %get3A_43 = vector.shape_cast %get3A_42 : vector<1x128x128xf32> to vector<128x128xf32>
    %dot_general3A_44 = arith.constant dense<0.000000e+00> : vector<2000x128xf32>
    %dot_general3A_45 = tpu.matmul %get3A_1, %get3A_43, %dot_general3A_44 {dimension_numbers = #tpu.dot_dimension_numbers<[1], [0], [0], [1], [0, 0, 1, 1], [], []>, transpose_lhs_hint = false} : vector<2000x128xf32>, vector<128x128xf32>, vector<2000x128xf32> -> vector<2000x128xf32>
    %swap3A_46 = arith.constant 3 : index
    %swap3A_47 = arith.constant 0 : index
    %swap3A_48 = arith.constant 0 : index
    %swap3A_49 = vector.load %arg3[%swap3A_46, %swap3A_47, %swap3A_48] : memref<4x2000x128xf32, #tpu.memory_space<vmem>>, vector<1x2000x128xf32>
    %swap3A_50 = vector.shape_cast %swap3A_49 : vector<1x2000x128xf32> to vector<2000x128xf32>
    %swap3A_51 = vector.shape_cast %dot_general3A_45 : vector<2000x128xf32> to vector<1x2000x128xf32>
    tpu.vector_store %arg3[%swap3A_46, %swap3A_47, %swap3A_48], %swap3A_51 {strides = array<i32>} : memref<4x2000x128xf32, #tpu.memory_space<vmem>>, vector<1x2000x128xf32>,
    return
  }
  func.func @transform_0(%arg0: i32) -> (i32, i32) {
    %c0_i32 = arith.constant 0 : i32
    %c0_i32_0 = arith.constant 0 : i32
    return %arg0, %c0_i32 : i32, i32
  }
  func.func @transform_1(%arg0: i32) -> (i32, i32, i32) {
    %c0_i32 = arith.constant 0 : i32
    %c0_i32_0 = arith.constant 0 : i32
    %c0_i32_1 = arith.constant 0 : i32
    %c0_i32_2 = arith.constant 0 : i32
    return %c0_i32, %c0_i32_0, %c0_i32_1 : i32, i32, i32
  }
  func.func @transform_2(%arg0: i32) -> (i32, i32, i32) {
    %c0_i32 = arith.constant 0 : i32
    %c0_i32_0 = arith.constant 0 : i32
    %c0_i32_1 = arith.constant 0 : i32
    return %c0_i32, %arg0, %c0_i32_0 : i32, i32, i32
  }
}

module attributes {stable_mosaic.version = 14 : i64} {
  func.func @_gru_proj_body(%arg0: i32, %arg1: memref<1x2000x128xf32, #tpu.memory_space<vmem>>, %arg2: memref<1x2000x128xf32, #tpu.memory_space<vmem>>, %arg3: memref<2000x128xf32, #tpu.memory_space<vmem>>, %arg4: memref<128x384xf32, #tpu.memory_space<vmem>>, %arg5: memref<128x384xf32, #tpu.memory_space<vmem>>, %arg6: memref<1x384xf32, #tpu.memory_space<vmem>>, %arg7: memref<1x384xf32, #tpu.memory_space<vmem>>, %arg8: memref<4x128x128xf32, #tpu.memory_space<vmem>>, %arg9: memref<2000x128xf32, #tpu.memory_space<vmem>>, %arg10: memref<4x2000x128xf32, #tpu.memory_space<vmem>>) attributes {dimension_semantics = [#tpu.dimension_semantics<arbitrary>], iteration_bounds = array<i64: 5>, scalar_prefetch = 0 : i64, scratch_operands = 0 : i64, tpu.core_type = #tpu.core_type<tc>, window_params = [{transform_indices = @transform_0, window_bounds = array<i64: 1, 2000, 128>}, {transform_indices = @transform_1, window_bounds = array<i64: 1, 2000, 128>}, {transform_indices = @transform_2, window_bounds = array<i64: 2000, 128>}, {pipeline_mode = #tpu.pipeline_mode<synchronous>, transform_indices = @transform_3, window_bounds = array<i64: 128, 384>}, {pipeline_mode = #tpu.pipeline_mode<synchronous>, transform_indices = @transform_4, window_bounds = array<i64: 128, 384>}, {pipeline_mode = #tpu.pipeline_mode<synchronous>, transform_indices = @transform_5, window_bounds = array<i64: 1, 384>}, {pipeline_mode = #tpu.pipeline_mode<synchronous>, transform_indices = @transform_6, window_bounds = array<i64: 1, 384>}, {pipeline_mode = #tpu.pipeline_mode<synchronous>, transform_indices = @transform_7, window_bounds = array<i64: 4, 128, 128>}, {transform_indices = @transform_8, window_bounds = array<i64: 2000, 128>}, {transform_indices = @transform_9, window_bounds = array<i64: 4, 2000, 128>}]} {
    %get3A = arith.constant 0 : index
    %get3A_0 = arith.constant 0 : index
    %get3A_1 = arith.constant 0 : index
    %get3A_2 = vector.load %arg1[%get3A, %get3A_0, %get3A_1] : memref<1x2000x128xf32, #tpu.memory_space<vmem>>, vector<1x2000x128xf32>
    %get3A_3 = vector.shape_cast %get3A_2 : vector<1x2000x128xf32> to vector<2000x128xf32>
    %get3A_4 = arith.constant 0 : index
    %get3A_5 = arith.constant 0 : index
    %get3A_6 = arith.constant 0 : index
    %get3A_7 = vector.load %arg2[%get3A_4, %get3A_5, %get3A_6] : memref<1x2000x128xf32, #tpu.memory_space<vmem>>, vector<1x2000x128xf32>
    %get3A_8 = vector.shape_cast %get3A_7 : vector<1x2000x128xf32> to vector<2000x128xf32>
    %get3A_9 = arith.constant 0 : index
    %get3A_10 = arith.constant 0 : index
    %get3A_11 = vector.load %arg3[%get3A_9, %get3A_10] : memref<2000x128xf32, #tpu.memory_space<vmem>>, vector<2000x128xf32>
    %add3A = arith.addf %get3A_3, %get3A_8 : vector<2000x128xf32>
    %get3A_12 = arith.constant 0 : index
    %get3A_13 = arith.constant 0 : index
    %get3A_14 = vector.load %arg4[%get3A_12, %get3A_13] : memref<128x384xf32, #tpu.memory_space<vmem>>, vector<128x384xf32>
    %dot_general3A = arith.constant dense<0.000000e+00> : vector<2000x384xf32>
    %dot_general3A_15 = tpu.matmul %add3A, %get3A_14, %dot_general3A {dimension_numbers = #tpu.dot_dimension_numbers<[1], [0], [0], [1], [0, 0, 1, 1], [], []>, transpose_lhs_hint = false} : vector<2000x128xf32>, vector<128x384xf32>, vector<2000x384xf32> -> vector<2000x384xf32>
    %get3A_16 = arith.constant 0 : index
    %get3A_17 = arith.constant 0 : index
    %get3A_18 = vector.load %arg6[%get3A_16, %get3A_17] : memref<1x384xf32, #tpu.memory_space<vmem>>, vector<1x384xf32>
    %add3A_19 = vector.broadcast %get3A_18 : vector<1x384xf32> to vector<2000x384xf32>
    %add3A_20 = arith.addf %dot_general3A_15, %add3A_19 : vector<2000x384xf32>
    %get3A_21 = arith.constant 0 : index
    %get3A_22 = arith.constant 0 : index
    %get3A_23 = vector.load %arg5[%get3A_21, %get3A_22] : memref<128x384xf32, #tpu.memory_space<vmem>>, vector<128x384xf32>
    %dot_general3A_24 = arith.constant dense<0.000000e+00> : vector<2000x384xf32>
    %dot_general3A_25 = tpu.matmul %get3A_11, %get3A_23, %dot_general3A_24 {dimension_numbers = #tpu.dot_dimension_numbers<[1], [0], [0], [1], [0, 0, 1, 1], [], []>, transpose_lhs_hint = false} : vector<2000x128xf32>, vector<128x384xf32>, vector<2000x384xf32> -> vector<2000x384xf32>
    %get3A_26 = arith.constant 0 : index
    %get3A_27 = arith.constant 0 : index
    %get3A_28 = vector.load %arg7[%get3A_26, %get3A_27] : memref<1x384xf32, #tpu.memory_space<vmem>>, vector<1x384xf32>
    %add3A_29 = vector.broadcast %get3A_28 : vector<1x384xf32> to vector<2000x384xf32>
    %add3A_30 = arith.addf %dot_general3A_25, %add3A_29 : vector<2000x384xf32>
    %slice3A = vector.extract_strided_slice %add3A_20 {offsets = [0, 0], sizes = [2000, 128], strides = [1, 1]} : vector<2000x384xf32> to vector<2000x128xf32>
    %slice3A_31 = vector.extract_strided_slice %add3A_30 {offsets = [0, 0], sizes = [2000, 128], strides = [1, 1]} : vector<2000x384xf32> to vector<2000x128xf32>
    %add3A_32 = arith.addf %slice3A, %slice3A_31 : vector<2000x128xf32>
    %logistic3A = arith.negf %add3A_32 : vector<2000x128xf32>
    %logistic3A_33 = math.exp %logistic3A : vector<2000x128xf32>
    %logistic3A_34 = arith.constant 1.000000e+00 : f32
    %logistic3A_35 = vector.broadcast %logistic3A_34 : f32 to vector<2000x128xf32>
    %logistic3A_36 = arith.addf %logistic3A_35, %logistic3A_33 : vector<2000x128xf32>
    %logistic3A_37 = arith.divf %logistic3A_35, %logistic3A_36 : vector<2000x128xf32>
    %slice3A_38 = vector.extract_strided_slice %add3A_20 {offsets = [0, 128], sizes = [2000, 128], strides = [1, 1]} : vector<2000x384xf32> to vector<2000x128xf32>
    %slice3A_39 = vector.extract_strided_slice %add3A_30 {offsets = [0, 128], sizes = [2000, 128], strides = [1, 1]} : vector<2000x384xf32> to vector<2000x128xf32>
    %add3A_40 = arith.addf %slice3A_38, %slice3A_39 : vector<2000x128xf32>
    %logistic3A_41 = arith.negf %add3A_40 : vector<2000x128xf32>
    %logistic3A_42 = math.exp %logistic3A_41 : vector<2000x128xf32>
    %logistic3A_43 = arith.constant 1.000000e+00 : f32
    %logistic3A_44 = vector.broadcast %logistic3A_43 : f32 to vector<2000x128xf32>
    %logistic3A_45 = arith.addf %logistic3A_44, %logistic3A_42 : vector<2000x128xf32>
    %logistic3A_46 = arith.divf %logistic3A_44, %logistic3A_45 : vector<2000x128xf32>
    %slice3A_47 = vector.extract_strided_slice %add3A_20 {offsets = [0, 256], sizes = [2000, 128], strides = [1, 1]} : vector<2000x384xf32> to vector<2000x128xf32>
    %slice3A_48 = vector.extract_strided_slice %add3A_30 {offsets = [0, 256], sizes = [2000, 128], strides = [1, 1]} : vector<2000x384xf32> to vector<2000x128xf32>
    %mul3A = arith.mulf %logistic3A_37, %slice3A_48 : vector<2000x128xf32>
    %add3A_49 = arith.addf %slice3A_47, %mul3A : vector<2000x128xf32>
    %tanh3A = math.tanh %add3A_49 : vector<2000x128xf32>
    %sub3A = arith.constant 1.000000e+00 : f32
    %sub3A_50 = vector.broadcast %sub3A : f32 to vector<2000x128xf32>
    %sub3A_51 = arith.subf %sub3A_50, %logistic3A_46 : vector<2000x128xf32>
    %mul3A_52 = arith.mulf %sub3A_51, %tanh3A : vector<2000x128xf32>
    %mul3A_53 = arith.mulf %logistic3A_46, %get3A_11 : vector<2000x128xf32>
    %add3A_54 = arith.addf %mul3A_52, %mul3A_53 : vector<2000x128xf32>
    %swap3A = arith.constant 0 : index
    %swap3A_55 = arith.constant 0 : index
    %swap3A_56 = vector.load %arg9[%swap3A, %swap3A_55] : memref<2000x128xf32, #tpu.memory_space<vmem>>, vector<2000x128xf32>
    tpu.vector_store %arg9[%swap3A, %swap3A_55], %add3A_54 {strides = array<i32>} : memref<2000x128xf32, #tpu.memory_space<vmem>>, vector<2000x128xf32>,
    %get3A_57 = arith.constant 0 : index
    %get3A_58 = arith.constant 0 : index
    %get3A_59 = arith.constant 0 : index
    %get3A_60 = vector.load %arg8[%get3A_57, %get3A_58, %get3A_59] : memref<4x128x128xf32, #tpu.memory_space<vmem>>, vector<1x128x128xf32>
    %get3A_61 = vector.shape_cast %get3A_60 : vector<1x128x128xf32> to vector<128x128xf32>
    %dot_general3A_62 = arith.constant dense<0.000000e+00> : vector<2000x128xf32>
    %dot_general3A_63 = tpu.matmul %add3A_54, %get3A_61, %dot_general3A_62 {dimension_numbers = #tpu.dot_dimension_numbers<[1], [0], [0], [1], [0, 0, 1, 1], [], []>, transpose_lhs_hint = false} : vector<2000x128xf32>, vector<128x128xf32>, vector<2000x128xf32> -> vector<2000x128xf32>
    %swap3A_64 = arith.constant 0 : index
    %swap3A_65 = arith.constant 0 : index
    %swap3A_66 = arith.constant 0 : index
    %swap3A_67 = vector.load %arg10[%swap3A_64, %swap3A_65, %swap3A_66] : memref<4x2000x128xf32, #tpu.memory_space<vmem>>, vector<1x2000x128xf32>
    %swap3A_68 = vector.shape_cast %swap3A_67 : vector<1x2000x128xf32> to vector<2000x128xf32>
    %swap3A_69 = vector.shape_cast %dot_general3A_63 : vector<2000x128xf32> to vector<1x2000x128xf32>
    tpu.vector_store %arg10[%swap3A_64, %swap3A_65, %swap3A_66], %swap3A_69 {strides = array<i32>} : memref<4x2000x128xf32, #tpu.memory_space<vmem>>, vector<1x2000x128xf32>,
    %get3A_70 = arith.constant 1 : index
    %get3A_71 = arith.constant 0 : index
    %get3A_72 = arith.constant 0 : index
    %get3A_73 = vector.load %arg8[%get3A_70, %get3A_71, %get3A_72] : memref<4x128x128xf32, #tpu.memory_space<vmem>>, vector<1x128x128xf32>
    %get3A_74 = vector.shape_cast %get3A_73 : vector<1x128x128xf32> to vector<128x128xf32>
    %dot_general3A_75 = arith.constant dense<0.000000e+00> : vector<2000x128xf32>
    %dot_general3A_76 = tpu.matmul %add3A_54, %get3A_74, %dot_general3A_75 {dimension_numbers = #tpu.dot_dimension_numbers<[1], [0], [0], [1], [0, 0, 1, 1], [], []>, transpose_lhs_hint = false} : vector<2000x128xf32>, vector<128x128xf32>, vector<2000x128xf32> -> vector<2000x128xf32>
    %swap3A_77 = arith.constant 1 : index
    %swap3A_78 = arith.constant 0 : index
    %swap3A_79 = arith.constant 0 : index
    %swap3A_80 = vector.load %arg10[%swap3A_77, %swap3A_78, %swap3A_79] : memref<4x2000x128xf32, #tpu.memory_space<vmem>>, vector<1x2000x128xf32>
    %swap3A_81 = vector.shape_cast %swap3A_80 : vector<1x2000x128xf32> to vector<2000x128xf32>
    %swap3A_82 = vector.shape_cast %dot_general3A_76 : vector<2000x128xf32> to vector<1x2000x128xf32>
    tpu.vector_store %arg10[%swap3A_77, %swap3A_78, %swap3A_79], %swap3A_82 {strides = array<i32>} : memref<4x2000x128xf32, #tpu.memory_space<vmem>>, vector<1x2000x128xf32>,
    %get3A_83 = arith.constant 2 : index
    %get3A_84 = arith.constant 0 : index
    %get3A_85 = arith.constant 0 : index
    %get3A_86 = vector.load %arg8[%get3A_83, %get3A_84, %get3A_85] : memref<4x128x128xf32, #tpu.memory_space<vmem>>, vector<1x128x128xf32>
    %get3A_87 = vector.shape_cast %get3A_86 : vector<1x128x128xf32> to vector<128x128xf32>
    %dot_general3A_88 = arith.constant dense<0.000000e+00> : vector<2000x128xf32>
    %dot_general3A_89 = tpu.matmul %add3A_54, %get3A_87, %dot_general3A_88 {dimension_numbers = #tpu.dot_dimension_numbers<[1], [0], [0], [1], [0, 0, 1, 1], [], []>, transpose_lhs_hint = false} : vector<2000x128xf32>, vector<128x128xf32>, vector<2000x128xf32> -> vector<2000x128xf32>
    %swap3A_90 = arith.constant 2 : index
    %swap3A_91 = arith.constant 0 : index
    %swap3A_92 = arith.constant 0 : index
    %swap3A_93 = vector.load %arg10[%swap3A_90, %swap3A_91, %swap3A_92] : memref<4x2000x128xf32, #tpu.memory_space<vmem>>, vector<1x2000x128xf32>
    %swap3A_94 = vector.shape_cast %swap3A_93 : vector<1x2000x128xf32> to vector<2000x128xf32>
    %swap3A_95 = vector.shape_cast %dot_general3A_89 : vector<2000x128xf32> to vector<1x2000x128xf32>
    tpu.vector_store %arg10[%swap3A_90, %swap3A_91, %swap3A_92], %swap3A_95 {strides = array<i32>} : memref<4x2000x128xf32, #tpu.memory_space<vmem>>, vector<1x2000x128xf32>,
    %get3A_96 = arith.constant 3 : index
    %get3A_97 = arith.constant 0 : index
    %get3A_98 = arith.constant 0 : index
    %get3A_99 = vector.load %arg8[%get3A_96, %get3A_97, %get3A_98] : memref<4x128x128xf32, #tpu.memory_space<vmem>>, vector<1x128x128xf32>
    %get3A_100 = vector.shape_cast %get3A_99 : vector<1x128x128xf32> to vector<128x128xf32>
    %dot_general3A_101 = arith.constant dense<0.000000e+00> : vector<2000x128xf32>
    %dot_general3A_102 = tpu.matmul %add3A_54, %get3A_100, %dot_general3A_101 {dimension_numbers = #tpu.dot_dimension_numbers<[1], [0], [0], [1], [0, 0, 1, 1], [], []>, transpose_lhs_hint = false} : vector<2000x128xf32>, vector<128x128xf32>, vector<2000x128xf32> -> vector<2000x128xf32>
    %swap3A_103 = arith.constant 3 : index
    %swap3A_104 = arith.constant 0 : index
    %swap3A_105 = arith.constant 0 : index
    %swap3A_106 = vector.load %arg10[%swap3A_103, %swap3A_104, %swap3A_105] : memref<4x2000x128xf32, #tpu.memory_space<vmem>>, vector<1x2000x128xf32>
    %swap3A_107 = vector.shape_cast %swap3A_106 : vector<1x2000x128xf32> to vector<2000x128xf32>
    %swap3A_108 = vector.shape_cast %dot_general3A_102 : vector<2000x128xf32> to vector<1x2000x128xf32>
    tpu.vector_store %arg10[%swap3A_103, %swap3A_104, %swap3A_105], %swap3A_108 {strides = array<i32>} : memref<4x2000x128xf32, #tpu.memory_space<vmem>>, vector<1x2000x128xf32>,
    return
  }
  func.func @transform_0(%arg0: i32) -> (i32, i32, i32) {
    %c0_i32 = arith.constant 0 : i32
    %c0_i32_0 = arith.constant 0 : i32
    %c0_i32_1 = arith.constant 0 : i32
    return %c0_i32, %arg0, %c0_i32_0 : i32, i32, i32
  }
  func.func @transform_1(%arg0: i32) -> (i32, i32, i32) {
    %c1_i32 = arith.constant 1 : i32
    %c0_i32 = arith.constant 0 : i32
    %c0_i32_0 = arith.constant 0 : i32
    return %c1_i32, %arg0, %c0_i32 : i32, i32, i32
  }
  func.func @transform_2(%arg0: i32) -> (i32, i32) {
    %c0_i32 = arith.constant 0 : i32
    %c0_i32_0 = arith.constant 0 : i32
    return %arg0, %c0_i32 : i32, i32
  }
  func.func @transform_3(%arg0: i32) -> (i32, i32) {
    %c0_i32 = arith.constant 0 : i32
    %c0_i32_0 = arith.constant 0 : i32
    %c0_i32_1 = arith.constant 0 : i32
    return %c0_i32, %c0_i32_0 : i32, i32
  }
  func.func @transform_4(%arg0: i32) -> (i32, i32) {
    %c0_i32 = arith.constant 0 : i32
    %c0_i32_0 = arith.constant 0 : i32
    %c0_i32_1 = arith.constant 0 : i32
    return %c0_i32, %c0_i32_0 : i32, i32
  }
  func.func @transform_5(%arg0: i32) -> (i32, i32) {
    %c0_i32 = arith.constant 0 : i32
    %c0_i32_0 = arith.constant 0 : i32
    %c0_i32_1 = arith.constant 0 : i32
    return %c0_i32, %c0_i32_0 : i32, i32
  }
  func.func @transform_6(%arg0: i32) -> (i32, i32) {
    %c0_i32 = arith.constant 0 : i32
    %c0_i32_0 = arith.constant 0 : i32
    %c0_i32_1 = arith.constant 0 : i32
    return %c0_i32, %c0_i32_0 : i32, i32
  }
  func.func @transform_7(%arg0: i32) -> (i32, i32, i32) {
    %c0_i32 = arith.constant 0 : i32
    %c0_i32_0 = arith.constant 0 : i32
    %c0_i32_1 = arith.constant 0 : i32
    %c0_i32_2 = arith.constant 0 : i32
    return %c0_i32, %c0_i32_0, %c0_i32_1 : i32, i32, i32
  }
  func.func @transform_8(%arg0: i32) -> (i32, i32) {
    %c0_i32 = arith.constant 0 : i32
    %c0_i32_0 = arith.constant 0 : i32
    return %arg0, %c0_i32 : i32, i32
  }
  func.func @transform_9(%arg0: i32) -> (i32, i32, i32) {
    %c0_i32 = arith.constant 0 : i32
    %c0_i32_0 = arith.constant 0 : i32
    %c0_i32_1 = arith.constant 0 : i32
    return %c0_i32, %arg0, %c0_i32_0 : i32, i32, i32
  }
}

module attributes {stable_mosaic.version = 14 : i64} {
  func.func @_gru_body(%arg0: i32, %arg1: memref<1x2000x128xf32, #tpu.memory_space<vmem>>, %arg2: memref<1x2000x128xf32, #tpu.memory_space<vmem>>, %arg3: memref<2000x128xf32, #tpu.memory_space<vmem>>, %arg4: memref<128x384xf32, #tpu.memory_space<vmem>>, %arg5: memref<128x384xf32, #tpu.memory_space<vmem>>, %arg6: memref<1x384xf32, #tpu.memory_space<vmem>>, %arg7: memref<1x384xf32, #tpu.memory_space<vmem>>, %arg8: memref<2000x128xf32, #tpu.memory_space<vmem>>) attributes {dimension_semantics = [#tpu.dimension_semantics<arbitrary>], iteration_bounds = array<i64: 5>, scalar_prefetch = 0 : i64, scratch_operands = 0 : i64, tpu.core_type = #tpu.core_type<tc>, window_params = [{transform_indices = @transform_0, window_bounds = array<i64: 1, 2000, 128>}, {transform_indices = @transform_1, window_bounds = array<i64: 1, 2000, 128>}, {transform_indices = @transform_2, window_bounds = array<i64: 2000, 128>}, {pipeline_mode = #tpu.pipeline_mode<synchronous>, transform_indices = @transform_3, window_bounds = array<i64: 128, 384>}, {pipeline_mode = #tpu.pipeline_mode<synchronous>, transform_indices = @transform_4, window_bounds = array<i64: 128, 384>}, {pipeline_mode = #tpu.pipeline_mode<synchronous>, transform_indices = @transform_5, window_bounds = array<i64: 1, 384>}, {pipeline_mode = #tpu.pipeline_mode<synchronous>, transform_indices = @transform_6, window_bounds = array<i64: 1, 384>}, {transform_indices = @transform_7, window_bounds = array<i64: 2000, 128>}]} {
    %get3A = arith.constant 0 : index
    %get3A_0 = arith.constant 0 : index
    %get3A_1 = arith.constant 0 : index
    %get3A_2 = vector.load %arg1[%get3A, %get3A_0, %get3A_1] : memref<1x2000x128xf32, #tpu.memory_space<vmem>>, vector<1x2000x128xf32>
    %get3A_3 = vector.shape_cast %get3A_2 : vector<1x2000x128xf32> to vector<2000x128xf32>
    %get3A_4 = arith.constant 0 : index
    %get3A_5 = arith.constant 0 : index
    %get3A_6 = arith.constant 0 : index
    %get3A_7 = vector.load %arg2[%get3A_4, %get3A_5, %get3A_6] : memref<1x2000x128xf32, #tpu.memory_space<vmem>>, vector<1x2000x128xf32>
    %get3A_8 = vector.shape_cast %get3A_7 : vector<1x2000x128xf32> to vector<2000x128xf32>
    %get3A_9 = arith.constant 0 : index
    %get3A_10 = arith.constant 0 : index
    %get3A_11 = vector.load %arg3[%get3A_9, %get3A_10] : memref<2000x128xf32, #tpu.memory_space<vmem>>, vector<2000x128xf32>
    %add3A = arith.addf %get3A_3, %get3A_8 : vector<2000x128xf32>
    %get3A_12 = arith.constant 0 : index
    %get3A_13 = arith.constant 0 : index
    %get3A_14 = vector.load %arg4[%get3A_12, %get3A_13] : memref<128x384xf32, #tpu.memory_space<vmem>>, vector<128x384xf32>
    %dot_general3A = arith.constant dense<0.000000e+00> : vector<2000x384xf32>
    %dot_general3A_15 = tpu.matmul %add3A, %get3A_14, %dot_general3A {dimension_numbers = #tpu.dot_dimension_numbers<[1], [0], [0], [1], [0, 0, 1, 1], [], []>, transpose_lhs_hint = false} : vector<2000x128xf32>, vector<128x384xf32>, vector<2000x384xf32> -> vector<2000x384xf32>
    %get3A_16 = arith.constant 0 : index
    %get3A_17 = arith.constant 0 : index
    %get3A_18 = vector.load %arg6[%get3A_16, %get3A_17] : memref<1x384xf32, #tpu.memory_space<vmem>>, vector<1x384xf32>
    %add3A_19 = vector.broadcast %get3A_18 : vector<1x384xf32> to vector<2000x384xf32>
    %add3A_20 = arith.addf %dot_general3A_15, %add3A_19 : vector<2000x384xf32>
    %get3A_21 = arith.constant 0 : index
    %get3A_22 = arith.constant 0 : index
    %get3A_23 = vector.load %arg5[%get3A_21, %get3A_22] : memref<128x384xf32, #tpu.memory_space<vmem>>, vector<128x384xf32>
    %dot_general3A_24 = arith.constant dense<0.000000e+00> : vector<2000x384xf32>
    %dot_general3A_25 = tpu.matmul %get3A_11, %get3A_23, %dot_general3A_24 {dimension_numbers = #tpu.dot_dimension_numbers<[1], [0], [0], [1], [0, 0, 1, 1], [], []>, transpose_lhs_hint = false} : vector<2000x128xf32>, vector<128x384xf32>, vector<2000x384xf32> -> vector<2000x384xf32>
    %get3A_26 = arith.constant 0 : index
    %get3A_27 = arith.constant 0 : index
    %get3A_28 = vector.load %arg7[%get3A_26, %get3A_27] : memref<1x384xf32, #tpu.memory_space<vmem>>, vector<1x384xf32>
    %add3A_29 = vector.broadcast %get3A_28 : vector<1x384xf32> to vector<2000x384xf32>
    %add3A_30 = arith.addf %dot_general3A_25, %add3A_29 : vector<2000x384xf32>
    %slice3A = vector.extract_strided_slice %add3A_20 {offsets = [0, 0], sizes = [2000, 128], strides = [1, 1]} : vector<2000x384xf32> to vector<2000x128xf32>
    %slice3A_31 = vector.extract_strided_slice %add3A_30 {offsets = [0, 0], sizes = [2000, 128], strides = [1, 1]} : vector<2000x384xf32> to vector<2000x128xf32>
    %add3A_32 = arith.addf %slice3A, %slice3A_31 : vector<2000x128xf32>
    %logistic3A = arith.negf %add3A_32 : vector<2000x128xf32>
    %logistic3A_33 = math.exp %logistic3A : vector<2000x128xf32>
    %logistic3A_34 = arith.constant 1.000000e+00 : f32
    %logistic3A_35 = vector.broadcast %logistic3A_34 : f32 to vector<2000x128xf32>
    %logistic3A_36 = arith.addf %logistic3A_35, %logistic3A_33 : vector<2000x128xf32>
    %logistic3A_37 = arith.divf %logistic3A_35, %logistic3A_36 : vector<2000x128xf32>
    %slice3A_38 = vector.extract_strided_slice %add3A_20 {offsets = [0, 128], sizes = [2000, 128], strides = [1, 1]} : vector<2000x384xf32> to vector<2000x128xf32>
    %slice3A_39 = vector.extract_strided_slice %add3A_30 {offsets = [0, 128], sizes = [2000, 128], strides = [1, 1]} : vector<2000x384xf32> to vector<2000x128xf32>
    %add3A_40 = arith.addf %slice3A_38, %slice3A_39 : vector<2000x128xf32>
    %logistic3A_41 = arith.negf %add3A_40 : vector<2000x128xf32>
    %logistic3A_42 = math.exp %logistic3A_41 : vector<2000x128xf32>
    %logistic3A_43 = arith.constant 1.000000e+00 : f32
    %logistic3A_44 = vector.broadcast %logistic3A_43 : f32 to vector<2000x128xf32>
    %logistic3A_45 = arith.addf %logistic3A_44, %logistic3A_42 : vector<2000x128xf32>
    %logistic3A_46 = arith.divf %logistic3A_44, %logistic3A_45 : vector<2000x128xf32>
    %slice3A_47 = vector.extract_strided_slice %add3A_20 {offsets = [0, 256], sizes = [2000, 128], strides = [1, 1]} : vector<2000x384xf32> to vector<2000x128xf32>
    %slice3A_48 = vector.extract_strided_slice %add3A_30 {offsets = [0, 256], sizes = [2000, 128], strides = [1, 1]} : vector<2000x384xf32> to vector<2000x128xf32>
    %mul3A = arith.mulf %logistic3A_37, %slice3A_48 : vector<2000x128xf32>
    %add3A_49 = arith.addf %slice3A_47, %mul3A : vector<2000x128xf32>
    %tanh3A = math.tanh %add3A_49 : vector<2000x128xf32>
    %sub3A = arith.constant 1.000000e+00 : f32
    %sub3A_50 = vector.broadcast %sub3A : f32 to vector<2000x128xf32>
    %sub3A_51 = arith.subf %sub3A_50, %logistic3A_46 : vector<2000x128xf32>
    %mul3A_52 = arith.mulf %sub3A_51, %tanh3A : vector<2000x128xf32>
    %mul3A_53 = arith.mulf %logistic3A_46, %get3A_11 : vector<2000x128xf32>
    %add3A_54 = arith.addf %mul3A_52, %mul3A_53 : vector<2000x128xf32>
    %swap3A = arith.constant 0 : index
    %swap3A_55 = arith.constant 0 : index
    %swap3A_56 = vector.load %arg8[%swap3A, %swap3A_55] : memref<2000x128xf32, #tpu.memory_space<vmem>>, vector<2000x128xf32>
    tpu.vector_store %arg8[%swap3A, %swap3A_55], %add3A_54 {strides = array<i32>} : memref<2000x128xf32, #tpu.memory_space<vmem>>, vector<2000x128xf32>,
    return
  }
  func.func @transform_0(%arg0: i32) -> (i32, i32, i32) {
    %c0_i32 = arith.constant 0 : i32
    %c0_i32_0 = arith.constant 0 : i32
    %c0_i32_1 = arith.constant 0 : i32
    return %c0_i32, %arg0, %c0_i32_0 : i32, i32, i32
  }
  func.func @transform_1(%arg0: i32) -> (i32, i32, i32) {
    %c1_i32 = arith.constant 1 : i32
    %c0_i32 = arith.constant 0 : i32
    %c0_i32_0 = arith.constant 0 : i32
    return %c1_i32, %arg0, %c0_i32 : i32, i32, i32
  }
  func.func @transform_2(%arg0: i32) -> (i32, i32) {
    %c0_i32 = arith.constant 0 : i32
    %c0_i32_0 = arith.constant 0 : i32
    return %arg0, %c0_i32 : i32, i32
  }
  func.func @transform_3(%arg0: i32) -> (i32, i32) {
    %c0_i32 = arith.constant 0 : i32
    %c0_i32_0 = arith.constant 0 : i32
    %c0_i32_1 = arith.constant 0 : i32
    return %c0_i32, %c0_i32_0 : i32, i32
  }
  func.func @transform_4(%arg0: i32) -> (i32, i32) {
    %c0_i32 = arith.constant 0 : i32
    %c0_i32_0 = arith.constant 0 : i32
    %c0_i32_1 = arith.constant 0 : i32
    return %c0_i32, %c0_i32_0 : i32, i32
  }
  func.func @transform_5(%arg0: i32) -> (i32, i32) {
    %c0_i32 = arith.constant 0 : i32
    %c0_i32_0 = arith.constant 0 : i32
    %c0_i32_1 = arith.constant 0 : i32
    return %c0_i32, %c0_i32_0 : i32, i32
  }
  func.func @transform_6(%arg0: i32) -> (i32, i32) {
    %c0_i32 = arith.constant 0 : i32
    %c0_i32_0 = arith.constant 0 : i32
    %c0_i32_1 = arith.constant 0 : i32
    return %c0_i32, %c0_i32_0 : i32, i32
  }
  func.func @transform_7(%arg0: i32) -> (i32, i32) {
    %c0_i32 = arith.constant 0 : i32
    %c0_i32_0 = arith.constant 0 : i32
    return %arg0, %c0_i32 : i32, i32
  }
}

</mosaic_0001>

<sc_bundles>
// kernel: kernel.11.cloned.1.call-start
scs
__scs_entry_jumppad:
0x0: {  	(pc) =	sbr.rel $0x88, $3  }
0x1: {  	(tag) =	ssettag $0x0;
	lr =	simm.s32 $0x1  }
0x2: {  	[smem:$0x3F99] =	sst lr;
	_ =	strace $0xD0000000  }
0x3: {  	_ = 	snop  }
0x4: {  	_ = 	snop  }
0x5: {  	_ = 	snop  }
0x6: {  	_ = 	snop  }
0x7: {  	_ = 	snop  }
__scs_overlays_trampoline_lowered:
0x8: {  	[smem:$0x3FA8] =	sst s0  }
0x9: {  	[smem:$0x3FA9] =	sst s1  }
0xa: {  	[smem:$0x3FAA] =	sst s2  }
0xb: {  	[smem:$0x3FAB] =	sst s3  }
0xc: {  	[smem:$0x3FAC] =	sst s4  }
0xd: {  	[smem:$0x3FAD] =	sst s5  }
0xe: {  	[smem:$0x3FAE] =	sst s6  }
0xf: {  	[smem:$0x3FAF] =	sst s7  }
0x10: {  	[smem:$0x3FB0] =	sst s8  }
0x11: {  	[smem:$0x3FB1] =	sst s9;
	s0 =	simm.s32 @!p0 $0x0  }
0x12: {  	s1 =	sld [smem:$0x3F97];
	s0 =	simm.s32 @p0 $0x1  }
0x13: {  	[smem:$0x3FB2] =	sst s0;
	s0 =	simm.s32 @!p1 $0x0  }
0x14: {  	s2 =	sld [smem:$0x3F96];
	s0 =	simm.s32 @p1 $0x1  }
0x15: {  	[smem:$0x3FB3] =	sst s0;
	s0 =	simm.s32 @!p2 $0x0  }
0x16: {  	s3 =	sld [smem:$0x3FDB];
	s0 =	simm.s32 @p2 $0x1  }
0x17: {  	s4 =	simm.s32 $0x1BF5;
	[smem:$0x3FB5] =	sst s0  }
0x18: {  	s0 =	sld [smem:$0x3F98];
	_ =	swait.ge [sflag:s4], $0x0  }
0x19: {  	s7 =	sld [smem:$0x3F99]  }
0x1a: {  	s8 =	sadd.s32 $0xFFFFE003, lr  }
0x1b: {  	s9 =	sadd.s32 $0xFFFFFEF7, lr;
	s5 =	simm.s32 $0xFFFFFFFF;
	p2 =	slt.u32 s8, $0xFFFFF086  }
0x1c: {  	p1 =	slt.u32 s9, $0xF7A;
	s5 =	simm.s32 @!p2 $0x0  }
0x1d: {  	s5 =	simm.s32 @p1 $0x1;
	p0 =	seq.s32 s7, s2  }
0x1e: {  	s7 =	smul.u32 @!p0 $0xF7A, s2;
	p2 =	seq.s32 @!p0 s5, $0x0  }
0x1f: {  	s9 =	smul.u32 $0xF7A, s1;
	s8 =	simm.s32 @!p0 $0x1BF5;
	p2 =	por !p2, p0  }
0x20: {  	[sflag:s8] =	ssyncset.s32 @!p0 $0xFFFFF086;
	s6 =	sadd.s32 @!p0 s3, s7;
	s7 =	simm.s32 @!p0 $0x108  }
0x21: {  	s3 =	sadd.s32 s3, s9;
	s6 =	sadd.s32 @!p0 $0x88, s6;
	s7 =	simm.s32 @p2 $0x1082  }
0x22: {  	[simem:s7], [sflag:s8] =	dma.local @!p0 [hbm:s6], $0xF7A  }
0x23: {  	s9 =	sor.u32 $0xD0000000, s2;
	s6 =	simm.s32 $0x108;
	_ =	swait.ge @!p0 [sflag:s8], $0x0  }
0x24: {  	s3 =	sadd.s32 $0x88, s3;
	s6 =	simm.s32 @!p1 $0x1082;
	[sflag:s4] =	ssyncset.s32 $0xFFFFF086  }
0x25: {  	[simem:s6], [sflag:s4] =	dma.local [hbm:s3], $0xF7A  }
0x26: {  	[smem:$0x3F99] =	sst s1;
	(tag) =	ssettag s2;
	_ =	strace s9  }
0x27: {  	s1 =	sld [smem:$0x3FA9]  }
0x28: {  	s2 =	sld [smem:$0x3FAA]  }
0x29: {  	s4 =	sld [smem:$0x3FAC]  }
0x2a: {  	p0 =	seq.s32 s5, $0x0;
	s5 =	sld [smem:$0x3FAD]  }
0x2b: {  	s6 =	sld [smem:$0x3FAE]  }
0x2c: {  	s7 =	sld [smem:$0x3FAF]  }
0x2d: {  	s3 =	simm.s32 $0x108;
	s8 =	sld [smem:$0x3FB0]  }
0x2e: {  	s3 =	simm.s32 @!p0 $0x1082;
	s9 =	sld [smem:$0x3FB1]  }
0x2f: {  	lr =	sadd.s32 s0, s3;
	s0 =	sld [smem:$0x3FA8]  }
0x30: {  	s3 =	sld [smem:$0x3FAB]  }
0x31: {  	[smem:$0x3FB4] =	sst s10  }
0x32: {  	s10 =	sld [smem:$0x3FB2];
	_ =	sdelay $0x3  }
0x33: {  	p0 =	seq.s32 s10, $0x1;
	s10 =	sld [smem:$0x3FB4];
	_ =	sdelay $0x3  }
0x34: {  	[smem:$0x3FB4] =	sst s10  }
0x35: {  	s10 =	sld [smem:$0x3FB3];
	_ =	sdelay $0x3  }
0x36: {  	p1 =	seq.s32 s10, $0x1;
	s10 =	sld [smem:$0x3FB4];
	_ =	sdelay $0x3  }
0x37: {  	[smem:$0x3FB4] =	sst s10  }
0x38: {  	s10 =	sld [smem:$0x3FB5]  }
0x39: {  	_ = 	snop;
	(pc) =	sbr.ind lr, $3  }
0x3a: {  	_ = 	snop  }
0x3b: {  	_ = 	snop  }
0x3c: {  	p2 =	seq.s32 s10, $0x1;
	s10 =	sld [smem:$0x3FB4]  }
0x3d: {  	_ =	shalt  }
0x3e: {  	_ =	shalt  }
0x3f: {  	_ =	shalt  }
0x40: {  	_ =	shalt  }
0x41: {  	_ =	shalt  }
0x42: {  	_ =	shalt  }
0x43: {  	_ =	shalt  }
0x44: {  	_ =	shalt  }
0x45: {  	_ =	shalt  }
0x46: {  	_ =	shalt  }
0x47: {  	_ =	shalt  }
0x48: {  	_ =	shalt  }
0x49: {  	_ =	shalt  }
0x4a: {  	_ =	shalt  }
0x4b: {  	_ =	shalt  }
0x4c: {  	_ =	shalt  }
0x4d: {  	_ =	shalt  }
0x4e: {  	_ =	shalt  }
0x4f: {  	_ =	shalt  }
0x50: {  	_ =	shalt  }
0x51: {  	_ =	shalt  }
0x52: {  	_ =	shalt  }
0x53: {  	_ =	shalt  }
0x54: {  	_ =	shalt  }
0x55: {  	_ =	shalt  }
0x56: {  	_ =	shalt  }
0x57: {  	_ =	shalt  }
0x58: {  	_ =	shalt  }
0x59: {  	_ =	shalt  }
0x5a: {  	_ =	shalt  }
0x5b: {  	_ =	shalt  }
0x5c: {  	_ =	shalt  }
0x5d: {  	_ =	shalt  }
0x5e: {  	_ =	shalt  }
0x5f: {  	_ =	shalt  }
0x60: {  	_ =	shalt  }
0x61: {  	_ =	shalt  }
0x62: {  	_ =	shalt  }
0x63: {  	_ =	shalt  }
0x64: {  	_ =	shalt  }
0x65: {  	_ =	shalt  }
0x66: {  	_ =	shalt  }
0x67: {  	_ =	shalt  }
0x68: {  	_ =	shalt  }
0x69: {  	_ =	shalt  }
0x6a: {  	_ =	shalt  }
0x6b: {  	_ =	shalt  }
0x6c: {  	_ =	shalt  }
0x6d: {  	_ =	shalt  }
0x6e: {  	_ =	shalt  }
0x6f: {  	_ =	shalt  }
0x70: {  	_ =	shalt  }
0x71: {  	_ =	shalt  }
0x72: {  	_ =	shalt  }
0x73: {  	_ =	shalt  }
0x74: {  	_ =	shalt  }
0x75: {  	_ =	shalt  }
0x76: {  	_ =	shalt  }
0x77: {  	_ =	shalt  }
0x78: {  	_ =	shalt  }
0x79: {  	_ =	shalt  }
0x7a: {  	_ =	shalt  }
0x7b: {  	_ =	shalt  }
0x7c: {  	_ =	shalt  }
0x7d: {  	_ =	shalt  }
0x7e: {  	_ =	shalt  }
0x7f: {  	_ =	shalt  }
0x80: {  	_ =	shalt  }
0x81: {  	_ =	shalt  }
0x82: {  	_ =	shalt  }
0x83: {  	_ =	shalt  }
0x84: {  	_ =	shalt  }
0x85: {  	_ =	shalt  }
0x86: {  	_ =	shalt  }
0x87: {  	_ =	shalt  }
.Lfunc_end0:
.L_simem_size_0:
called_computation.1_lowered:
.L_overlay_start_0:
0x88: {  	s2 =	sld [smem:$0x3FD9]  }
0x89: {  	s3 =	sld [smem:$0x3FFE];
	_ =	sdelay $0x1  }
0x8a: {  	s1 =	srdreg.scid  }
0x8b: {  	s0 =	sand.u32 $0x1, s1  }
0x8c: {  	s17 =	sshll.u32 s0, $0xA;
	s2 =	sadd.s32 s3, s2  }
0x8d: {  	s2 =	sadd.s32 s2, s17  }
0x8e: {  	[smem:$0x3FC0] =	sst s2  }
0x8f: {  	_ = 	snop  }
0x90: {  	s2 =	sld [smem:$0x3FD0];
	(tm) =	ssettm $0x1  }
0x91: {  	s18 =	sld [smem:$0x3FFB];
	_ =	sdelay $0x3  }
0x92: {  	_ =	strace s18  }
0x93: {  	s3 =	sld [smem:$0x3FFC];
	_ =	sdelay $0x3  }
0x94: {  	_ =	strace s3  }
0x95: {  	s3 =	sld [smem:$0x3FFD];
	_ =	sdelay $0x3  }
0x96: {  	_ =	strace s3  }
0x97: {  	_ =	strace $0x8FFFFFFF  }
0x98: {  	s19 =	sld [smem:$0x3FDB];
	_ =	sdelay $0x1  }
0x99: {  	s4 =	simm.s32 $_scs_section_size  }
0x9a: {  	s5 =	simm.s32 $_size__tile_overlayer_lowered;
	s6 =	simm.s32 $_tile_overlayer_lowered  }
0x9b: {  	s22 =	simm.s32 $0x1BFF;
	s21 =	sshll.u32 s6, $0x1;
	s3 =	sadd.s32 s4, s19  }
0x9c: {  	s7 =	simm.s32 $0x0;
	s20 =	sshll.u32 s5, $0x1;
	s5 =	sadd.s32 s21, s3  }
0x9d: {  	[timem:s7], [sflag:s22] =	dma.local [hbm:s5], s20  }
0x9e: {  	_ =	swait.ge [sflag:s22], s20  }
0x9f: {  	s4 =	ssub.s32 $0x0, s20;
	[sflag:s22] =	ssyncset.done $0x0  }
0xa0: {  	[sflag:s22] =	ssyncadd.s32 s4;
	_ =	sdelay $0x1  }
0xa1: {  	s23 =	simm.s32 $0x1B8B  }
0xa2: {  	_ =	swait.ge [sflag:s23], $0x1  }
0xa3: {  	[sflag:s23] =	ssyncset.done $0x0  }
0xa4: {  	s25 =	simm.s32 $0x1B8E;
	s24 =	sld [smem:$0x3FFE];
	[sflag:s23] =	ssyncadd.s32 $0xFFFFFFFF  }
0xa5: {  	s26 =	simm.s32 $execute0_lowered;
	[smem:$0x3FD2] =	sst s25  }
0xa6: {  	s5 =	sshll.u32 s26, $0x1;
	_ =	strace $0x80000049;
	[dreg:$0x1] =	wrdreg $0xFFFFFFFF  }
0xa7: {  	s28 =	simm.s32 $_size_execute0_lowered;
	s3 =	sadd.s32 s3, s5;
	[dreg:$0x0] =	wrdreg $0x0  }
0xa8: {  	s5 =	sshll.u32 s28, $0x1;
	[dreg:$0x2] =	wrdreg s3  }
0xa9: {  	[dreg:$0x3] =	wrdreg s5  }
0xaa: {  	[dreg:$0x4] =	wrdreg $0xC0  }
0xab: {  	_ =	task [dreg:s7], $0x5FFFF  }
0xac: {  	[dreg:$0x1] =	wrdreg $0xFFFFFFFF  }
0xad: {  	[dreg:$0x0] =	wrdreg $0x60  }
0xae: {  	[dreg:$0x2] =	wrdreg s24  }
0xaf: {  	[dreg:$0x3] =	wrdreg s2  }
0xb0: {  	[dreg:$0x4] =	wrdreg $0xB8000  }
0xb1: {  	[dreg:$0x5] =	wrdreg $0x9  }
0xb2: {  	_ =	task.clear_ibuf [dreg:s7], $0x6FFFF;
	_ =	strace $0x90000049  }
0xb3: {  	s29 =	simm.s32 $0x9;
	_ =	strace $0x8000004B  }
0xb4: {  	_ =	swait.ge [sflag:s29], $0x1  }
0xb5: {  	[sflag:s29] =	ssyncadd.s32 $0xFFFFFFFF  }
0xb6: {  	_ =	strace $0x9000004B  }
0xb7: {  	_ =	sfence  }
0xb8: {  	s30 =	sld [smem:$0x0];
	_ =	sdelay $0x2  }
0xb9: {  	s31 =	sshll.u32 s1, $0xD;
	s1 =	sshrl.u32 s1, $0x2  }
0xba: {  	s3 =	sand.u32 $0x4000, s31;
	s1 =	sadd.s32 s1, s30  }
0xbb: {  	s0 =	sor.u32 s3, s0;
	s1 =	sshll.u32 s1, $0x11  }
0xbc: {  	s0 =	sor.u32 s1, s0  }
0xbd: {  	s0 =	sadd.s32 $0x8F2B, s0  }
0xbe: {  	[sflag:s0] =	ssyncadd.remote.s32 $0x1  }
0xbf: {  	_ =	sfence.sel $0xFFFF  }
0xc0: {  	[dreg:$0x0] =	wrdreg $0xFFFFFFFF;
	(pc) =	sbr.abs _section_cstart, $3  }
0xc1: {  	[dreg:$0x1] =	wrdreg $0xFFFFFFFF  }
0xc2: {  	_ =	task.clear_ibuf [dreg:s7], $0x2FFFF;
	_ =	strace $0x9FFFFFFF  }
0xc3: {  	(tm) =	ssettm $0x7FFFFFFF  }
tec
execute0_lowered:
.L_overlay_start_1:
0x0: {  	(tag) =	ssettag $0x1  }
0x1: {  	s1 =	srdreg.scid;
	s5 =	rddreg [dreg:$0x0]  }
0x2: {  	s0 =	stileid.u32;
	s14 =	rddreg [dreg:$0x1]  }
0x3: {  	s2 =	rddreg [dreg:$0x2];
	s3 =	simm.s32 $0x0;
	s19 =	simm.s32 $0x2800  }
0x4: {  	s20 =	simm.s32 $0x50;
	s21 =	simm.s32 $0x9000;
	s22 =	simm.s32 $0x1  }
0x5: {  	s23 =	simm.s32 $0x6700;
	s24 =	simm.s32 $0x6780;
	s6 =	sand.u32 $0x1, s1  }
0x6: {  	s28 =	sshll.u32 s0, $0x1;
	s1 =	rddreg [dreg:$0x3];
	s9 =	smul.u32 $0x13C00, s0  }
0x7: {  	[smem:$0x7FF] =	sst s3;
	s10 =	smul.u32 $0x4F000, s0;
	s4 =	sadd.s32 $0x16800, s5  }
0x8: {  	s13 =	sor.u32 s6, s28;
	s8 =	smul.u32 $0x13C000, s6;
	_ =	strace $0x8000004A  }
0x9: {  	s6 =	ssub.s32 $0x2, s6;
	s7 =	smul.u32 $0x500, s13;
	s30 =	sshrl.u32 s10, $0x2  }
0xa: {  	s31 =	sshrl.u32 s6, $0x1;
	s18 =	sshll.u32 s13, $0xB;
	s29 =	sadd.s32 s9, s8  }
0xb: {  	s17 =	ssub.s32 s6, s31;
	s15 =	sadd.s32 s7, s5;
	s7 =	sshrl.u32 s29, $0x3  }
0xc: {  	s14 =	sadd.s32 s14, s18;
	s16 =	sadd.s32 s7, s5;
	s5 =	sadd.s32 s30, s2  }
0xd: {  	s18 =	simm.s32 $0x2;
	s13 =	sadd.s32 $0xC800, s15;
	s6 =	sadd.s32 $0x2800, s5  }
0xe: {  	s7 =	sadd.s32 $0x5000, s5;
	s8 =	sadd.s32 $0x7800, s5;
	s9 =	sadd.s32 $0xA000, s5  }
0xf: {  	s10 =	sadd.s32 $0xC800, s5;
	s11 =	sadd.s32 $0xF000, s5;
	s12 =	sadd.s32 $0x11800, s5  }
0x10: {  	v0 =	vimm.f32 $0.0e+00;
	s15 =	sadd.s32 $0xB2C00, s16;
	s16 =	smax.u32 s17, $0x1;
	s17 =	simm.s32 $0x6800  }
.LBB2_1:
0x11: {  	s25 =	simm.s32 $0x0;
	s26 =	simm.s32 $0x200  }
.LBB2_2:
0x12: {  	p0 =	sne.s32 s26, $0x9E00;
	[tilespmem:s25+$0x6870] =	vst v0  }
0x13: {  	[tilespmem:s25+$0x6800] =	vst v0  }
0x14: {  	[tilespmem:s25+$0x6810] =	vst v0  }
.Ltmp0:
0x15: {  	[tilespmem:s25+$0x6820] =	vst v0;
	(pc) =	sbr.rel @p0 .LBB2_2-.Ltmp0, $4  }
0x16: {  	[tilespmem:s25+$0x6830] =	vst v0  }
0x17: {  	[tilespmem:s25+$0x6840] =	vst v0  }
0x18: {  	[tilespmem:s25+$0x6850] =	vst v0  }
0x19: {  	[tilespmem:s25+$0x6860] =	vst v0;
	s25 =	sshra.s32 s26, $0x2;
	s26 =	sadd.s32 $0x200, s26  }
0x1a: {  	[tilespmem:s25+$0x6870] =	vst v0  }
0x1b: {  	[tilespmem:s25+$0x6800] =	vst v0  }
0x1c: {  	[tilespmem:s25+$0x6810] =	vst v0  }
0x1d: {  	[tilespmem:s25+$0x6820] =	vst v0  }
0x1e: {  	[tilespmem:s25+$0x6830] =	vst v0  }
0x1f: {  	[tilespmem:s25+$0x6840] =	vst v0  }
0x20: {  	[tilespmem:s25+$0x6850] =	vst v0  }
0x21: {  	[tilespmem:s25+$0x6860] =	vst v0  }
0x22: {  	[spmem:s5] =	stream.linear.scatter [tilespmem:s17], [sflag:$0x2], $0x2800, $0x38;
	[tilespmem:$0x1F400] =	vst v63  }
0x23: {  	_ =	swait.ge [sflag:s18], $0x2800  }
0x24: {  	[sflag:s18] =	ssyncset.done $0x0  }
0x25: {  	[sflag:s18] =	ssyncadd.s32 $0xFFFFD800  }
0x26: {  	[spmem:s6] =	stream.linear.scatter [tilespmem:s17], [sflag:$0x2], $0x2800, $0x38;
	[tilespmem:$0x1F400] =	vst v63  }
0x27: {  	_ =	swait.ge [sflag:s18], $0x2800  }
0x28: {  	[sflag:s18] =	ssyncset.done $0x0  }
0x29: {  	[sflag:s18] =	ssyncadd.s32 $0xFFFFD800  }
0x2a: {  	[spmem:s7] =	stream.linear.scatter [tilespmem:s17], [sflag:$0x2], $0x2800, $0x38;
	[tilespmem:$0x1F400] =	vst v63  }
0x2b: {  	_ =	swait.ge [sflag:s18], $0x2800  }
0x2c: {  	[sflag:s18] =	ssyncset.done $0x0  }
0x2d: {  	[sflag:s18] =	ssyncadd.s32 $0xFFFFD800  }
0x2e: {  	[spmem:s8] =	stream.linear.scatter [tilespmem:s17], [sflag:$0x2], $0x2800, $0x38;
	[tilespmem:$0x1F400] =	vst v63  }
0x2f: {  	_ =	swait.ge [sflag:s18], $0x2800  }
0x30: {  	[sflag:s18] =	ssyncset.done $0x0  }
0x31: {  	[sflag:s18] =	ssyncadd.s32 $0xFFFFD800  }
0x32: {  	[spmem:s9] =	stream.linear.scatter [tilespmem:s17], [sflag:$0x2], $0x2800, $0x38;
	[tilespmem:$0x1F400] =	vst v63  }
0x33: {  	_ =	swait.ge [sflag:s18], $0x2800  }
0x34: {  	[sflag:s18] =	ssyncset.done $0x0  }
0x35: {  	[sflag:s18] =	ssyncadd.s32 $0xFFFFD800  }
0x36: {  	[spmem:s10] =	stream.linear.scatter [tilespmem:s17], [sflag:$0x2], $0x2800, $0x38;
	[tilespmem:$0x1F400] =	vst v63  }
0x37: {  	_ =	swait.ge [sflag:s18], $0x2800  }
0x38: {  	[sflag:s18] =	ssyncset.done $0x0  }
0x39: {  	[sflag:s18] =	ssyncadd.s32 $0xFFFFD800  }
0x3a: {  	[spmem:s11] =	stream.linear.scatter [tilespmem:s17], [sflag:$0x2], $0x2800, $0x38;
	[tilespmem:$0x1F400] =	vst v63  }
0x3b: {  	_ =	swait.ge [sflag:s18], $0x2800  }
0x3c: {  	[sflag:s18] =	ssyncset.done $0x0  }
0x3d: {  	[sflag:s18] =	ssyncadd.s32 $0xFFFFD800  }
0x3e: {  	[spmem:s12] =	stream.linear.scatter [tilespmem:s17], [sflag:$0x2], $0x2400, $0x38;
	[tilespmem:$0x1F400] =	vst v63  }
0x3f: {  	_ =	swait.ge [sflag:s18], $0x2400  }
0x40: {  	[sflag:s18] =	ssyncset.done $0x0  }
0x41: {  	s26 =	simm.s32 $0x0;
	[sflag:s18] =	ssyncadd.s32 $0xFFFFDC00  }
0x42: {  	[tilespmem:s26], [sflag:$0x2] =	stream.linear.gather [hbm4b:s13+s26], $0x2800, $0x38;
	[tilespmem:$0x1F400] =	vst v63  }
0x43: {  	_ =	swait.ge [sflag:s18], $0x2800  }
0x44: {  	[sflag:s18] =	ssyncset.done $0x0  }
0x45: {  	[sflag:s18] =	ssyncadd.s32 $0xFFFFD800  }
0x46: {  	[tilespmem:s19], [sflag:$0x2] =	stream.linear.gather [hbm4b:s14+s26], $0x4000, $0x38;
	[tilespmem:$0x1F400] =	vst v63  }
0x47: {  	_ =	swait.ge [sflag:s18], $0x4000  }
0x48: {  	[sflag:s18] =	ssyncset.done $0x0  }
0x49: {  	[sflag:s18] =	ssyncadd.s32 $0xFFFFC000  }
0x4a: {  	[bflag:$0x0] =	sbarrier.arrive $0xFFFF  }
0x4b: {  	[tilespmem:s17], [sflag:$0x1] =	stream.indirect.gather [hbm4b:s4+s20], $0x80, s26, s20, $0xb8;
	[tilespmem:$0x1F400] =	vst v63  }
0x4c: {  	_ = 	snop  }
0x4d: {  	[tilespmem:s21], [sflag:$0x1] =	stream.indirect.gather [hbm4b:s4+s20], $0x80, s20, s20, $0xb8;
	[tilespmem:$0x1F400] =	vst v63  }
0x4e: {  	_ =	swait.ge [sflag:s22], $0x2800  }
0x4f: {  	[sflag:s22] =	ssyncset.done $0x0  }
0x50: {  	s29 =	simm.s32 $0x2800;
	[sflag:s22] =	ssyncadd.s32 $0xFFFFD800  }
0x51: {  	[spmem:s2] =	stream.indirect.scatter.add.f32 [tilespmem:s17], [sflag:$0x2], $0x80, s29, s20, $0xb8;
	[tilespmem:$0x1F400] =	vst v63  }
0x52: {  	_ =	swait.ge [sflag:s18], $0x2800  }
0x53: {  	[sflag:s18] =	ssyncset.done $0x0  }
0x54: {  	s30 =	simm.s32 $0xA0;
	[sflag:s18] =	ssyncadd.s32 $0xFFFFD800  }
0x55: {  	[tilespmem:s17], [sflag:$0x1] =	stream.indirect.gather [hbm4b:s4+s20], $0x80, s30, s20, $0xb8;
	[tilespmem:$0x1F400] =	vst v63  }
0x56: {  	_ =	swait.ge [sflag:s22], $0x2800  }
0x57: {  	[sflag:s22] =	ssyncset.done $0x0  }
0x58: {  	s31 =	simm.s32 $0x2880;
	[sflag:s22] =	ssyncadd.s32 $0xFFFFD800  }
0x59: {  	[spmem:s2] =	stream.indirect.scatter.add.f32 [tilespmem:s21], [sflag:$0x2], $0x80, s31, s20, $0xb8;
	[tilespmem:$0x1F400] =	vst v63  }
0x5a: {  	_ =	swait.ge [sflag:s18], $0x2800  }
0x5b: {  	s25 =	simm.s32 $0xF0;
	[sflag:s18] =	ssyncset.done $0x0  }
0x5c: {  	s28 =	simm.s32 $0x190;
	s26 =	simm.s32 $0x400;
	[sflag:s18] =	ssyncadd.s32 $0xFFFFD800  }
.LBB2_4:
0x5d: {  	[tilespmem:s21], [sflag:$0x1] =	stream.indirect.gather [hbm4b:s4+s20], $0x80, s25, s20, $0xb8;
	[tilespmem:$0x1F400] =	vst v63  }
0x5e: {  	s29 =	smov.u32 s26;
	s25 =	smov.u32 s28  }
0x5f: {  	p0 =	sne.s32 s26, $0xF800;
	s26 =	sadd.s32 $0x400, s26;
	_ =	swait.ge [sflag:s22], $0x2800  }
0x60: {  	s29 =	sshra.s32 s29, $0x2;
	[sflag:s22] =	ssyncset.done $0x0  }
0x61: {  	s30 =	sadd.s32 $0x2800, s29;
	[sflag:s22] =	ssyncadd.s32 $0xFFFFD800  }
0x62: {  	[spmem:s2] =	stream.indirect.scatter.add.f32 [tilespmem:s17], [sflag:$0x2], $0x80, s30, s20, $0xb8;
	[tilespmem:$0x1F400] =	vst v63  }
0x63: {  	_ =	swait.ge [sflag:s18], $0x2800  }
0x64: {  	[sflag:s18] =	ssyncset.done $0x0  }
0x65: {  	s30 =	sadd.s32 $0xFFFFFFB0, s28;
	[sflag:s18] =	ssyncadd.s32 $0xFFFFD800  }
0x66: {  	[tilespmem:s17], [sflag:$0x1] =	stream.indirect.gather [hbm4b:s4+s20], $0x80, s30, s20, $0xb8;
	[tilespmem:$0x1F400] =	vst v63  }
0x67: {  	_ =	swait.ge [sflag:s22], $0x2800  }
0x68: {  	[sflag:s22] =	ssyncset.done $0x0  }
.Ltmp1:
0x69: {  	s29 =	sadd.s32 $0x2880, s29;
	[sflag:s22] =	ssyncadd.s32 $0xFFFFD800;
	(pc) =	sbr.rel @p0 .LBB2_4-.Ltmp1, $4  }
0x6a: {  	[spmem:s2] =	stream.indirect.scatter.add.f32 [tilespmem:s21], [sflag:$0x2], $0x80, s29, s20, $0xb8;
	[tilespmem:$0x1F400] =	vst v63  }
0x6b: {  	_ =	swait.ge [sflag:s18], $0x2800  }
0x6c: {  	[sflag:s18] =	ssyncset.done $0x0  }
0x6d: {  	s28 =	sadd.s32 $0xA0, s28;
	[sflag:s18] =	ssyncadd.s32 $0xFFFFD800  }
0x6e: {  	[tilespmem:s21], [sflag:$0x1] =	stream.indirect.gather [hbm4b:s4+s20], $0x80, s25, s20, $0xb8;
	[tilespmem:$0x1F400] =	vst v63  }
0x6f: {  	_ =	swait.ge [sflag:s22], $0x2800  }
0x70: {  	[sflag:s22] =	ssyncset.done $0x0  }
0x71: {  	[sflag:s22] =	ssyncadd.s32 $0xFFFFD800  }
0x72: {  	[spmem:s2] =	stream.indirect.scatter.add.f32 [tilespmem:s17], [sflag:$0x2], $0x80, s23, s20, $0xb8;
	[tilespmem:$0x1F400] =	vst v63  }
0x73: {  	_ =	swait.ge [sflag:s18], $0x2800  }
0x74: {  	[sflag:s18] =	ssyncset.done $0x0  }
0x75: {  	[sflag:s18] =	ssyncadd.s32 $0xFFFFD800  }
0x76: {  	_ =	swait.ge [sflag:s22], $0x2800  }
0x77: {  	[sflag:s22] =	ssyncset.done $0x0  }
0x78: {  	[sflag:s22] =	ssyncadd.s32 $0xFFFFD800  }
0x79: {  	[spmem:s2] =	stream.indirect.scatter.add.f32 [tilespmem:s21], [sflag:$0x2], $0x80, s24, s20, $0xb8;
	[tilespmem:$0x1F400] =	vst v63  }
0x7a: {  	_ =	swait.ge [sflag:s18], $0x2800  }
0x7b: {  	s31 =	sshll.u32 s0, $0x6;
	s3 =	sadd.s32 $0x1, s3;
	[sflag:s18] =	ssyncset.done $0x0  }
0x7c: {  	s26 =	sshrl.u32 s5, $0x3;
	p0 =	sne.s32 s3, s16;
	[sflag:s18] =	ssyncadd.s32 $0xFFFFD800  }
.Ltmp2:
0x7d: {  	s25 =	sor.u32 $0x1C02, s31;
	[bflag:$0x0] =	sbarrier.arrive $0xFFFF;
	(pc) =	sbr.rel @p0 .LBB2_1-.Ltmp2, $4  }
0x7e: {  	[hbm:s15], [sflag:s25] =	dma.local [spmem:s26], $0x2780  }
0x7f: {  	_ =	swait.ge [sflag:s18], $0x2780  }
0x80: {  	[sflag:s18] =	ssyncset.done $0x0  }
0x81: {  	[sflag:s18] =	ssyncadd.s32 $0xFFFFD880  }
0x82: {  	_ =	sfence.sel $0x180000  }
0x83: {  	[bflag:$0x0] =	sbarrier.arrive $0xFFFF  }
0x84: {  	p0 =	sne.s32 s0, $0x0;
	_ =	strace $0x9000004A  }
0x85: {  	s0 =	sadd.s32 @!p0 $0x100000, s1;
	[bflag:$0x2] =	sbarrier.arrive $0xFFFF  }
0x86: {  	[sflag:s0] =	ssyncadd.tile.s32 @!p0 $0x1;
	_ =	shalt  }
.Lfunc_end2:
_tile_overlayer_lowered:
.L_overlay_start_2:
0x87: {  	(tag) =	ssettag $0x2  }
0x88: {  	s0 =	rddreg [dreg:$0x0];
	s2 =	stileid.u32  }
0x89: {  	s1 =	rddreg [dreg:$0x1];
	p0 =	sne.s32 s2, $0x0  }
0x8a: {  	s3 =	rddreg [dreg:$0x2];
	[bflag:$0x3] =	sbarrier.arrive $0xFFFF;
	s2 =	simm.s32 @!p0 $0x1C02  }
0x8b: {  	[timem:s3], [sflag:s2] =	dma.local @!p0 [hbm:s0], s1  }
0x8c: {  	s0 =	simm.s32 @!p0 $0x2  }
0x8d: {  	_ =	swait.ge @!p0 [sflag:s0], s1  }
0x8e: {  	s1 =	ssub.s32 @!p0 $0x0, s1;
	[sflag:s0] =	ssyncset.done @!p0 $0x0  }
0x8f: {  	[sflag:s0] =	ssyncadd.s32 @!p0 s1  }
0x90: {  	[bflag:$0x3] =	sbarrier.arrive $0xFFFF  }
0x91: {  	_ =	shalt  }

// kernel: kernel.14.cloned.1.call-start
scs
__scs_entry_jumppad:
0x0: {  	(pc) =	sbr.rel $0x88, $3  }
0x1: {  	(tag) =	ssettag $0x0;
	lr =	simm.s32 $0x1  }
0x2: {  	[smem:$0x3F99] =	sst lr;
	_ =	strace $0xD0000000  }
0x3: {  	_ = 	snop  }
0x4: {  	_ = 	snop  }
0x5: {  	_ = 	snop  }
0x6: {  	_ = 	snop  }
0x7: {  	_ = 	snop  }
__scs_overlays_trampoline_lowered:
0x8: {  	[smem:$0x3FA8] =	sst s0  }
0x9: {  	[smem:$0x3FA9] =	sst s1  }
0xa: {  	[smem:$0x3FAA] =	sst s2  }
0xb: {  	[smem:$0x3FAB] =	sst s3  }
0xc: {  	[smem:$0x3FAC] =	sst s4  }
0xd: {  	[smem:$0x3FAD] =	sst s5  }
0xe: {  	[smem:$0x3FAE] =	sst s6  }
0xf: {  	[smem:$0x3FAF] =	sst s7  }
0x10: {  	[smem:$0x3FB0] =	sst s8  }
0x11: {  	[smem:$0x3FB1] =	sst s9;
	s0 =	simm.s32 @!p0 $0x0  }
0x12: {  	s1 =	sld [smem:$0x3F97];
	s0 =	simm.s32 @p0 $0x1  }
0x13: {  	[smem:$0x3FB2] =	sst s0;
	s0 =	simm.s32 @!p1 $0x0  }
0x14: {  	s2 =	sld [smem:$0x3F96];
	s0 =	simm.s32 @p1 $0x1  }
0x15: {  	[smem:$0x3FB3] =	sst s0;
	s0 =	simm.s32 @!p2 $0x0  }
0x16: {  	s3 =	sld [smem:$0x3FDB];
	s0 =	simm.s32 @p2 $0x1  }
0x17: {  	s4 =	simm.s32 $0x1BF5;
	[smem:$0x3FB5] =	sst s0  }
0x18: {  	s0 =	sld [smem:$0x3F98];
	_ =	swait.ge [sflag:s4], $0x0  }
0x19: {  	s7 =	sld [smem:$0x3F99]  }
0x1a: {  	s8 =	sadd.s32 $0xFFFFE003, lr  }
0x1b: {  	s9 =	sadd.s32 $0xFFFFFEF7, lr;
	s5 =	simm.s32 $0xFFFFFFFF;
	p2 =	slt.u32 s8, $0xFFFFF086  }
0x1c: {  	p1 =	slt.u32 s9, $0xF7A;
	s5 =	simm.s32 @!p2 $0x0  }
0x1d: {  	s5 =	simm.s32 @p1 $0x1;
	p0 =	seq.s32 s7, s2  }
0x1e: {  	s7 =	smul.u32 @!p0 $0xF7A, s2;
	p2 =	seq.s32 @!p0 s5, $0x0  }
0x1f: {  	s9 =	smul.u32 $0xF7A, s1;
	s8 =	simm.s32 @!p0 $0x1BF5;
	p2 =	por !p2, p0  }
0x20: {  	[sflag:s8] =	ssyncset.s32 @!p0 $0xFFFFF086;
	s6 =	sadd.s32 @!p0 s3, s7;
	s7 =	simm.s32 @!p0 $0x108  }
0x21: {  	s3 =	sadd.s32 s3, s9;
	s6 =	sadd.s32 @!p0 $0x88, s6;
	s7 =	simm.s32 @p2 $0x1082  }
0x22: {  	[simem:s7], [sflag:s8] =	dma.local @!p0 [hbm:s6], $0xF7A  }
0x23: {  	s9 =	sor.u32 $0xD0000000, s2;
	s6 =	simm.s32 $0x108;
	_ =	swait.ge @!p0 [sflag:s8], $0x0  }
0x24: {  	s3 =	sadd.s32 $0x88, s3;
	s6 =	simm.s32 @!p1 $0x1082;
	[sflag:s4] =	ssyncset.s32 $0xFFFFF086  }
0x25: {  	[simem:s6], [sflag:s4] =	dma.local [hbm:s3], $0xF7A  }
0x26: {  	[smem:$0x3F99] =	sst s1;
	(tag) =	ssettag s2;
	_ =	strace s9  }
0x27: {  	s1 =	sld [smem:$0x3FA9]  }
0x28: {  	s2 =	sld [smem:$0x3FAA]  }
0x29: {  	s4 =	sld [smem:$0x3FAC]  }
0x2a: {  	p0 =	seq.s32 s5, $0x0;
	s5 =	sld [smem:$0x3FAD]  }
0x2b: {  	s6 =	sld [smem:$0x3FAE]  }
0x2c: {  	s7 =	sld [smem:$0x3FAF]  }
0x2d: {  	s3 =	simm.s32 $0x108;
	s8 =	sld [smem:$0x3FB0]  }
0x2e: {  	s3 =	simm.s32 @!p0 $0x1082;
	s9 =	sld [smem:$0x3FB1]  }
0x2f: {  	lr =	sadd.s32 s0, s3;
	s0 =	sld [smem:$0x3FA8]  }
0x30: {  	s3 =	sld [smem:$0x3FAB]  }
0x31: {  	[smem:$0x3FB4] =	sst s10  }
0x32: {  	s10 =	sld [smem:$0x3FB2];
	_ =	sdelay $0x3  }
0x33: {  	p0 =	seq.s32 s10, $0x1;
	s10 =	sld [smem:$0x3FB4];
	_ =	sdelay $0x3  }
0x34: {  	[smem:$0x3FB4] =	sst s10  }
0x35: {  	s10 =	sld [smem:$0x3FB3];
	_ =	sdelay $0x3  }
0x36: {  	p1 =	seq.s32 s10, $0x1;
	s10 =	sld [smem:$0x3FB4];
	_ =	sdelay $0x3  }
0x37: {  	[smem:$0x3FB4] =	sst s10  }
0x38: {  	s10 =	sld [smem:$0x3FB5]  }
0x39: {  	_ = 	snop;
	(pc) =	sbr.ind lr, $3  }
0x3a: {  	_ = 	snop  }
0x3b: {  	_ = 	snop  }
0x3c: {  	p2 =	seq.s32 s10, $0x1;
	s10 =	sld [smem:$0x3FB4]  }
0x3d: {  	_ =	shalt  }
0x3e: {  	_ =	shalt  }
0x3f: {  	_ =	shalt  }
0x40: {  	_ =	shalt  }
0x41: {  	_ =	shalt  }
0x42: {  	_ =	shalt  }
0x43: {  	_ =	shalt  }
0x44: {  	_ =	shalt  }
0x45: {  	_ =	shalt  }
0x46: {  	_ =	shalt  }
0x47: {  	_ =	shalt  }
0x48: {  	_ =	shalt  }
0x49: {  	_ =	shalt  }
0x4a: {  	_ =	shalt  }
0x4b: {  	_ =	shalt  }
0x4c: {  	_ =	shalt  }
0x4d: {  	_ =	shalt  }
0x4e: {  	_ =	shalt  }
0x4f: {  	_ =	shalt  }
0x50: {  	_ =	shalt  }
0x51: {  	_ =	shalt  }
0x52: {  	_ =	shalt  }
0x53: {  	_ =	shalt  }
0x54: {  	_ =	shalt  }
0x55: {  	_ =	shalt  }
0x56: {  	_ =	shalt  }
0x57: {  	_ =	shalt  }
0x58: {  	_ =	shalt  }
0x59: {  	_ =	shalt  }
0x5a: {  	_ =	shalt  }
0x5b: {  	_ =	shalt  }
0x5c: {  	_ =	shalt  }
0x5d: {  	_ =	shalt  }
0x5e: {  	_ =	shalt  }
0x5f: {  	_ =	shalt  }
0x60: {  	_ =	shalt  }
0x61: {  	_ =	shalt  }
0x62: {  	_ =	shalt  }
0x63: {  	_ =	shalt  }
0x64: {  	_ =	shalt  }
0x65: {  	_ =	shalt  }
0x66: {  	_ =	shalt  }
0x67: {  	_ =	shalt  }
0x68: {  	_ =	shalt  }
0x69: {  	_ =	shalt  }
0x6a: {  	_ =	shalt  }
0x6b: {  	_ =	shalt  }
0x6c: {  	_ =	shalt  }
0x6d: {  	_ =	shalt  }
0x6e: {  	_ =	shalt  }
0x6f: {  	_ =	shalt  }
0x70: {  	_ =	shalt  }
0x71: {  	_ =	shalt  }
0x72: {  	_ =	shalt  }
0x73: {  	_ =	shalt  }
0x74: {  	_ =	shalt  }
0x75: {  	_ =	shalt  }
0x76: {  	_ =	shalt  }
0x77: {  	_ =	shalt  }
0x78: {  	_ =	shalt  }
0x79: {  	_ =	shalt  }
0x7a: {  	_ =	shalt  }
0x7b: {  	_ =	shalt  }
0x7c: {  	_ =	shalt  }
0x7d: {  	_ =	shalt  }
0x7e: {  	_ =	shalt  }
0x7f: {  	_ =	shalt  }
0x80: {  	_ =	shalt  }
0x81: {  	_ =	shalt  }
0x82: {  	_ =	shalt  }
0x83: {  	_ =	shalt  }
0x84: {  	_ =	shalt  }
0x85: {  	_ =	shalt  }
0x86: {  	_ =	shalt  }
0x87: {  	_ =	shalt  }
.Lfunc_end0:
.L_simem_size_0:
called_computation.2_lowered:
.L_overlay_start_0:
0x88: {  	s2 =	sld [smem:$0x3FD9]  }
0x89: {  	s3 =	sld [smem:$0x3FFE];
	_ =	sdelay $0x1  }
0x8a: {  	s1 =	srdreg.scid  }
0x8b: {  	s0 =	sand.u32 $0x1, s1  }
0x8c: {  	s17 =	sshll.u32 s0, $0xA;
	s2 =	sadd.s32 s3, s2  }
0x8d: {  	s2 =	sadd.s32 s2, s17  }
0x8e: {  	[smem:$0x3FC0] =	sst s2  }
0x8f: {  	_ = 	snop  }
0x90: {  	s2 =	sld [smem:$0x3FD0];
	(tm) =	ssettm $0x1  }
0x91: {  	s18 =	sld [smem:$0x3FFB];
	_ =	sdelay $0x3  }
0x92: {  	_ =	strace s18  }
0x93: {  	s3 =	sld [smem:$0x3FFC];
	_ =	sdelay $0x3  }
0x94: {  	_ =	strace s3  }
0x95: {  	s3 =	sld [smem:$0x3FFD];
	_ =	sdelay $0x3  }
0x96: {  	_ =	strace s3  }
0x97: {  	_ =	strace $0x8FFFFFFF  }
0x98: {  	s19 =	sld [smem:$0x3FDB];
	_ =	sdelay $0x1  }
0x99: {  	s4 =	simm.s32 $_scs_section_size  }
0x9a: {  	s5 =	simm.s32 $_size__tile_overlayer_lowered;
	s6 =	simm.s32 $_tile_overlayer_lowered  }
0x9b: {  	s22 =	simm.s32 $0x1BFF;
	s21 =	sshll.u32 s6, $0x1;
	s3 =	sadd.s32 s4, s19  }
0x9c: {  	s7 =	simm.s32 $0x0;
	s20 =	sshll.u32 s5, $0x1;
	s5 =	sadd.s32 s21, s3  }
0x9d: {  	[timem:s7], [sflag:s22] =	dma.local [hbm:s5], s20  }
0x9e: {  	_ =	swait.ge [sflag:s22], s20  }
0x9f: {  	s4 =	ssub.s32 $0x0, s20;
	[sflag:s22] =	ssyncset.done $0x0  }
0xa0: {  	[sflag:s22] =	ssyncadd.s32 s4;
	_ =	sdelay $0x1  }
0xa1: {  	s23 =	simm.s32 $0x1B8B  }
0xa2: {  	_ =	swait.ge [sflag:s23], $0x1  }
0xa3: {  	[sflag:s23] =	ssyncset.done $0x0  }
0xa4: {  	s25 =	simm.s32 $0x1B8E;
	s24 =	sld [smem:$0x3FFE];
	[sflag:s23] =	ssyncadd.s32 $0xFFFFFFFF  }
0xa5: {  	s26 =	simm.s32 $execute0_lowered;
	[smem:$0x3FD2] =	sst s25  }
0xa6: {  	s5 =	sshll.u32 s26, $0x1;
	_ =	strace $0x8000004C;
	[dreg:$0x1] =	wrdreg $0xFFFFFFFF  }
0xa7: {  	s28 =	simm.s32 $_size_execute0_lowered;
	s3 =	sadd.s32 s3, s5;
	[dreg:$0x0] =	wrdreg $0x0  }
0xa8: {  	s5 =	sshll.u32 s28, $0x1;
	[dreg:$0x2] =	wrdreg s3  }
0xa9: {  	[dreg:$0x3] =	wrdreg s5  }
0xaa: {  	[dreg:$0x4] =	wrdreg $0xC0  }
0xab: {  	_ =	task [dreg:s7], $0x5FFFF  }
0xac: {  	[dreg:$0x1] =	wrdreg $0xFFFFFFFF  }
0xad: {  	[dreg:$0x0] =	wrdreg $0x60  }
0xae: {  	[dreg:$0x2] =	wrdreg s24  }
0xaf: {  	[dreg:$0x3] =	wrdreg s2  }
0xb0: {  	[dreg:$0x4] =	wrdreg $0xB8000  }
0xb1: {  	[dreg:$0x5] =	wrdreg $0x9  }
0xb2: {  	_ =	task.clear_ibuf [dreg:s7], $0x6FFFF;
	_ =	strace $0x9000004C  }
0xb3: {  	s29 =	simm.s32 $0x9;
	_ =	strace $0x8000004E  }
0xb4: {  	_ =	swait.ge [sflag:s29], $0x1  }
0xb5: {  	[sflag:s29] =	ssyncadd.s32 $0xFFFFFFFF  }
0xb6: {  	_ =	strace $0x9000004E  }
0xb7: {  	_ =	sfence  }
0xb8: {  	s30 =	sld [smem:$0x0];
	_ =	sdelay $0x2  }
0xb9: {  	s31 =	sshll.u32 s1, $0xD;
	s1 =	sshrl.u32 s1, $0x2  }
0xba: {  	s3 =	sand.u32 $0x4000, s31;
	s1 =	sadd.s32 s1, s30  }
0xbb: {  	s0 =	sor.u32 s3, s0;
	s1 =	sshll.u32 s1, $0x11  }
0xbc: {  	s0 =	sor.u32 s1, s0  }
0xbd: {  	s0 =	sadd.s32 $0x8F2B, s0  }
0xbe: {  	[sflag:s0] =	ssyncadd.remote.s32 $0x1  }
0xbf: {  	_ =	sfence.sel $0xFFFF  }
0xc0: {  	[dreg:$0x0] =	wrdreg $0xFFFFFFFF;
	(pc) =	sbr.abs _section_cstart, $3  }
0xc1: {  	[dreg:$0x1] =	wrdreg $0xFFFFFFFF  }
0xc2: {  	_ =	task.clear_ibuf [dreg:s7], $0x2FFFF;
	_ =	strace $0x9FFFFFFF  }
0xc3: {  	(tm) =	ssettm $0x7FFFFFFF  }
tec
execute0_lowered:
.L_overlay_start_1:
0x0: {  	(tag) =	ssettag $0x1  }
0x1: {  	s1 =	srdreg.scid;
	s5 =	rddreg [dreg:$0x0]  }
0x2: {  	s0 =	stileid.u32;
	s14 =	rddreg [dreg:$0x1]  }
0x3: {  	s2 =	rddreg [dreg:$0x2];
	s3 =	simm.s32 $0x0;
	s19 =	simm.s32 $0x2800  }
0x4: {  	s20 =	simm.s32 $0x50;
	s21 =	simm.s32 $0x9000;
	s22 =	simm.s32 $0x1  }
0x5: {  	s23 =	simm.s32 $0x6700;
	s24 =	simm.s32 $0x6780;
	s6 =	sand.u32 $0x1, s1  }
0x6: {  	s28 =	sshll.u32 s0, $0x1;
	s1 =	rddreg [dreg:$0x3];
	s9 =	smul.u32 $0x13C00, s0  }
0x7: {  	[smem:$0x7FF] =	sst s3;
	s10 =	smul.u32 $0x4F000, s0;
	s4 =	sadd.s32 $0x16800, s5  }
0x8: {  	s13 =	sor.u32 s6, s28;
	s8 =	smul.u32 $0x13C000, s6;
	_ =	strace $0x8000004D  }
0x9: {  	s6 =	ssub.s32 $0x2, s6;
	s7 =	smul.u32 $0x500, s13;
	s30 =	sshrl.u32 s10, $0x2  }
0xa: {  	s31 =	sshrl.u32 s6, $0x1;
	s18 =	sshll.u32 s13, $0xB;
	s29 =	sadd.s32 s9, s8  }
0xb: {  	s17 =	ssub.s32 s6, s31;
	s15 =	sadd.s32 s7, s5;
	s7 =	sshrl.u32 s29, $0x3  }
0xc: {  	s14 =	sadd.s32 s14, s18;
	s16 =	sadd.s32 s7, s5;
	s5 =	sadd.s32 s30, s2  }
0xd: {  	s18 =	simm.s32 $0x2;
	s13 =	sadd.s32 $0xC800, s15;
	s6 =	sadd.s32 $0x2800, s5  }
0xe: {  	s7 =	sadd.s32 $0x5000, s5;
	s8 =	sadd.s32 $0x7800, s5;
	s9 =	sadd.s32 $0xA000, s5  }
0xf: {  	s10 =	sadd.s32 $0xC800, s5;
	s11 =	sadd.s32 $0xF000, s5;
	s12 =	sadd.s32 $0x11800, s5  }
0x10: {  	v0 =	vimm.f32 $0.0e+00;
	s15 =	sadd.s32 $0xB2C00, s16;
	s16 =	smax.u32 s17, $0x1;
	s17 =	simm.s32 $0x6800  }
.LBB2_1:
0x11: {  	s25 =	simm.s32 $0x0;
	s26 =	simm.s32 $0x200  }
.LBB2_2:
0x12: {  	p0 =	sne.s32 s26, $0x9E00;
	[tilespmem:s25+$0x6870] =	vst v0  }
0x13: {  	[tilespmem:s25+$0x6800] =	vst v0  }
0x14: {  	[tilespmem:s25+$0x6810] =	vst v0  }
.Ltmp0:
0x15: {  	[tilespmem:s25+$0x6820] =	vst v0;
	(pc) =	sbr.rel @p0 .LBB2_2-.Ltmp0, $4  }
0x16: {  	[tilespmem:s25+$0x6830] =	vst v0  }
0x17: {  	[tilespmem:s25+$0x6840] =	vst v0  }
0x18: {  	[tilespmem:s25+$0x6850] =	vst v0  }
0x19: {  	[tilespmem:s25+$0x6860] =	vst v0;
	s25 =	sshra.s32 s26, $0x2;
	s26 =	sadd.s32 $0x200, s26  }
0x1a: {  	[tilespmem:s25+$0x6870] =	vst v0  }
0x1b: {  	[tilespmem:s25+$0x6800] =	vst v0  }
0x1c: {  	[tilespmem:s25+$0x6810] =	vst v0  }
0x1d: {  	[tilespmem:s25+$0x6820] =	vst v0  }
0x1e: {  	[tilespmem:s25+$0x6830] =	vst v0  }
0x1f: {  	[tilespmem:s25+$0x6840] =	vst v0  }
0x20: {  	[tilespmem:s25+$0x6850] =	vst v0  }
0x21: {  	[tilespmem:s25+$0x6860] =	vst v0  }
0x22: {  	[spmem:s5] =	stream.linear.scatter [tilespmem:s17], [sflag:$0x2], $0x2800, $0x38;
	[tilespmem:$0x1F400] =	vst v63  }
0x23: {  	_ =	swait.ge [sflag:s18], $0x2800  }
0x24: {  	[sflag:s18] =	ssyncset.done $0x0  }
0x25: {  	[sflag:s18] =	ssyncadd.s32 $0xFFFFD800  }
0x26: {  	[spmem:s6] =	stream.linear.scatter [tilespmem:s17], [sflag:$0x2], $0x2800, $0x38;
	[tilespmem:$0x1F400] =	vst v63  }
0x27: {  	_ =	swait.ge [sflag:s18], $0x2800  }
0x28: {  	[sflag:s18] =	ssyncset.done $0x0  }
0x29: {  	[sflag:s18] =	ssyncadd.s32 $0xFFFFD800  }
0x2a: {  	[spmem:s7] =	stream.linear.scatter [tilespmem:s17], [sflag:$0x2], $0x2800, $0x38;
	[tilespmem:$0x1F400] =	vst v63  }
0x2b: {  	_ =	swait.ge [sflag:s18], $0x2800  }
0x2c: {  	[sflag:s18] =	ssyncset.done $0x0  }
0x2d: {  	[sflag:s18] =	ssyncadd.s32 $0xFFFFD800  }
0x2e: {  	[spmem:s8] =	stream.linear.scatter [tilespmem:s17], [sflag:$0x2], $0x2800, $0x38;
	[tilespmem:$0x1F400] =	vst v63  }
0x2f: {  	_ =	swait.ge [sflag:s18], $0x2800  }
0x30: {  	[sflag:s18] =	ssyncset.done $0x0  }
0x31: {  	[sflag:s18] =	ssyncadd.s32 $0xFFFFD800  }
0x32: {  	[spmem:s9] =	stream.linear.scatter [tilespmem:s17], [sflag:$0x2], $0x2800, $0x38;
	[tilespmem:$0x1F400] =	vst v63  }
0x33: {  	_ =	swait.ge [sflag:s18], $0x2800  }
0x34: {  	[sflag:s18] =	ssyncset.done $0x0  }
0x35: {  	[sflag:s18] =	ssyncadd.s32 $0xFFFFD800  }
0x36: {  	[spmem:s10] =	stream.linear.scatter [tilespmem:s17], [sflag:$0x2], $0x2800, $0x38;
	[tilespmem:$0x1F400] =	vst v63  }
0x37: {  	_ =	swait.ge [sflag:s18], $0x2800  }
0x38: {  	[sflag:s18] =	ssyncset.done $0x0  }
0x39: {  	[sflag:s18] =	ssyncadd.s32 $0xFFFFD800  }
0x3a: {  	[spmem:s11] =	stream.linear.scatter [tilespmem:s17], [sflag:$0x2], $0x2800, $0x38;
	[tilespmem:$0x1F400] =	vst v63  }
0x3b: {  	_ =	swait.ge [sflag:s18], $0x2800  }
0x3c: {  	[sflag:s18] =	ssyncset.done $0x0  }
0x3d: {  	[sflag:s18] =	ssyncadd.s32 $0xFFFFD800  }
0x3e: {  	[spmem:s12] =	stream.linear.scatter [tilespmem:s17], [sflag:$0x2], $0x2400, $0x38;
	[tilespmem:$0x1F400] =	vst v63  }
0x3f: {  	_ =	swait.ge [sflag:s18], $0x2400  }
0x40: {  	[sflag:s18] =	ssyncset.done $0x0  }
0x41: {  	s26 =	simm.s32 $0x0;
	[sflag:s18] =	ssyncadd.s32 $0xFFFFDC00  }
0x42: {  	[tilespmem:s26], [sflag:$0x2] =	stream.linear.gather [hbm4b:s13+s26], $0x2800, $0x38;
	[tilespmem:$0x1F400] =	vst v63  }
0x43: {  	_ =	swait.ge [sflag:s18], $0x2800  }
0x44: {  	[sflag:s18] =	ssyncset.done $0x0  }
0x45: {  	[sflag:s18] =	ssyncadd.s32 $0xFFFFD800  }
0x46: {  	[tilespmem:s19], [sflag:$0x2] =	stream.linear.gather [hbm4b:s14+s26], $0x4000, $0x38;
	[tilespmem:$0x1F400] =	vst v63  }
0x47: {  	_ =	swait.ge [sflag:s18], $0x4000  }
0x48: {  	[sflag:s18] =	ssyncset.done $0x0  }
0x49: {  	[sflag:s18] =	ssyncadd.s32 $0xFFFFC000  }
0x4a: {  	[bflag:$0x0] =	sbarrier.arrive $0xFFFF  }
0x4b: {  	[tilespmem:s17], [sflag:$0x1] =	stream.indirect.gather [hbm4b:s4+s20], $0x80, s26, s20, $0xb8;
	[tilespmem:$0x1F400] =	vst v63  }
0x4c: {  	_ = 	snop  }
0x4d: {  	[tilespmem:s21], [sflag:$0x1] =	stream.indirect.gather [hbm4b:s4+s20], $0x80, s20, s20, $0xb8;
	[tilespmem:$0x1F400] =	vst v63  }
0x4e: {  	_ =	swait.ge [sflag:s22], $0x2800  }
0x4f: {  	[sflag:s22] =	ssyncset.done $0x0  }
0x50: {  	s29 =	simm.s32 $0x2800;
	[sflag:s22] =	ssyncadd.s32 $0xFFFFD800  }
0x51: {  	[spmem:s2] =	stream.indirect.scatter.add.f32 [tilespmem:s17], [sflag:$0x2], $0x80, s29, s20, $0xb8;
	[tilespmem:$0x1F400] =	vst v63  }
0x52: {  	_ =	swait.ge [sflag:s18], $0x2800  }
0x53: {  	[sflag:s18] =	ssyncset.done $0x0  }
0x54: {  	s30 =	simm.s32 $0xA0;
	[sflag:s18] =	ssyncadd.s32 $0xFFFFD800  }
0x55: {  	[tilespmem:s17], [sflag:$0x1] =	stream.indirect.gather [hbm4b:s4+s20], $0x80, s30, s20, $0xb8;
	[tilespmem:$0x1F400] =	vst v63  }
0x56: {  	_ =	swait.ge [sflag:s22], $0x2800  }
0x57: {  	[sflag:s22] =	ssyncset.done $0x0  }
0x58: {  	s31 =	simm.s32 $0x2880;
	[sflag:s22] =	ssyncadd.s32 $0xFFFFD800  }
0x59: {  	[spmem:s2] =	stream.indirect.scatter.add.f32 [tilespmem:s21], [sflag:$0x2], $0x80, s31, s20, $0xb8;
	[tilespmem:$0x1F400] =	vst v63  }
0x5a: {  	_ =	swait.ge [sflag:s18], $0x2800  }
0x5b: {  	s25 =	simm.s32 $0xF0;
	[sflag:s18] =	ssyncset.done $0x0  }
0x5c: {  	s28 =	simm.s32 $0x190;
	s26 =	simm.s32 $0x400;
	[sflag:s18] =	ssyncadd.s32 $0xFFFFD800  }
.LBB2_4:
0x5d: {  	[tilespmem:s21], [sflag:$0x1] =	stream.indirect.gather [hbm4b:s4+s20], $0x80, s25, s20, $0xb8;
	[tilespmem:$0x1F400] =	vst v63  }
0x5e: {  	s29 =	smov.u32 s26;
	s25 =	smov.u32 s28  }
0x5f: {  	p0 =	sne.s32 s26, $0xF800;
	s26 =	sadd.s32 $0x400, s26;
	_ =	swait.ge [sflag:s22], $0x2800  }
0x60: {  	s29 =	sshra.s32 s29, $0x2;
	[sflag:s22] =	ssyncset.done $0x0  }
0x61: {  	s30 =	sadd.s32 $0x2800, s29;
	[sflag:s22] =	ssyncadd.s32 $0xFFFFD800  }
0x62: {  	[spmem:s2] =	stream.indirect.scatter.add.f32 [tilespmem:s17], [sflag:$0x2], $0x80, s30, s20, $0xb8;
	[tilespmem:$0x1F400] =	vst v63  }
0x63: {  	_ =	swait.ge [sflag:s18], $0x2800  }
0x64: {  	[sflag:s18] =	ssyncset.done $0x0  }
0x65: {  	s30 =	sadd.s32 $0xFFFFFFB0, s28;
	[sflag:s18] =	ssyncadd.s32 $0xFFFFD800  }
0x66: {  	[tilespmem:s17], [sflag:$0x1] =	stream.indirect.gather [hbm4b:s4+s20], $0x80, s30, s20, $0xb8;
	[tilespmem:$0x1F400] =	vst v63  }
0x67: {  	_ =	swait.ge [sflag:s22], $0x2800  }
0x68: {  	[sflag:s22] =	ssyncset.done $0x0  }
.Ltmp1:
0x69: {  	s29 =	sadd.s32 $0x2880, s29;
	[sflag:s22] =	ssyncadd.s32 $0xFFFFD800;
	(pc) =	sbr.rel @p0 .LBB2_4-.Ltmp1, $4  }
0x6a: {  	[spmem:s2] =	stream.indirect.scatter.add.f32 [tilespmem:s21], [sflag:$0x2], $0x80, s29, s20, $0xb8;
	[tilespmem:$0x1F400] =	vst v63  }
0x6b: {  	_ =	swait.ge [sflag:s18], $0x2800  }
0x6c: {  	[sflag:s18] =	ssyncset.done $0x0  }
0x6d: {  	s28 =	sadd.s32 $0xA0, s28;
	[sflag:s18] =	ssyncadd.s32 $0xFFFFD800  }
0x6e: {  	[tilespmem:s21], [sflag:$0x1] =	stream.indirect.gather [hbm4b:s4+s20], $0x80, s25, s20, $0xb8;
	[tilespmem:$0x1F400] =	vst v63  }
0x6f: {  	_ =	swait.ge [sflag:s22], $0x2800  }
0x70: {  	[sflag:s22] =	ssyncset.done $0x0  }
0x71: {  	[sflag:s22] =	ssyncadd.s32 $0xFFFFD800  }
0x72: {  	[spmem:s2] =	stream.indirect.scatter.add.f32 [tilespmem:s17], [sflag:$0x2], $0x80, s23, s20, $0xb8;
	[tilespmem:$0x1F400] =	vst v63  }
0x73: {  	_ =	swait.ge [sflag:s18], $0x2800  }
0x74: {  	[sflag:s18] =	ssyncset.done $0x0  }
0x75: {  	[sflag:s18] =	ssyncadd.s32 $0xFFFFD800  }
0x76: {  	_ =	swait.ge [sflag:s22], $0x2800  }
0x77: {  	[sflag:s22] =	ssyncset.done $0x0  }
0x78: {  	[sflag:s22] =	ssyncadd.s32 $0xFFFFD800  }
0x79: {  	[spmem:s2] =	stream.indirect.scatter.add.f32 [tilespmem:s21], [sflag:$0x2], $0x80, s24, s20, $0xb8;
	[tilespmem:$0x1F400] =	vst v63  }
0x7a: {  	_ =	swait.ge [sflag:s18], $0x2800  }
0x7b: {  	s31 =	sshll.u32 s0, $0x6;
	s3 =	sadd.s32 $0x1, s3;
	[sflag:s18] =	ssyncset.done $0x0  }
0x7c: {  	s26 =	sshrl.u32 s5, $0x3;
	p0 =	sne.s32 s3, s16;
	[sflag:s18] =	ssyncadd.s32 $0xFFFFD800  }
.Ltmp2:
0x7d: {  	s25 =	sor.u32 $0x1C02, s31;
	[bflag:$0x0] =	sbarrier.arrive $0xFFFF;
	(pc) =	sbr.rel @p0 .LBB2_1-.Ltmp2, $4  }
0x7e: {  	[hbm:s15], [sflag:s25] =	dma.local [spmem:s26], $0x2780  }
0x7f: {  	_ =	swait.ge [sflag:s18], $0x2780  }
0x80: {  	[sflag:s18] =	ssyncset.done $0x0  }
0x81: {  	[sflag:s18] =	ssyncadd.s32 $0xFFFFD880  }
0x82: {  	_ =	sfence.sel $0x180000  }
0x83: {  	[bflag:$0x0] =	sbarrier.arrive $0xFFFF  }
0x84: {  	p0 =	sne.s32 s0, $0x0;
	_ =	strace $0x9000004D  }
0x85: {  	s0 =	sadd.s32 @!p0 $0x100000, s1;
	[bflag:$0x2] =	sbarrier.arrive $0xFFFF  }
0x86: {  	[sflag:s0] =	ssyncadd.tile.s32 @!p0 $0x1;
	_ =	shalt  }
.Lfunc_end2:
_tile_overlayer_lowered:
.L_overlay_start_2:
0x87: {  	(tag) =	ssettag $0x2  }
0x88: {  	s0 =	rddreg [dreg:$0x0];
	s2 =	stileid.u32  }
0x89: {  	s1 =	rddreg [dreg:$0x1];
	p0 =	sne.s32 s2, $0x0  }
0x8a: {  	s3 =	rddreg [dreg:$0x2];
	[bflag:$0x3] =	sbarrier.arrive $0xFFFF;
	s2 =	simm.s32 @!p0 $0x1C02  }
0x8b: {  	[timem:s3], [sflag:s2] =	dma.local @!p0 [hbm:s0], s1  }
0x8c: {  	s0 =	simm.s32 @!p0 $0x2  }
0x8d: {  	_ =	swait.ge @!p0 [sflag:s0], s1  }
0x8e: {  	s1 =	ssub.s32 @!p0 $0x0, s1;
	[sflag:s0] =	ssyncset.done @!p0 $0x0  }
0x8f: {  	[sflag:s0] =	ssyncadd.s32 @!p0 s1  }
0x90: {  	[bflag:$0x3] =	sbarrier.arrive $0xFFFF  }
0x91: {  	_ =	shalt  }

// kernel: kernel.8.cloned.1.call-start
scs
__scs_entry_jumppad:
0x0: {  	(pc) =	sbr.rel $0x88, $3  }
0x1: {  	(tag) =	ssettag $0x0;
	lr =	simm.s32 $0x1  }
0x2: {  	[smem:$0x3F99] =	sst lr;
	_ =	strace $0xD0000000  }
0x3: {  	_ = 	snop  }
0x4: {  	_ = 	snop  }
0x5: {  	_ = 	snop  }
0x6: {  	_ = 	snop  }
0x7: {  	_ = 	snop  }
__scs_overlays_trampoline_lowered:
0x8: {  	[smem:$0x3FA8] =	sst s0  }
0x9: {  	[smem:$0x3FA9] =	sst s1  }
0xa: {  	[smem:$0x3FAA] =	sst s2  }
0xb: {  	[smem:$0x3FAB] =	sst s3  }
0xc: {  	[smem:$0x3FAC] =	sst s4  }
0xd: {  	[smem:$0x3FAD] =	sst s5  }
0xe: {  	[smem:$0x3FAE] =	sst s6  }
0xf: {  	[smem:$0x3FAF] =	sst s7  }
0x10: {  	[smem:$0x3FB0] =	sst s8  }
0x11: {  	[smem:$0x3FB1] =	sst s9;
	s0 =	simm.s32 @!p0 $0x0  }
0x12: {  	s1 =	sld [smem:$0x3F97];
	s0 =	simm.s32 @p0 $0x1  }
0x13: {  	[smem:$0x3FB2] =	sst s0;
	s0 =	simm.s32 @!p1 $0x0  }
0x14: {  	s2 =	sld [smem:$0x3F96];
	s0 =	simm.s32 @p1 $0x1  }
0x15: {  	[smem:$0x3FB3] =	sst s0;
	s0 =	simm.s32 @!p2 $0x0  }
0x16: {  	s3 =	sld [smem:$0x3FDB];
	s0 =	simm.s32 @p2 $0x1  }
0x17: {  	s4 =	simm.s32 $0x1BF5;
	[smem:$0x3FB5] =	sst s0  }
0x18: {  	s0 =	sld [smem:$0x3F98];
	_ =	swait.ge [sflag:s4], $0x0  }
0x19: {  	s7 =	sld [smem:$0x3F99]  }
0x1a: {  	s8 =	sadd.s32 $0xFFFFE003, lr  }
0x1b: {  	s9 =	sadd.s32 $0xFFFFFEF7, lr;
	s5 =	simm.s32 $0xFFFFFFFF;
	p2 =	slt.u32 s8, $0xFFFFF086  }
0x1c: {  	p1 =	slt.u32 s9, $0xF7A;
	s5 =	simm.s32 @!p2 $0x0  }
0x1d: {  	s5 =	simm.s32 @p1 $0x1;
	p0 =	seq.s32 s7, s2  }
0x1e: {  	s7 =	smul.u32 @!p0 $0xF7A, s2;
	p2 =	seq.s32 @!p0 s5, $0x0  }
0x1f: {  	s9 =	smul.u32 $0xF7A, s1;
	s8 =	simm.s32 @!p0 $0x1BF5;
	p2 =	por !p2, p0  }
0x20: {  	[sflag:s8] =	ssyncset.s32 @!p0 $0xFFFFF086;
	s6 =	sadd.s32 @!p0 s3, s7;
	s7 =	simm.s32 @!p0 $0x108  }
0x21: {  	s3 =	sadd.s32 s3, s9;
	s6 =	sadd.s32 @!p0 $0x88, s6;
	s7 =	simm.s32 @p2 $0x1082  }
0x22: {  	[simem:s7], [sflag:s8] =	dma.local @!p0 [hbm:s6], $0xF7A  }
0x23: {  	s9 =	sor.u32 $0xD0000000, s2;
	s6 =	simm.s32 $0x108;
	_ =	swait.ge @!p0 [sflag:s8], $0x0  }
0x24: {  	s3 =	sadd.s32 $0x88, s3;
	s6 =	simm.s32 @!p1 $0x1082;
	[sflag:s4] =	ssyncset.s32 $0xFFFFF086  }
0x25: {  	[simem:s6], [sflag:s4] =	dma.local [hbm:s3], $0xF7A  }
0x26: {  	[smem:$0x3F99] =	sst s1;
	(tag) =	ssettag s2;
	_ =	strace s9  }
0x27: {  	s1 =	sld [smem:$0x3FA9]  }
0x28: {  	s2 =	sld [smem:$0x3FAA]  }
0x29: {  	s4 =	sld [smem:$0x3FAC]  }
0x2a: {  	p0 =	seq.s32 s5, $0x0;
	s5 =	sld [smem:$0x3FAD]  }
0x2b: {  	s6 =	sld [smem:$0x3FAE]  }
0x2c: {  	s7 =	sld [smem:$0x3FAF]  }
0x2d: {  	s3 =	simm.s32 $0x108;
	s8 =	sld [smem:$0x3FB0]  }
0x2e: {  	s3 =	simm.s32 @!p0 $0x1082;
	s9 =	sld [smem:$0x3FB1]  }
0x2f: {  	lr =	sadd.s32 s0, s3;
	s0 =	sld [smem:$0x3FA8]  }
0x30: {  	s3 =	sld [smem:$0x3FAB]  }
0x31: {  	[smem:$0x3FB4] =	sst s10  }
0x32: {  	s10 =	sld [smem:$0x3FB2];
	_ =	sdelay $0x3  }
0x33: {  	p0 =	seq.s32 s10, $0x1;
	s10 =	sld [smem:$0x3FB4];
	_ =	sdelay $0x3  }
0x34: {  	[smem:$0x3FB4] =	sst s10  }
0x35: {  	s10 =	sld [smem:$0x3FB3];
	_ =	sdelay $0x3  }
0x36: {  	p1 =	seq.s32 s10, $0x1;
	s10 =	sld [smem:$0x3FB4];
	_ =	sdelay $0x3  }
0x37: {  	[smem:$0x3FB4] =	sst s10  }
0x38: {  	s10 =	sld [smem:$0x3FB5]  }
0x39: {  	_ = 	snop;
	(pc) =	sbr.ind lr, $3  }
0x3a: {  	_ = 	snop  }
0x3b: {  	_ = 	snop  }
0x3c: {  	p2 =	seq.s32 s10, $0x1;
	s10 =	sld [smem:$0x3FB4]  }
0x3d: {  	_ =	shalt  }
0x3e: {  	_ =	shalt  }
0x3f: {  	_ =	shalt  }
0x40: {  	_ =	shalt  }
0x41: {  	_ =	shalt  }
0x42: {  	_ =	shalt  }
0x43: {  	_ =	shalt  }
0x44: {  	_ =	shalt  }
0x45: {  	_ =	shalt  }
0x46: {  	_ =	shalt  }
0x47: {  	_ =	shalt  }
0x48: {  	_ =	shalt  }
0x49: {  	_ =	shalt  }
0x4a: {  	_ =	shalt  }
0x4b: {  	_ =	shalt  }
0x4c: {  	_ =	shalt  }
0x4d: {  	_ =	shalt  }
0x4e: {  	_ =	shalt  }
0x4f: {  	_ =	shalt  }
0x50: {  	_ =	shalt  }
0x51: {  	_ =	shalt  }
0x52: {  	_ =	shalt  }
0x53: {  	_ =	shalt  }
0x54: {  	_ =	shalt  }
0x55: {  	_ =	shalt  }
0x56: {  	_ =	shalt  }
0x57: {  	_ =	shalt  }
0x58: {  	_ =	shalt  }
0x59: {  	_ =	shalt  }
0x5a: {  	_ =	shalt  }
0x5b: {  	_ =	shalt  }
0x5c: {  	_ =	shalt  }
0x5d: {  	_ =	shalt  }
0x5e: {  	_ =	shalt  }
0x5f: {  	_ =	shalt  }
0x60: {  	_ =	shalt  }
0x61: {  	_ =	shalt  }
0x62: {  	_ =	shalt  }
0x63: {  	_ =	shalt  }
0x64: {  	_ =	shalt  }
0x65: {  	_ =	shalt  }
0x66: {  	_ =	shalt  }
0x67: {  	_ =	shalt  }
0x68: {  	_ =	shalt  }
0x69: {  	_ =	shalt  }
0x6a: {  	_ =	shalt  }
0x6b: {  	_ =	shalt  }
0x6c: {  	_ =	shalt  }
0x6d: {  	_ =	shalt  }
0x6e: {  	_ =	shalt  }
0x6f: {  	_ =	shalt  }
0x70: {  	_ =	shalt  }
0x71: {  	_ =	shalt  }
0x72: {  	_ =	shalt  }
0x73: {  	_ =	shalt  }
0x74: {  	_ =	shalt  }
0x75: {  	_ =	shalt  }
0x76: {  	_ =	shalt  }
0x77: {  	_ =	shalt  }
0x78: {  	_ =	shalt  }
0x79: {  	_ =	shalt  }
0x7a: {  	_ =	shalt  }
0x7b: {  	_ =	shalt  }
0x7c: {  	_ =	shalt  }
0x7d: {  	_ =	shalt  }
0x7e: {  	_ =	shalt  }
0x7f: {  	_ =	shalt  }
0x80: {  	_ =	shalt  }
0x81: {  	_ =	shalt  }
0x82: {  	_ =	shalt  }
0x83: {  	_ =	shalt  }
0x84: {  	_ =	shalt  }
0x85: {  	_ =	shalt  }
0x86: {  	_ =	shalt  }
0x87: {  	_ =	shalt  }
.Lfunc_end0:
.L_simem_size_0:
called_computation_lowered:
.L_overlay_start_0:
0x88: {  	s2 =	sld [smem:$0x3FD9]  }
0x89: {  	s3 =	sld [smem:$0x3FFE];
	_ =	sdelay $0x1  }
0x8a: {  	s1 =	srdreg.scid  }
0x8b: {  	s0 =	sand.u32 $0x1, s1  }
0x8c: {  	s17 =	sshll.u32 s0, $0xA;
	s2 =	sadd.s32 s3, s2  }
0x8d: {  	s2 =	sadd.s32 s2, s17  }
0x8e: {  	[smem:$0x3FC0] =	sst s2  }
0x8f: {  	_ = 	snop  }
0x90: {  	s2 =	sld [smem:$0x3FC8]  }
0x91: {  	s18 =	sld [smem:$0x3FC7]  }
0x92: {  	s4 =	sld [smem:$0x3FD0];
	(tm) =	ssettm $0x1  }
0x93: {  	s5 =	sld [smem:$0x3FFB];
	_ =	sdelay $0x3  }
0x94: {  	_ =	strace s5  }
0x95: {  	s5 =	sld [smem:$0x3FFC];
	_ =	sdelay $0x3  }
0x96: {  	_ =	strace s5  }
0x97: {  	s5 =	sld [smem:$0x3FFD];
	_ =	sdelay $0x3  }
0x98: {  	_ =	strace s5  }
0x99: {  	_ =	strace $0x8FFFFFFF  }
0x9a: {  	s19 =	sld [smem:$0x3FDB];
	_ =	sdelay $0x1  }
0x9b: {  	s6 =	simm.s32 $_scs_section_size  }
0x9c: {  	s7 =	simm.s32 $_size__tile_overlayer_lowered;
	s8 =	simm.s32 $_tile_overlayer_lowered  }
0x9d: {  	s22 =	simm.s32 $0x1BFF;
	s21 =	sshll.u32 s8, $0x1;
	s5 =	sadd.s32 s6, s19  }
0x9e: {  	s9 =	simm.s32 $0x0;
	s20 =	sshll.u32 s7, $0x1;
	s7 =	sadd.s32 s21, s5  }
0x9f: {  	[timem:s9], [sflag:s22] =	dma.local [hbm:s7], s20  }
0xa0: {  	_ =	swait.ge [sflag:s22], s20  }
0xa1: {  	s6 =	ssub.s32 $0x0, s20;
	[sflag:s22] =	ssyncset.done $0x0  }
0xa2: {  	[sflag:s22] =	ssyncadd.s32 s6;
	_ =	sdelay $0x1  }
0xa3: {  	s23 =	simm.s32 $0x1B8B  }
0xa4: {  	_ =	swait.ge [sflag:s23], $0x1  }
0xa5: {  	[sflag:s23] =	ssyncset.done $0x0  }
0xa6: {  	s25 =	simm.s32 $0x1B8E;
	s24 =	sld [smem:$0x3FFE];
	[sflag:s23] =	ssyncadd.s32 $0xFFFFFFFF  }
0xa7: {  	s26 =	simm.s32 $execute0_lowered;
	[smem:$0x3FD2] =	sst s25  }
0xa8: {  	s7 =	sshll.u32 s26, $0x1;
	_ =	strace $0x80000046;
	[dreg:$0x1] =	wrdreg $0xFFFFFFFF  }
0xa9: {  	s28 =	simm.s32 $_size_execute0_lowered;
	s5 =	sadd.s32 s5, s7;
	[dreg:$0x0] =	wrdreg $0x0  }
0xaa: {  	s7 =	sshll.u32 s28, $0x1;
	[dreg:$0x2] =	wrdreg s5  }
0xab: {  	[dreg:$0x3] =	wrdreg s7  }
0xac: {  	[dreg:$0x4] =	wrdreg $0xC0  }
0xad: {  	_ =	task [dreg:s9], $0x5FFFF  }
0xae: {  	[dreg:$0x1] =	wrdreg $0xFFFFFFFF  }
0xaf: {  	[dreg:$0x0] =	wrdreg $0x60  }
0xb0: {  	[dreg:$0x2] =	wrdreg s2  }
0xb1: {  	[dreg:$0x3] =	wrdreg s18  }
0xb2: {  	[dreg:$0x4] =	wrdreg s4  }
0xb3: {  	[dreg:$0x5] =	wrdreg s24  }
0xb4: {  	[dreg:$0x6] =	wrdreg $0x9  }
0xb5: {  	_ =	task.clear_ibuf [dreg:s9], $0x7FFFF;
	_ =	strace $0x90000046  }
0xb6: {  	s29 =	simm.s32 $0x9;
	_ =	strace $0x80000048  }
0xb7: {  	_ =	swait.ge [sflag:s29], $0x1  }
0xb8: {  	[sflag:s29] =	ssyncadd.s32 $0xFFFFFFFF  }
0xb9: {  	_ =	strace $0x90000048  }
0xba: {  	_ =	sfence  }
0xbb: {  	s30 =	sld [smem:$0x0];
	_ =	sdelay $0x2  }
0xbc: {  	s31 =	sshll.u32 s1, $0xD;
	s1 =	sshrl.u32 s1, $0x2  }
0xbd: {  	s3 =	sand.u32 $0x4000, s31;
	s1 =	sadd.s32 s1, s30  }
0xbe: {  	s0 =	sor.u32 s3, s0;
	s1 =	sshll.u32 s1, $0x11  }
0xbf: {  	s0 =	sor.u32 s1, s0  }
0xc0: {  	s0 =	sadd.s32 $0x8F2B, s0  }
0xc1: {  	[sflag:s0] =	ssyncadd.remote.s32 $0x1  }
0xc2: {  	_ =	sfence.sel $0xFFFF  }
0xc3: {  	[dreg:$0x0] =	wrdreg $0xFFFFFFFF;
	(pc) =	sbr.abs _section_cstart, $3  }
0xc4: {  	[dreg:$0x1] =	wrdreg $0xFFFFFFFF  }
0xc5: {  	_ =	task.clear_ibuf [dreg:s9], $0x2FFFF;
	_ =	strace $0x9FFFFFFF  }
0xc6: {  	(tm) =	ssettm $0x7FFFFFFF  }
0xc7: {  	_ =	shalt  }
tec
execute0_lowered:
.L_overlay_start_1:
0x0: {  	(tag) =	ssettag $0x1  }
0x1: {  	s7 =	rddreg [dreg:$0x0]  }
0x2: {  	s9 =	rddreg [dreg:$0x1]  }
0x3: {  	s1 =	srdreg.scid;
	s2 =	rddreg [dreg:$0x2]  }
0x4: {  	s0 =	stileid.u32;
	s5 =	rddreg [dreg:$0x3];
	s3 =	simm.s32 $0x0  }
0x5: {  	s15 =	simm.s32 $0x100;
	s16 =	simm.s32 $0x2800;
	s17 =	simm.s32 $0x5000  }
0x6: {  	s18 =	simm.s32 $0x3200;
	s19 =	simm.s32 $0x5A00;
	s20 =	simm.s32 $0x1  }
0x7: {  	s21 =	simm.s32 $0x2;
	s4 =	sand.u32 $0x1, s1;
	s30 =	sshll.u32 s0, $0x1  }
0x8: {  	s22 =	simm.s32 $0x0;
	s1 =	rddreg [dreg:$0x4];
	s14 =	sor.u32 s4, s30  }
0x9: {  	[smem:$0x7FF] =	sst s3;
	s10 =	sadd.s32 $0x10, s2;
	s6 =	smul.u32 $0x500, s14  }
0xa: {  	s4 =	ssub.s32 $0x2, s4;
	_ =	strace $0x80000047;
	s8 =	smul.u32 $0xA00, s14  }
.Ltmp0:
0xb: {  	s31 =	sshrl.u32 s4, $0x1;
	p0 =	seq.s32 s14, $0x1F;
	(pc) =	sbr.rel .LBB2_1-.Ltmp0, $4  }
0xc: {  	s14 =	simm.s32 $0x80;
	s13 =	ssub.s32 s4, s31;
	s12 =	sadd.s32 s6, s5  }
0xd: {  	s4 =	sadd.s32 s7, s6;
	s5 =	sadd.s32 s9, s8;
	s7 =	sadd.s32 $0x9B00, s7  }
0xe: {  	s8 =	sadd.s32 $0x13600, s9;
	s9 =	sadd.s32 $0x13610, s9;
	s13 =	smax.u32 s13, $0x1  }
0xf: {  	s6 =	sadd.s32 $0x10, s5;
	s11 =	sadd.s32 $0xC800, s12;
	s12 =	sadd.s32 $0x2800, s12  }
.LBB2_7:
0x10: {  	v6 =	vld [tilespmem:s23+$0x2810];
	[tilespmem:s24+$0x2830] =	vst v5  }
0x11: {  	v5 =	vld [tilespmem:s23+$0x2820]  }
0x12: {  	v2 =	vmul.u32 $0x2710, v2;
	v7 =	vld [tilespmem:s23+$0x2830]  }
0x13: {  	v0 =	vmul.u32 $0x2710, v0  }
0x14: {  	v1 =	vmul.u32 $0x2710, v1;
	v2 =	vadd.s32 v4, v2  }
0x15: {  	v61 =	vmul.u32 $0x2710, v3;
	[tilespmem:s23+$0x2800] =	vst v2;
	v0 =	vadd.s32 v6, v0  }
0x16: {  	[tilespmem:s23+$0x2810] =	vst v0;
	v62 =	vadd.s32 v5, v1  }
0x17: {  	v63 =	vadd.s32 v7, v61;
	[tilespmem:s23+$0x2820] =	vst v62  }
0x18: {  	[tilespmem:s23+$0x2830] =	vst v63  }
.LBB2_8:
0x19: {  	[hbm4b:s11+s3] =	stream.linear.scatter [tilespmem:s16], [sflag:$0x2], $0x2800, $0x38;
	[tilespmem:$0x7800] =	vst v63  }
0x1a: {  	s22 =	sadd.s32 $0x1, s22;
	_ =	swait.ge [sflag:s21], $0x2800  }
0x1b: {  	p1 =	sne.s32 s22, s13;
	[sflag:s21] =	ssyncset.done $0x0  }
.Ltmp1:
0x1c: {  	[sflag:s21] =	ssyncadd.s32 $0xFFFFD800;
	(pc) =	sbr.rel @!p1 .LBB2_9-.Ltmp1, $4  }
0x1d: {  	[hbm4b:s12+s3] =	stream.linear.scatter [tilespmem:s17], [sflag:$0x2], $0x2800, $0x38;
	[tilespmem:$0x7800] =	vst v63  }
0x1e: {  	_ =	swait.ge [sflag:s21], $0x2800  }
0x1f: {  	[sflag:s21] =	ssyncset.done $0x0  }
0x20: {  	[sflag:s21] =	ssyncadd.s32 $0xFFFFD800  }
.LBB2_1:
.Ltmp2:
0x21: {  	(pc) =	sbr.rel @!p0 .LBB2_2-.Ltmp2, $2  }
0x22: {  	_ =	sdelay $0x2  }
0x23: {  	s23 =	simm.s32 $0x0  }
0x24: {  	[tilespmem:s23], [sflag:$0x1] =	stream.linear.gather [hbm4b:s7+s23], $0xA00, $0x38;
	[tilespmem:$0x7800] =	vst v63  }
0x25: {  	_ = 	snop  }
0x26: {  	[tilespmem:s16], [sflag:$0x1] =	stream.strided.gather [hbm4b:s8+s14], $0xA00, s15, s14, $0x38;
	[tilespmem:$0x7800] =	vst v63  }
0x27: {  	_ = 	snop  }
0x28: {  	[tilespmem:s17], [sflag:$0x1] =	stream.strided.gather [hbm4b:s9+s14], $0xA00, s15, s14, $0x38;
	[tilespmem:$0x7800] =	vst v63  }
0x29: {  	_ = 	snop  }
0x2a: {  	[tilespmem:s18], [sflag:$0x1] =	stream.strided.gather [hbm4b:s2+s14], $0x1E00, s15, s14, $0x38;
	[tilespmem:$0x7800] =	vst v63  }
0x2b: {  	_ = 	snop  }
0x2c: {  	[tilespmem:s19], [sflag:$0x1] =	stream.strided.gather [hbm4b:s10+s14], $0x1E00, s15, s14, $0x38;
	[tilespmem:$0x7800] =	vst v63  }
0x2d: {  	_ =	swait.ge [sflag:s20], $0xA00  }
0x2e: {  	[sflag:s20] =	ssyncset.done $0x0  }
0x2f: {  	[sflag:s20] =	ssyncadd.s32 $0xFFFFF600  }
0x30: {  	_ =	swait.ge [sflag:s20], $0xA00  }
0x31: {  	[sflag:s20] =	ssyncset.done $0x0  }
0x32: {  	[sflag:s20] =	ssyncadd.s32 $0xFFFFF600  }
0x33: {  	_ =	swait.ge [sflag:s20], $0xA00  }
0x34: {  	[sflag:s20] =	ssyncset.done $0x0  }
0x35: {  	[sflag:s20] =	ssyncadd.s32 $0xFFFFF600  }
0x36: {  	_ =	swait.ge [sflag:s20], $0x1E00  }
0x37: {  	[sflag:s20] =	ssyncset.done $0x0  }
0x38: {  	[sflag:s20] =	ssyncadd.s32 $0xFFFFE200  }
0x39: {  	_ =	swait.ge [sflag:s20], $0x1E00  }
0x3a: {  	[sflag:s20] =	ssyncset.done $0x0  }
0x3b: {  	s24 =	simm.s32 $0x0;
	[sflag:s20] =	ssyncadd.s32 $0xFFFFE200  }
0x3c: {  	v0 =	vld [tilespmem:s24+$0x0]  }
0x3d: {  	v1 =	vld [tilespmem:s24+$0x10]  }
0x3e: {  	v3 =	vld [tilespmem:s24+$0x20]  }
0x3f: {  	v4 =	vld [tilespmem:s24+$0x30]  }
0x40: {  	v5 =	vld [tilespmem:s24+$0x2800]  }
0x41: {  	v6 =	vld [tilespmem:s24+$0x2810]  }
0x42: {  	v7 =	vld [tilespmem:s24+$0x2820]  }
0x43: {  	s23 =	simm.s32 $0x40;
	v8 =	vld [tilespmem:s24+$0x2830];
	v9 =	vmul.u32 $0x2710, v0  }
0x44: {  	v2 =	vld [tilespmem:s23+$0x0]  }
0x45: {  	v0 =	vld [tilespmem:s23+$0x10];
	v10 =	vmul.u32 $0x2710, v1;
	v5 =	vadd.s32 v5, v9  }
0x46: {  	v1 =	vld [tilespmem:s23+$0x20];
	[tilespmem:s24+$0x2800] =	vst v5;
	v5 =	vmul.u32 $0x2710, v3  }
0x47: {  	v63 =	vmul.u32 $0x2710, v4;
	v6 =	vadd.s32 v6, v10  }
0x48: {  	v3 =	vld [tilespmem:s23+$0x30];
	[tilespmem:s24+$0x2810] =	vst v6;
	v5 =	vadd.s32 v7, v5  }
0x49: {  	s25 =	simm.s32 $0x200;
	v4 =	vld [tilespmem:s23+$0x2800];
	[tilespmem:s24+$0x2820] =	vst v5;
	v5 =	vadd.s32 v8, v63  }
.LBB2_6:
0x4a: {  	p1 =	sne.s32 s25, $0x2700;
	v6 =	vld [tilespmem:s23+$0x2810];
	[tilespmem:s24+$0x2830] =	vst v5;
	s24 =	smov.u32 s23  }
0x4b: {  	v5 =	vld [tilespmem:s24+$0x2820]  }
0x4c: {  	s23 =	sshra.s32 s25, $0x2;
	v7 =	vmul.u32 $0x2710, v2;
	v8 =	vld [tilespmem:s24+$0x2830]  }
.Ltmp3:
0x4d: {  	v9 =	vmul.u32 $0x2710, v0;
	v2 =	vld [tilespmem:s23+$0x0];
	(pc) =	sbr.rel @p1 .LBB2_6-.Ltmp3, $4  }
0x4e: {  	v4 =	vadd.s32 v4, v7;
	v7 =	vmul.u32 $0x2710, v1;
	v0 =	vld [tilespmem:s23+$0x10]  }
0x4f: {  	v1 =	vld [tilespmem:s23+$0x20];
	[tilespmem:s24+$0x2800] =	vst v4;
	v4 =	vadd.s32 v6, v9;
	v6 =	vmul.u32 $0x2710, v3  }
0x50: {  	v3 =	vld [tilespmem:s23+$0x30];
	[tilespmem:s24+$0x2810] =	vst v4;
	v5 =	vadd.s32 v5, v7  }
0x51: {  	s25 =	sadd.s32 $0x100, s25;
	v4 =	vld [tilespmem:s23+$0x2800];
	[tilespmem:s24+$0x2820] =	vst v5;
	v5 =	vadd.s32 v8, v6  }
.Ltmp4:
0x52: {  	_ = 	snop;
	(pc) =	sbr.rel .LBB2_7-.Ltmp4, $1  }
0x53: {  	_ =	sdelay $0x3  }
.LBB2_2:
0x54: {  	[tilespmem:s23], [sflag:$0x1] =	stream.linear.gather [hbm4b:s4+s23], $0x2800, $0x38;
	[tilespmem:$0x7800] =	vst v63  }
0x55: {  	_ = 	snop  }
0x56: {  	[tilespmem:s16], [sflag:$0x1] =	stream.strided.gather [hbm4b:s5+s14], $0x2800, s15, s14, $0x38;
	[tilespmem:$0x7800] =	vst v63  }
0x57: {  	_ = 	snop  }
0x58: {  	[tilespmem:s17], [sflag:$0x1] =	stream.strided.gather [hbm4b:s6+s14], $0x2800, s15, s14, $0x38;
	[tilespmem:$0x7800] =	vst v63  }
0x59: {  	_ =	swait.ge [sflag:s20], $0x2800  }
0x5a: {  	[sflag:s20] =	ssyncset.done $0x0  }
0x5b: {  	[sflag:s20] =	ssyncadd.s32 $0xFFFFD800  }
0x5c: {  	_ =	swait.ge [sflag:s20], $0x2800  }
0x5d: {  	[sflag:s20] =	ssyncset.done $0x0  }
0x5e: {  	[sflag:s20] =	ssyncadd.s32 $0xFFFFD800  }
0x5f: {  	_ =	swait.ge [sflag:s20], $0x2800  }
0x60: {  	[sflag:s20] =	ssyncset.done $0x0  }
0x61: {  	s24 =	simm.s32 $0x0;
	[sflag:s20] =	ssyncadd.s32 $0xFFFFD800  }
0x62: {  	v0 =	vld [tilespmem:s24+$0x0]  }
0x63: {  	v1 =	vld [tilespmem:s24+$0x10]  }
0x64: {  	v3 =	vld [tilespmem:s24+$0x20]  }
0x65: {  	v4 =	vld [tilespmem:s24+$0x30]  }
0x66: {  	v5 =	vld [tilespmem:s24+$0x2800]  }
0x67: {  	v6 =	vld [tilespmem:s24+$0x2810]  }
0x68: {  	v7 =	vld [tilespmem:s24+$0x2820]  }
0x69: {  	s23 =	simm.s32 $0x40;
	v8 =	vld [tilespmem:s24+$0x2830];
	v9 =	vmul.u32 $0x2710, v0  }
0x6a: {  	v2 =	vld [tilespmem:s23+$0x0]  }
0x6b: {  	v0 =	vld [tilespmem:s23+$0x10];
	v10 =	vmul.u32 $0x2710, v1;
	v5 =	vadd.s32 v5, v9  }
0x6c: {  	v1 =	vld [tilespmem:s23+$0x20];
	[tilespmem:s24+$0x2800] =	vst v5;
	v5 =	vmul.u32 $0x2710, v3  }
0x6d: {  	v63 =	vmul.u32 $0x2710, v4;
	v6 =	vadd.s32 v6, v10  }
0x6e: {  	v3 =	vld [tilespmem:s23+$0x30];
	[tilespmem:s24+$0x2810] =	vst v6;
	v5 =	vadd.s32 v7, v5  }
0x6f: {  	s25 =	simm.s32 $0x200;
	v4 =	vld [tilespmem:s23+$0x2800];
	[tilespmem:s24+$0x2820] =	vst v5;
	v5 =	vadd.s32 v8, v63  }
.LBB2_3:
0x70: {  	p1 =	seq.s32 s25, $0x9F00;
	v6 =	vld [tilespmem:s23+$0x2810];
	[tilespmem:s24+$0x2830] =	vst v5;
	s24 =	smov.u32 s23  }
0x71: {  	v5 =	vld [tilespmem:s24+$0x2820]  }
0x72: {  	s23 =	sshra.s32 s25, $0x2;
	v7 =	vmul.u32 $0x2710, v2;
	v8 =	vld [tilespmem:s24+$0x2830]  }
.Ltmp5:
0x73: {  	v9 =	vmul.u32 $0x2710, v0;
	v2 =	vld [tilespmem:s23+$0x0];
	(pc) =	sbr.rel @!p1 .LBB2_3-.Ltmp5, $4  }
0x74: {  	v0 =	vld [tilespmem:s23+$0x10];
	v4 =	vadd.s32 v4, v7;
	v7 =	vmul.u32 $0x2710, v1  }
0x75: {  	v1 =	vld [tilespmem:s23+$0x20];
	[tilespmem:s24+$0x2800] =	vst v4;
	v4 =	vadd.s32 v6, v9;
	v6 =	vmul.u32 $0x2710, v3  }
0x76: {  	v3 =	vld [tilespmem:s23+$0x30];
	[tilespmem:s24+$0x2810] =	vst v4;
	v5 =	vadd.s32 v5, v7  }
0x77: {  	s25 =	sadd.s32 $0x100, s25;
	v4 =	vld [tilespmem:s23+$0x2800];
	[tilespmem:s24+$0x2820] =	vst v5;
	v5 =	vadd.s32 v8, v6  }
0x78: {  	v6 =	vld [tilespmem:s23+$0x2810];
	[tilespmem:s24+$0x2830] =	vst v5  }
0x79: {  	v5 =	vld [tilespmem:s23+$0x2820]  }
0x7a: {  	v2 =	vmul.u32 $0x2710, v2;
	v7 =	vld [tilespmem:s23+$0x2830]  }
0x7b: {  	v0 =	vmul.u32 $0x2710, v0  }
.Ltmp6:
0x7c: {  	v1 =	vmul.u32 $0x2710, v1;
	v2 =	vadd.s32 v4, v2;
	(pc) =	sbr.rel .LBB2_8-.Ltmp6, $4  }
0x7d: {  	v61 =	vmul.u32 $0x2710, v3;
	[tilespmem:s23+$0x2800] =	vst v2;
	v0 =	vadd.s32 v6, v0  }
0x7e: {  	[tilespmem:s23+$0x2810] =	vst v0;
	v62 =	vadd.s32 v5, v1  }
0x7f: {  	v63 =	vadd.s32 v7, v61;
	[tilespmem:s23+$0x2820] =	vst v62  }
0x80: {  	[tilespmem:s23+$0x2830] =	vst v63  }
.LBB2_9:
0x81: {  	_ =	sfence.sel $0x180000  }
0x82: {  	[bflag:$0x0] =	sbarrier.arrive $0xFFFF  }
0x83: {  	p0 =	sne.s32 s0, $0x0;
	_ =	strace $0x90000047  }
0x84: {  	s0 =	sadd.s32 @!p0 $0x100000, s1;
	[bflag:$0x2] =	sbarrier.arrive $0xFFFF  }
0x85: {  	[sflag:s0] =	ssyncadd.tile.s32 @!p0 $0x1;
	_ =	shalt  }
.Lfunc_end2:
_tile_overlayer_lowered:
.L_overlay_start_2:
0x86: {  	(tag) =	ssettag $0x2  }
0x87: {  	s0 =	rddreg [dreg:$0x0];
	s2 =	stileid.u32  }
0x88: {  	s1 =	rddreg [dreg:$0x1];
	p0 =	sne.s32 s2, $0x0  }
0x89: {  	s3 =	rddreg [dreg:$0x2];
	[bflag:$0x3] =	sbarrier.arrive $0xFFFF;
	s2 =	simm.s32 @!p0 $0x1C02  }
0x8a: {  	[timem:s3], [sflag:s2] =	dma.local @!p0 [hbm:s0], s1  }
0x8b: {  	s0 =	simm.s32 @!p0 $0x2  }
0x8c: {  	_ =	swait.ge @!p0 [sflag:s0], s1  }
0x8d: {  	s1 =	ssub.s32 @!p0 $0x0, s1;
	[sflag:s0] =	ssyncset.done @!p0 $0x0  }
0x8e: {  	[sflag:s0] =	ssyncadd.s32 @!p0 s1  }
0x8f: {  	[bflag:$0x3] =	sbarrier.arrive $0xFFFF  }
0x90: {  	_ =	shalt  }

</sc_bundles>
